<compile_context>
chip_gen: v7x
topology: tpu7x:2x2x1
jax: 0.10.2.dev20260603
libtpu: 0.0.44.dev20260713+nightly
codegen_flags: <defaults>
</compile_context>

<pallas_src>
import functools

import jax
import jax.numpy as jnp
from jax import lax
from jax.experimental import pallas as pl
from jax.experimental.pallas import tpu as pltpu
from jax.experimental.pallas import tpu_sc as plsc

N_USER = 10000
N_ITEM = 50000
E = 320000
D = 128
H = D // 2
B = 4096

NC = 2
NS = 16
NW = NC * NS
EPT = E // NS
K = 400
STRIPE = 624
STRIPE_LAST = N_USER - (NS - 1) * STRIPE
GPT = B // NW

_MESH = dict(core_axis_name="c", subcore_axis_name="s")


def _zero_stripe(zf, sh_S, s):
    @pl.when(s < NS - 1)
    def _():
        pltpu.sync_copy(zf.at[pl.ds(0, STRIPE)],
                        sh_S.at[pl.ds(s * STRIPE, STRIPE)])

    @pl.when(s == NS - 1)
    def _():
        pltpu.sync_copy(zf, sh_S.at[pl.ds((NS - 1) * STRIPE, STRIPE_LAST)])


def _write_stripes(sh_S, S_out, s, co):
    @pl.when(s < NS - 1)
    def _():
        pltpu.sync_copy(sh_S.at[pl.ds(s * STRIPE, STRIPE)],
                        S_out.at[pl.ds(s * STRIPE, STRIPE), pl.ds(co, H)])

    @pl.when(s == NS - 1)
    def _():
        pltpu.sync_copy(
            sh_S.at[pl.ds((NS - 1) * STRIPE, STRIPE_LAST)],
            S_out.at[pl.ds((NS - 1) * STRIPE, STRIPE_LAST), pl.ds(co, H)])


def _fill_ones(ones_ref):
    def body(i, _):
        ones_ref[pl.ds(i * 16, 16)] = jnp.ones((16,), jnp.float32)
        return 0
    lax.fori_loop(0, K // 16, body, 0)


NCH = EPT // K


def _edge_pipeline(h, src, dst, s, c, sh_S,
                   sem_g, sem_s, sem_si, sem_di,
                   si0, di0, rows0, si1, di1, rows1,
                   ones=None, sh_deg=None, sem_o=None):
    base_e = s * EPT

    def li_start(i, sidx):
        pltpu.async_copy(src.at[pl.ds(base_e + i * K, K)], sidx, sem_si)

    def li_wait(sidx):
        pltpu.make_async_copy(src.at[pl.ds(base_e, K)], sidx, sem_si).wait()

    def ld_start(i, didx):
        pltpu.async_copy(dst.at[pl.ds(base_e + i * K, K)], didx, sem_di)

    def ld_wait(didx):
        pltpu.make_async_copy(dst.at[pl.ds(base_e, K)], didx, sem_di).wait()

    def deg_start(didx, core):
        if sh_deg is not None:
            @pl.when(c == core)
            def _():
                pltpu.async_copy(ones, sh_deg.at[didx], sem_o, add=True)

    def deg_wait(didx, core):
        if sh_deg is not None:
            @pl.when(c == core)
            def _():
                pltpu.make_async_copy(ones, sh_deg.at[didx], sem_o).wait()

    li_start(0, si0)
    ld_start(0, di0)
    li_wait(si0)
    pltpu.async_copy(h.at[si0], rows0, sem_g)
    li_start(1, si1)

    NJ = NCH // 2

    def pair(j, _):
        pltpu.make_async_copy(h.at[si0], rows0, sem_g).wait()
        ld_wait(di0)
        pltpu.async_copy(rows0, sh_S.at[di0], sem_s, add=True)
        deg_start(di0, 0)

        @pl.when(j > 0)
        def _():
            pltpu.make_async_copy(rows1, sh_S.at[di1], sem_s).wait()
            deg_wait(di1, 1)

        ld_start(2 * j + 1, di1)
        li_wait(si1)
        pltpu.async_copy(h.at[si1], rows1, sem_g)

        @pl.when(j < NJ - 1)
        def _():
            li_start(2 * j + 2, si0)

        pltpu.make_async_copy(h.at[si1], rows1, sem_g).wait()
        ld_wait(di1)
        pltpu.async_copy(rows1, sh_S.at[di1], sem_s, add=True)
        deg_start(di1, 1)

        pltpu.make_async_copy(rows0, sh_S.at[di0], sem_s).wait()
        deg_wait(di0, 0)

        @pl.when(j < NJ - 1)
        def _():
            ld_start(2 * j + 2, di0)
            li_wait(si0)
            pltpu.async_copy(h.at[si0], rows0, sem_g)
            li_start(2 * j + 3, si1)

        return 0

    lax.fori_loop(0, NJ, pair, 0)
    pltpu.make_async_copy(rows1, sh_S.at[di1], sem_s).wait()
    deg_wait(di1, 1)


def _gather_rows(table, idx_hbm, out_hbm, gidx, grows, sem, wid):
    gb = wid * GPT
    pltpu.sync_copy(idx_hbm.at[pl.ds(gb, GPT)], gidx)
    pltpu.async_copy(table.at[gidx], grows, sem).wait()
    pltpu.sync_copy(grows, out_hbm.at[pl.ds(gb, GPT)])


_EDGE_SCRATCH = [
    pltpu.VMEM((K,), jnp.int32),
    pltpu.VMEM((K,), jnp.int32),
    pltpu.VMEM((K, H), jnp.float32),
    pltpu.VMEM((K,), jnp.int32),
    pltpu.VMEM((K,), jnp.int32),
    pltpu.VMEM((K, H), jnp.float32),
    pltpu.SemaphoreType.DMA,
    pltpu.SemaphoreType.DMA,
    pltpu.SemaphoreType.DMA,
    pltpu.SemaphoreType.DMA,
]


@functools.partial(
    pl.kernel,
    out_type=(
        jax.ShapeDtypeStruct((N_USER, D), jnp.float32),
        jax.ShapeDtypeStruct((NC * N_USER,), jnp.float32),
    ),
    mesh=plsc.VectorSubcoreMesh(**_MESH),
    compiler_params=pltpu.CompilerParams(use_tc_tiling_on_sc=False),
    scratch_types=_EDGE_SCRATCH + [
        pltpu.VMEM((K,), jnp.float32),
        pltpu.VMEM((N_USER,), jnp.float32),
        pltpu.VMEM_SHARED((N_USER, H), jnp.float32),
        pltpu.VMEM_SHARED((N_USER,), jnp.float32),
        pltpu.SemaphoreType.DMA,
    ],
)
def _sc_layer1(hL, hR, src, dst, zf,
               S_out, deg_out,
               si0, di0, rows0, si1, di1, rows1,
               sem_g, sem_s, sem_si, sem_di,
               ones, deg_v, sh_S, sh_deg, sem_o):
    c = lax.axis_index("c")
    s = lax.axis_index("s")
    co = c * H

    _zero_stripe(zf, sh_S, s)

    @pl.when(s == 0)
    def _():
        def zbody(i, _):
            deg_v[pl.ds(i * 16, 16)] = jnp.zeros((16,), jnp.float32)
            return 0
        lax.fori_loop(0, N_USER // 16, zbody, 0)
        pltpu.sync_copy(deg_v, sh_deg)

    _fill_ones(ones)
    plsc.subcore_barrier()

    @pl.when(c == 0)
    def _():
        _edge_pipeline(hL, src, dst, s, c, sh_S,
                       sem_g, sem_s, sem_si, sem_di,
                       si0, di0, rows0, si1, di1, rows1,
                       ones=ones, sh_deg=sh_deg, sem_o=sem_o)

    @pl.when(c == 1)
    def _():
        _edge_pipeline(hR, src, dst, s, c, sh_S,
                       sem_g, sem_s, sem_si, sem_di,
                       si0, di0, rows0, si1, di1, rows1,
                       ones=ones, sh_deg=sh_deg, sem_o=sem_o)

    plsc.subcore_barrier()
    _write_stripes(sh_S, S_out, s, co)

    @pl.when(s == 0)
    def _():
        pltpu.sync_copy(sh_deg, deg_v)
        pltpu.sync_copy(deg_v, deg_out.at[pl.ds(c * N_USER, N_USER)])


@functools.partial(
    pl.kernel,
    out_type=(
        jax.ShapeDtypeStruct((N_USER, D), jnp.float32),
        jax.ShapeDtypeStruct((B, D), jnp.float32),
    ),
    mesh=plsc.VectorSubcoreMesh(**_MESH),
    compiler_params=pltpu.CompilerParams(use_tc_tiling_on_sc=False),
    scratch_types=_EDGE_SCRATCH + [
        pltpu.VMEM((GPT,), jnp.int32),
        pltpu.VMEM((GPT, D), jnp.float32),
        pltpu.VMEM_SHARED((N_USER, H), jnp.float32),
        pltpu.SemaphoreType.DMA,
    ],
)
def _sc_layer2(h_full, hL, hR, src, dst, users, zf,
               S_out, gu,
               si0, di0, rows0, si1, di1, rows1,
               sem_g, sem_s, sem_si, sem_di,
               gidx, grows, sh_S, sem_u):
    c = lax.axis_index("c")
    s = lax.axis_index("s")
    co = c * H
    wid = c * NS + s

    _zero_stripe(zf, sh_S, s)
    plsc.subcore_barrier()

    @pl.when(c == 0)
    def _():
        _edge_pipeline(hL, src, dst, s, c, sh_S,
                       sem_g, sem_s, sem_si, sem_di,
                       si0, di0, rows0, si1, di1, rows1)

    @pl.when(c == 1)
    def _():
        _edge_pipeline(hR, src, dst, s, c, sh_S,
                       sem_g, sem_s, sem_si, sem_di,
                       si0, di0, rows0, si1, di1, rows1)

    _gather_rows(h_full, users, gu, gidx, grows, sem_u, wid)

    plsc.subcore_barrier()
    _write_stripes(sh_S, S_out, s, co)


@functools.partial(
    pl.kernel,
    out_type=jax.ShapeDtypeStruct((B, D), jnp.float32),
    mesh=plsc.VectorSubcoreMesh(**_MESH),
    scratch_types=[
        pltpu.VMEM((GPT,), jnp.int32),
        pltpu.VMEM((GPT, D), jnp.float32),
        pltpu.SemaphoreType.DMA,
    ],
)
def _sc_gather(table, idx, out, gidx, grows, sem):
    c = lax.axis_index("c")
    s = lax.axis_index("s")
    wid = c * NS + s
    _gather_rows(table, idx, out, gidx, grows, sem, wid)


@functools.partial(
    pl.kernel,
    out_type=(
        jax.ShapeDtypeStruct((B, D), jnp.float32),
        jax.ShapeDtypeStruct((B, D), jnp.float32),
        jax.ShapeDtypeStruct((B, D), jnp.float32),
    ),
    mesh=plsc.VectorSubcoreMesh(**_MESH),
    scratch_types=[
        pltpu.VMEM((GPT,), jnp.int32),
        pltpu.VMEM((GPT, D), jnp.float32),
        pltpu.SemaphoreType.DMA,
    ],
)
def _sc_gather3(fuser, fitem, users, pos, neg, gu, gp, gn, gidx, grows, sem):
    c = lax.axis_index("c")
    s = lax.axis_index("s")
    wid = c * NS + s
    _gather_rows(fuser, users, gu, gidx, grows, sem, wid)
    _gather_rows(fitem, pos, gp, gidx, grows, sem, wid)
    _gather_rows(fitem, neg, gn, gidx, grows, sem, wid)


def _leaky_l2(z):
    z = jnp.where(z >= 0, z, 0.2 * z)
    n2 = jnp.sum(z * z, axis=1, keepdims=True)
    return z * lax.rsqrt(jnp.maximum(n2, 1e-24))


def _sage_z(h_ref, S_ref, deg_ref, Ws_ref, Wn_ref, b_ref):
    deg = jnp.sum(deg_ref[...], axis=1, keepdims=True)
    inv = 1.0 / jnp.maximum(deg, 1.0)
    z = (jnp.dot(h_ref[...], Ws_ref[...], preferred_element_type=jnp.float32)
         + jnp.dot(S_ref[...] * inv, Wn_ref[...],
                   preferred_element_type=jnp.float32)
         + b_ref[...])
    return _leaky_l2(z)


def _sage_body3(h_ref, S_ref, deg_ref, Ws_ref, Wn_ref, b_ref,
                o_ref, oL_ref, oR_ref):
    z = _sage_z(h_ref, S_ref, deg_ref, Ws_ref, Wn_ref, b_ref)
    o_ref[...] = z
    oL_ref[...] = z[:, :H]
    oR_ref[...] = z[:, H:]


def _sage_body1(h_ref, S_ref, deg_ref, Ws_ref, Wn_ref, b_ref, o_ref):
    o_ref[...] = _sage_z(h_ref, S_ref, deg_ref, Ws_ref, Wn_ref, b_ref)


_SAGE_RB = 2000

_SAGE_IN_SPECS = [
    pl.BlockSpec((_SAGE_RB, D), lambda i: (i, 0)),
    pl.BlockSpec((_SAGE_RB, D), lambda i: (i, 0)),
    pl.BlockSpec((_SAGE_RB, NC), lambda i: (i, 0)),
    pl.BlockSpec((D, D), lambda i: (0, 0)),
    pl.BlockSpec((D, D), lambda i: (0, 0)),
    pl.BlockSpec((1, D), lambda i: (0, 0)),
]


def _sage_tc(h, S, deg2, Ws, Wn, b2, with_halves):
    if with_halves:
        return pl.pallas_call(
            _sage_body3,
            grid=(N_USER // _SAGE_RB,),
            in_specs=_SAGE_IN_SPECS,
            out_specs=[
                pl.BlockSpec((_SAGE_RB, D), lambda i: (i, 0)),
                pl.BlockSpec((_SAGE_RB, H), lambda i: (i, 0)),
                pl.BlockSpec((_SAGE_RB, H), lambda i: (i, 0)),
            ],
            out_shape=[
                jax.ShapeDtypeStruct((N_USER, D), jnp.float32),
                jax.ShapeDtypeStruct((N_USER, H), jnp.float32),
                jax.ShapeDtypeStruct((N_USER, H), jnp.float32),
            ],
        )(h, S, deg2, Ws, Wn, b2)
    return pl.pallas_call(
        _sage_body1,
        grid=(N_USER // _SAGE_RB,),
        in_specs=_SAGE_IN_SPECS,
        out_specs=pl.BlockSpec((_SAGE_RB, D), lambda i: (i, 0)),
        out_shape=jax.ShapeDtypeStruct((N_USER, D), jnp.float32),
    )(h, S, deg2, Ws, Wn, b2)


def _item_body(x_ref, W0_ref, b0_ref, W1_ref, b1_ref, o_ref):
    x0 = x_ref[...]
    x1 = _leaky_l2(jnp.dot(x0, W0_ref[...],
                           preferred_element_type=jnp.float32) + b0_ref[...])
    x2 = _leaky_l2(jnp.dot(x1, W1_ref[...],
                           preferred_element_type=jnp.float32) + b1_ref[...])
    o_ref[:, 0:D] = x0
    o_ref[:, D:2 * D] = x1
    o_ref[:, 2 * D:3 * D] = x2


_ITEM_RB = 1024


def _item_tc(x0, W0, b0, W1, b1):
    return pl.pallas_call(
        _item_body,
        grid=(B // _ITEM_RB,),
        in_specs=[
            pl.BlockSpec((_ITEM_RB, D), lambda i: (i, 0)),
            pl.BlockSpec((D, D), lambda i: (0, 0)),
            pl.BlockSpec((1, D), lambda i: (0, 0)),
            pl.BlockSpec((D, D), lambda i: (0, 0)),
            pl.BlockSpec((1, D), lambda i: (0, 0)),
        ],
        out_specs=pl.BlockSpec((_ITEM_RB, 3 * D), lambda i: (i, 0)),
        out_shape=jax.ShapeDtypeStruct((B, 3 * D), jnp.float32),
    )(x0, W0, b0, W1, b1)


def kernel(users, pos_items, neg_items, edge_index, feat_user, feat_item,
           W_self_0, W_neigh_0, b_0, W_self_1, W_neigh_1, b_1,
           Wi_0, bi_0, Wi_1, bi_1):
    src = edge_index[0].astype(jnp.int32)
    dst = edge_index[1].astype(jnp.int32)
    users = users.astype(jnp.int32)
    pos_items = pos_items.astype(jnp.int32)
    neg_items = neg_items.astype(jnp.int32)

    zf = jnp.zeros((STRIPE_LAST, H), jnp.float32)

    S0, deg = _sc_layer1(feat_user[:, :H], feat_user[:, H:], src, dst, zf)
    gu0, gp0, gn0 = _sc_gather3(feat_user, feat_item, users, pos_items,
                                neg_items)
    deg2 = deg.reshape(NC, N_USER).T

    h1, h1L, h1R = _sage_tc(feat_user, S0, deg2,
                            W_self_0, W_neigh_0, b_0.reshape(1, D), True)
    S1, gu1 = _sc_layer2(h1, h1L, h1R, src, dst, users, zf)
    h2 = _sage_tc(h1, S1, deg2, W_self_1, W_neigh_1, b_1.reshape(1, D), False)
    gu2 = _sc_gather(h2, users)

    pos_i_g = _item_tc(gp0, Wi_0, bi_0.reshape(1, D), Wi_1, bi_1.reshape(1, D))
    neg_i_g = _item_tc(gn0, Wi_0, bi_0.reshape(1, D), Wi_1, bi_1.reshape(1, D))

    u_g = jnp.concatenate([gu0, gu1, gu2], axis=1)
    return (u_g, pos_i_g, neg_i_g)

# --- scband reference (transcript-rebuilt; emitter-appended) ---
"""Pipeline reference for scband-two-side-graph-model-71717363909302 (READ-ONLY COPY).

The authoritative reference and input builder live on the scoring server;
editing this copy changes nothing except your own understanding.
"""

import jax, jax.numpy as jnp
import numpy as np

N_USER = 10000
N_ITEM = 50000
E = 320000
D = 128
B = 4096


def setup_inputs(seed: int = 0) -> dict:
    key = jax.random.key(seed)
    ks = jax.random.split(key, 20)
    scale = 1.0 / np.sqrt(D)
    inp = {}
    inp['users'] = jax.random.randint(ks[0], (B,), 0, N_USER)
    inp['pos_items'] = jax.random.randint(ks[1], (B,), 0, N_ITEM)
    inp['neg_items'] = jax.random.randint(ks[2], (B,), 0, N_ITEM)
    inp['edge_index'] = jax.random.randint(ks[3], (2, E), 0, N_USER)
    inp['feat_user'] = jax.random.normal(ks[4], (N_USER, D), dtype=jnp.float32) * 0.1
    inp['feat_item'] = jax.random.normal(ks[5], (N_ITEM, D), dtype=jnp.float32) * 0.1
    inp['W_self_0'] = jax.random.normal(ks[6], (D, D), dtype=jnp.float32) * scale
    inp['W_neigh_0'] = jax.random.normal(ks[7], (D, D), dtype=jnp.float32) * scale
    inp['b_0'] = jnp.zeros((D,), dtype=jnp.float32)
    inp['W_self_1'] = jax.random.normal(ks[8], (D, D), dtype=jnp.float32) * scale
    inp['W_neigh_1'] = jax.random.normal(ks[9], (D, D), dtype=jnp.float32) * scale
    inp['b_1'] = jnp.zeros((D,), dtype=jnp.float32)
    inp['Wi_0'] = jax.random.normal(ks[10], (D, D), dtype=jnp.float32) * scale
    inp['bi_0'] = jnp.zeros((D,), dtype=jnp.float32)
    inp['Wi_1'] = jax.random.normal(ks[11], (D, D), dtype=jnp.float32) * scale
    inp['bi_1'] = jnp.zeros((D,), dtype=jnp.float32)
    return inp


def _leaky(x):
    return jnp.where(x >= 0, x, 0.2 * x)


def _l2norm(x):
    return x / jnp.clip(jnp.linalg.norm(x, axis=1, keepdims=True), 1e-12)


def _sage_mean(h, src, dst, W_self, W_neigh, b, n):
    # DGL SAGEConv 'mean': mean over in-neighbors (messages src -> dst)
    msg = jnp.take(h, src, axis=0)
    summed = jax.ops.segment_sum(msg, dst, num_segments=n)
    deg = jax.ops.segment_sum(jnp.ones((src.shape[0],), dtype=h.dtype), dst, num_segments=n)
    h_neigh = summed / jnp.clip(deg, 1.0)[:, None]
    return h @ W_self + h_neigh @ W_neigh + b


def reference(users, pos_items, neg_items, edge_index, feat_user, feat_item,
              W_self_0, W_neigh_0, b_0, W_self_1, W_neigh_1, b_1,
              Wi_0, bi_0, Wi_1, bi_1):
    src, dst = edge_index[0], edge_index[1]
    n_user = feat_user.shape[0]
    # user tower: 2 SAGEConv layers with LeakyReLU(0.2) activation, (eval-mode) dropout, L2 norm
    h_u = feat_user
    user_embeds = [h_u]
    for (Ws, Wn, b) in ((W_self_0, W_neigh_0, b_0), (W_self_1, W_neigh_1, b_1)):
        h_u = _leaky(_sage_mean(h_u, src, dst, Ws, Wn, b, n_user))
        h_u = _l2norm(h_u)
        user_embeds.append(h_u)
    # item tower: 2 Linear layers + LeakyReLU(0.2) + L2 norm
    h_i = feat_item
    item_embeds = [h_i]
    for (W, b) in ((Wi_0, bi_0), (Wi_1, bi_1)):
        h_i = _leaky(h_i @ W + b)
        h_i = _l2norm(h_i)
        item_embeds.append(h_i)
    user_embd = jnp.concatenate(user_embeds, axis=1)
    item_embd = jnp.concatenate(item_embeds, axis=1)
    u_g = jnp.take(user_embd, users, axis=0)
    pos_i_g = jnp.take(item_embd, pos_items, axis=0)
    neg_i_g = jnp.take(item_embd, neg_items, axis=0)
    return (u_g, pos_i_g, neg_i_g)

if __name__ == "__main__":
    import jax
    _d = setup_inputs()
    print(jax.jit(kernel)(*tuple(_d.values())))

</pallas_src>

<mosaic_0001>
#map = affine_map<(d0, d1) -> (0, 0)>
#map1 = affine_map<(d0, d1) -> (0)>
module attributes {stable_mosaic.version = 14 : i64} {
  func.func @_sc_gather(%arg0: i32, %arg1: i32, %arg2: memref<10000x128xf32, #tpu.memory_space<hbm>>, %arg3: memref<4096xi32, #tpu.memory_space<hbm>>, %arg4: memref<4096x128xf32, #tpu.memory_space<hbm>>, %arg5: memref<128xi32, #tpu.memory_space<vmem>>, %arg6: memref<128x128xf32, #tpu.memory_space<vmem>>, %arg7: memref<!tpu.dma_semaphore, #tpu.memory_space<semaphore_mem>>) attributes {dimension_semantics = [#tpu.dimension_semantics<core_parallel>, #tpu.dimension_semantics<subcore_parallel>], iteration_bounds = array<i64: 2, 16>, scalar_prefetch = 0 : i64, scratch_operands = 3 : i64, tpu.core_type = #tpu.core_type<sc_vector_subcore>, window_params = [{transform_indices = #map}, {transform_indices = #map1}, {transform_indices = #map}]} {
    %mul3A = arith.constant 16 : i32
    %mul3A_0 = arith.muli %arg0, %mul3A : i32
    %add3A = arith.addi %mul3A_0, %arg1 : i32
    %mul3A_1 = arith.constant 128 : i32
    %mul3A_2 = arith.muli %add3A, %mul3A_1 : i32
    "tpu.region"() ({
      %run_scoped3A = tpu.sem_alloc : memref<!tpu.dma_semaphore, #tpu.memory_space<semaphore_mem>>
      %dma_start3A_7 = tpu.memref_slice %arg3[%mul3A_2] : memref<4096xi32, #tpu.memory_space<hbm>> -> memref<128xi32, #tpu.memory_space<hbm>>
      %dma_start3A_8 = tpu.memref_slice %arg3[%mul3A_2] : memref<4096xi32, #tpu.memory_space<hbm>> -> memref<128xi32, #tpu.memory_space<hbm>>
      tpu.enqueue_dma source(%dma_start3A_8 : memref<128xi32, #tpu.memory_space<hbm>>) target(%arg5 : memref<128xi32, #tpu.memory_space<vmem>>) target_semaphore(%run_scoped3A : memref<!tpu.dma_semaphore, #tpu.memory_space<semaphore_mem>>)
      %dma_wait3A_9 = tpu.memref_slice %arg3[%mul3A_2] : memref<4096xi32, #tpu.memory_space<hbm>> -> memref<128xi32, #tpu.memory_space<hbm>>
      %dma_wait3A_10 = tpu.memref_slice %arg3[%mul3A_2] : memref<4096xi32, #tpu.memory_space<hbm>> -> memref<128xi32, #tpu.memory_space<hbm>>
      tpu.wait_dma2 semaphore(%run_scoped3A : memref<!tpu.dma_semaphore, #tpu.memory_space<semaphore_mem>>) src(%dma_wait3A_10 : memref<128xi32, #tpu.memory_space<hbm>>) dst(%arg5 : memref<128xi32, #tpu.memory_space<vmem>>)
      tpu.yield
    }) : () -> ()
    %dma_start3A = arith.constant 0 : i32
    %dma_start3A_3 = arith.constant 0 : i32
    %dma_start3A_4 = tpu.memref_slice %arg2[%dma_start3A, %dma_start3A_3] : memref<10000x128xf32, #tpu.memory_space<hbm>> -> memref<10000x128xf32, #tpu.memory_space<hbm>>
    tpu.enqueue_indirect_dma source(%dma_start3A_4 : memref<10000x128xf32, #tpu.memory_space<hbm>>) target(%arg6 : memref<128x128xf32, #tpu.memory_space<vmem>>) offsets(%arg5 : memref<128xi32, #tpu.memory_space<vmem>>) semaphore(%arg7 : memref<!tpu.dma_semaphore, #tpu.memory_space<semaphore_mem>>)
    %dma_wait3A = arith.constant 0 : i32
    %dma_wait3A_5 = arith.constant 0 : i32
    %dma_wait3A_6 = tpu.memref_slice %arg2[%dma_wait3A, %dma_wait3A_5] : memref<10000x128xf32, #tpu.memory_space<hbm>> -> memref<10000x128xf32, #tpu.memory_space<hbm>>
    tpu.wait_indirect_dma semaphore(%arg7 : memref<!tpu.dma_semaphore, #tpu.memory_space<semaphore_mem>>) src(%dma_wait3A_6 : memref<10000x128xf32, #tpu.memory_space<hbm>>) dst(%arg6 : memref<128x128xf32, #tpu.memory_space<vmem>>)
    "tpu.region"() ({
      %run_scoped3A = tpu.sem_alloc : memref<!tpu.dma_semaphore, #tpu.memory_space<semaphore_mem>>
      %dma_start3A_7 = arith.constant 0 : i32
      %dma_start3A_8 = tpu.memref_slice %arg4[%mul3A_2, %dma_start3A_7] : memref<4096x128xf32, #tpu.memory_space<hbm>> -> memref<128x128xf32, #tpu.memory_space<hbm>>
      %dma_start3A_9 = arith.constant 0 : i32
      %dma_start3A_10 = tpu.memref_slice %arg4[%mul3A_2, %dma_start3A_9] : memref<4096x128xf32, #tpu.memory_space<hbm>> -> memref<128x128xf32, #tpu.memory_space<hbm>>
      tpu.enqueue_dma source(%arg6 : memref<128x128xf32, #tpu.memory_space<vmem>>) target(%dma_start3A_10 : memref<128x128xf32, #tpu.memory_space<hbm>>) target_semaphore(%run_scoped3A : memref<!tpu.dma_semaphore, #tpu.memory_space<semaphore_mem>>)
      %dma_wait3A_11 = arith.constant 0 : i32
      %dma_wait3A_12 = tpu.memref_slice %arg4[%mul3A_2, %dma_wait3A_11] : memref<4096x128xf32, #tpu.memory_space<hbm>> -> memref<128x128xf32, #tpu.memory_space<hbm>>
      %dma_wait3A_13 = arith.constant 0 : i32
      %dma_wait3A_14 = tpu.memref_slice %arg4[%mul3A_2, %dma_wait3A_13] : memref<4096x128xf32, #tpu.memory_space<hbm>> -> memref<128x128xf32, #tpu.memory_space<hbm>>
      tpu.wait_dma2 semaphore(%run_scoped3A : memref<!tpu.dma_semaphore, #tpu.memory_space<semaphore_mem>>) src(%arg6 : memref<128x128xf32, #tpu.memory_space<vmem>>) dst(%dma_wait3A_14 : memref<128x128xf32, #tpu.memory_space<hbm>>)
      tpu.yield
    }) : () -> ()
    return
  }
}

#map = affine_map<(d0, d1) -> (0, 0)>
#map1 = affine_map<(d0, d1) -> (0)>
module attributes {stable_mosaic.version = 14 : i64} {
  func.func @_sc_gather3(%arg0: i32, %arg1: i32, %arg2: memref<10000x128xf32, #tpu.memory_space<hbm>>, %arg3: memref<50000x128xf32, #tpu.memory_space<hbm>>, %arg4: memref<4096xi32, #tpu.memory_space<hbm>>, %arg5: memref<4096xi32, #tpu.memory_space<hbm>>, %arg6: memref<4096xi32, #tpu.memory_space<hbm>>, %arg7: memref<4096x128xf32, #tpu.memory_space<hbm>>, %arg8: memref<4096x128xf32, #tpu.memory_space<hbm>>, %arg9: memref<4096x128xf32, #tpu.memory_space<hbm>>, %arg10: memref<128xi32, #tpu.memory_space<vmem>>, %arg11: memref<128x128xf32, #tpu.memory_space<vmem>>, %arg12: memref<!tpu.dma_semaphore, #tpu.memory_space<semaphore_mem>>) attributes {dimension_semantics = [#tpu.dimension_semantics<core_parallel>, #tpu.dimension_semantics<subcore_parallel>], iteration_bounds = array<i64: 2, 16>, scalar_prefetch = 0 : i64, scratch_operands = 3 : i64, tpu.core_type = #tpu.core_type<sc_vector_subcore>, window_params = [{transform_indices = #map}, {transform_indices = #map}, {transform_indices = #map1}, {transform_indices = #map1}, {transform_indices = #map1}, {transform_indices = #map}, {transform_indices = #map}, {transform_indices = #map}]} {
    %mul3A = arith.constant 16 : i32
    %mul3A_0 = arith.muli %arg0, %mul3A : i32
    %add3A = arith.addi %mul3A_0, %arg1 : i32
    %mul3A_1 = arith.constant 128 : i32
    %mul3A_2 = arith.muli %add3A, %mul3A_1 : i32
    "tpu.region"() ({
      %run_scoped3A = tpu.sem_alloc : memref<!tpu.dma_semaphore, #tpu.memory_space<semaphore_mem>>
      %dma_start3A_23 = tpu.memref_slice %arg4[%mul3A_2] : memref<4096xi32, #tpu.memory_space<hbm>> -> memref<128xi32, #tpu.memory_space<hbm>>
      %dma_start3A_24 = tpu.memref_slice %arg4[%mul3A_2] : memref<4096xi32, #tpu.memory_space<hbm>> -> memref<128xi32, #tpu.memory_space<hbm>>
      tpu.enqueue_dma source(%dma_start3A_24 : memref<128xi32, #tpu.memory_space<hbm>>) target(%arg10 : memref<128xi32, #tpu.memory_space<vmem>>) target_semaphore(%run_scoped3A : memref<!tpu.dma_semaphore, #tpu.memory_space<semaphore_mem>>)
      %dma_wait3A_25 = tpu.memref_slice %arg4[%mul3A_2] : memref<4096xi32, #tpu.memory_space<hbm>> -> memref<128xi32, #tpu.memory_space<hbm>>
      %dma_wait3A_26 = tpu.memref_slice %arg4[%mul3A_2] : memref<4096xi32, #tpu.memory_space<hbm>> -> memref<128xi32, #tpu.memory_space<hbm>>
      tpu.wait_dma2 semaphore(%run_scoped3A : memref<!tpu.dma_semaphore, #tpu.memory_space<semaphore_mem>>) src(%dma_wait3A_26 : memref<128xi32, #tpu.memory_space<hbm>>) dst(%arg10 : memref<128xi32, #tpu.memory_space<vmem>>)
      tpu.yield
    }) : () -> ()
    %dma_start3A = arith.constant 0 : i32
    %dma_start3A_3 = arith.constant 0 : i32
    %dma_start3A_4 = tpu.memref_slice %arg2[%dma_start3A, %dma_start3A_3] : memref<10000x128xf32, #tpu.memory_space<hbm>> -> memref<10000x128xf32, #tpu.memory_space<hbm>>
    tpu.enqueue_indirect_dma source(%dma_start3A_4 : memref<10000x128xf32, #tpu.memory_space<hbm>>) target(%arg11 : memref<128x128xf32, #tpu.memory_space<vmem>>) offsets(%arg10 : memref<128xi32, #tpu.memory_space<vmem>>) semaphore(%arg12 : memref<!tpu.dma_semaphore, #tpu.memory_space<semaphore_mem>>)
    %dma_wait3A = arith.constant 0 : i32
    %dma_wait3A_5 = arith.constant 0 : i32
    %dma_wait3A_6 = tpu.memref_slice %arg2[%dma_wait3A, %dma_wait3A_5] : memref<10000x128xf32, #tpu.memory_space<hbm>> -> memref<10000x128xf32, #tpu.memory_space<hbm>>
    tpu.wait_indirect_dma semaphore(%arg12 : memref<!tpu.dma_semaphore, #tpu.memory_space<semaphore_mem>>) src(%dma_wait3A_6 : memref<10000x128xf32, #tpu.memory_space<hbm>>) dst(%arg11 : memref<128x128xf32, #tpu.memory_space<vmem>>)
    "tpu.region"() ({
      %run_scoped3A = tpu.sem_alloc : memref<!tpu.dma_semaphore, #tpu.memory_space<semaphore_mem>>
      %dma_start3A_23 = arith.constant 0 : i32
      %dma_start3A_24 = tpu.memref_slice %arg7[%mul3A_2, %dma_start3A_23] : memref<4096x128xf32, #tpu.memory_space<hbm>> -> memref<128x128xf32, #tpu.memory_space<hbm>>
      %dma_start3A_25 = arith.constant 0 : i32
      %dma_start3A_26 = tpu.memref_slice %arg7[%mul3A_2, %dma_start3A_25] : memref<4096x128xf32, #tpu.memory_space<hbm>> -> memref<128x128xf32, #tpu.memory_space<hbm>>
      tpu.enqueue_dma source(%arg11 : memref<128x128xf32, #tpu.memory_space<vmem>>) target(%dma_start3A_26 : memref<128x128xf32, #tpu.memory_space<hbm>>) target_semaphore(%run_scoped3A : memref<!tpu.dma_semaphore, #tpu.memory_space<semaphore_mem>>)
      %dma_wait3A_27 = arith.constant 0 : i32
      %dma_wait3A_28 = tpu.memref_slice %arg7[%mul3A_2, %dma_wait3A_27] : memref<4096x128xf32, #tpu.memory_space<hbm>> -> memref<128x128xf32, #tpu.memory_space<hbm>>
      %dma_wait3A_29 = arith.constant 0 : i32
      %dma_wait3A_30 = tpu.memref_slice %arg7[%mul3A_2, %dma_wait3A_29] : memref<4096x128xf32, #tpu.memory_space<hbm>> -> memref<128x128xf32, #tpu.memory_space<hbm>>
      tpu.wait_dma2 semaphore(%run_scoped3A : memref<!tpu.dma_semaphore, #tpu.memory_space<semaphore_mem>>) src(%arg11 : memref<128x128xf32, #tpu.memory_space<vmem>>) dst(%dma_wait3A_30 : memref<128x128xf32, #tpu.memory_space<hbm>>)
      tpu.yield
    }) : () -> ()
    %mul3A_7 = arith.constant 128 : i32
    %mul3A_8 = arith.muli %add3A, %mul3A_7 : i32
    "tpu.region"() ({
      %run_scoped3A = tpu.sem_alloc : memref<!tpu.dma_semaphore, #tpu.memory_space<semaphore_mem>>
      %dma_start3A_23 = tpu.memref_slice %arg5[%mul3A_8] : memref<4096xi32, #tpu.memory_space<hbm>> -> memref<128xi32, #tpu.memory_space<hbm>>
      %dma_start3A_24 = tpu.memref_slice %arg5[%mul3A_8] : memref<4096xi32, #tpu.memory_space<hbm>> -> memref<128xi32, #tpu.memory_space<hbm>>
      tpu.enqueue_dma source(%dma_start3A_24 : memref<128xi32, #tpu.memory_space<hbm>>) target(%arg10 : memref<128xi32, #tpu.memory_space<vmem>>) target_semaphore(%run_scoped3A : memref<!tpu.dma_semaphore, #tpu.memory_space<semaphore_mem>>)
      %dma_wait3A_25 = tpu.memref_slice %arg5[%mul3A_8] : memref<4096xi32, #tpu.memory_space<hbm>> -> memref<128xi32, #tpu.memory_space<hbm>>
      %dma_wait3A_26 = tpu.memref_slice %arg5[%mul3A_8] : memref<4096xi32, #tpu.memory_space<hbm>> -> memref<128xi32, #tpu.memory_space<hbm>>
      tpu.wait_dma2 semaphore(%run_scoped3A : memref<!tpu.dma_semaphore, #tpu.memory_space<semaphore_mem>>) src(%dma_wait3A_26 : memref<128xi32, #tpu.memory_space<hbm>>) dst(%arg10 : memref<128xi32, #tpu.memory_space<vmem>>)
      tpu.yield
    }) : () -> ()
    %dma_start3A_9 = arith.constant 0 : i32
    %dma_start3A_10 = arith.constant 0 : i32
    %dma_start3A_11 = tpu.memref_slice %arg3[%dma_start3A_9, %dma_start3A_10] : memref<50000x128xf32, #tpu.memory_space<hbm>> -> memref<50000x128xf32, #tpu.memory_space<hbm>>
    tpu.enqueue_indirect_dma source(%dma_start3A_11 : memref<50000x128xf32, #tpu.memory_space<hbm>>) target(%arg11 : memref<128x128xf32, #tpu.memory_space<vmem>>) offsets(%arg10 : memref<128xi32, #tpu.memory_space<vmem>>) semaphore(%arg12 : memref<!tpu.dma_semaphore, #tpu.memory_space<semaphore_mem>>)
    %dma_wait3A_12 = arith.constant 0 : i32
    %dma_wait3A_13 = arith.constant 0 : i32
    %dma_wait3A_14 = tpu.memref_slice %arg3[%dma_wait3A_12, %dma_wait3A_13] : memref<50000x128xf32, #tpu.memory_space<hbm>> -> memref<50000x128xf32, #tpu.memory_space<hbm>>
    tpu.wait_indirect_dma semaphore(%arg12 : memref<!tpu.dma_semaphore, #tpu.memory_space<semaphore_mem>>) src(%dma_wait3A_14 : memref<50000x128xf32, #tpu.memory_space<hbm>>) dst(%arg11 : memref<128x128xf32, #tpu.memory_space<vmem>>)
    "tpu.region"() ({
      %run_scoped3A = tpu.sem_alloc : memref<!tpu.dma_semaphore, #tpu.memory_space<semaphore_mem>>
      %dma_start3A_23 = arith.constant 0 : i32
      %dma_start3A_24 = tpu.memref_slice %arg8[%mul3A_8, %dma_start3A_23] : memref<4096x128xf32, #tpu.memory_space<hbm>> -> memref<128x128xf32, #tpu.memory_space<hbm>>
      %dma_start3A_25 = arith.constant 0 : i32
      %dma_start3A_26 = tpu.memref_slice %arg8[%mul3A_8, %dma_start3A_25] : memref<4096x128xf32, #tpu.memory_space<hbm>> -> memref<128x128xf32, #tpu.memory_space<hbm>>
      tpu.enqueue_dma source(%arg11 : memref<128x128xf32, #tpu.memory_space<vmem>>) target(%dma_start3A_26 : memref<128x128xf32, #tpu.memory_space<hbm>>) target_semaphore(%run_scoped3A : memref<!tpu.dma_semaphore, #tpu.memory_space<semaphore_mem>>)
      %dma_wait3A_27 = arith.constant 0 : i32
      %dma_wait3A_28 = tpu.memref_slice %arg8[%mul3A_8, %dma_wait3A_27] : memref<4096x128xf32, #tpu.memory_space<hbm>> -> memref<128x128xf32, #tpu.memory_space<hbm>>
      %dma_wait3A_29 = arith.constant 0 : i32
      %dma_wait3A_30 = tpu.memref_slice %arg8[%mul3A_8, %dma_wait3A_29] : memref<4096x128xf32, #tpu.memory_space<hbm>> -> memref<128x128xf32, #tpu.memory_space<hbm>>
      tpu.wait_dma2 semaphore(%run_scoped3A : memref<!tpu.dma_semaphore, #tpu.memory_space<semaphore_mem>>) src(%arg11 : memref<128x128xf32, #tpu.memory_space<vmem>>) dst(%dma_wait3A_30 : memref<128x128xf32, #tpu.memory_space<hbm>>)
      tpu.yield
    }) : () -> ()
    %mul3A_15 = arith.constant 128 : i32
    %mul3A_16 = arith.muli %add3A, %mul3A_15 : i32
    "tpu.region"() ({
      %run_scoped3A = tpu.sem_alloc : memref<!tpu.dma_semaphore, #tpu.memory_space<semaphore_mem>>
      %dma_start3A_23 = tpu.memref_slice %arg6[%mul3A_16] : memref<4096xi32, #tpu.memory_space<hbm>> -> memref<128xi32, #tpu.memory_space<hbm>>
      %dma_start3A_24 = tpu.memref_slice %arg6[%mul3A_16] : memref<4096xi32, #tpu.memory_space<hbm>> -> memref<128xi32, #tpu.memory_space<hbm>>
      tpu.enqueue_dma source(%dma_start3A_24 : memref<128xi32, #tpu.memory_space<hbm>>) target(%arg10 : memref<128xi32, #tpu.memory_space<vmem>>) target_semaphore(%run_scoped3A : memref<!tpu.dma_semaphore, #tpu.memory_space<semaphore_mem>>)
      %dma_wait3A_25 = tpu.memref_slice %arg6[%mul3A_16] : memref<4096xi32, #tpu.memory_space<hbm>> -> memref<128xi32, #tpu.memory_space<hbm>>
      %dma_wait3A_26 = tpu.memref_slice %arg6[%mul3A_16] : memref<4096xi32, #tpu.memory_space<hbm>> -> memref<128xi32, #tpu.memory_space<hbm>>
      tpu.wait_dma2 semaphore(%run_scoped3A : memref<!tpu.dma_semaphore, #tpu.memory_space<semaphore_mem>>) src(%dma_wait3A_26 : memref<128xi32, #tpu.memory_space<hbm>>) dst(%arg10 : memref<128xi32, #tpu.memory_space<vmem>>)
      tpu.yield
    }) : () -> ()
    %dma_start3A_17 = arith.constant 0 : i32
    %dma_start3A_18 = arith.constant 0 : i32
    %dma_start3A_19 = tpu.memref_slice %arg3[%dma_start3A_17, %dma_start3A_18] : memref<50000x128xf32, #tpu.memory_space<hbm>> -> memref<50000x128xf32, #tpu.memory_space<hbm>>
    tpu.enqueue_indirect_dma source(%dma_start3A_19 : memref<50000x128xf32, #tpu.memory_space<hbm>>) target(%arg11 : memref<128x128xf32, #tpu.memory_space<vmem>>) offsets(%arg10 : memref<128xi32, #tpu.memory_space<vmem>>) semaphore(%arg12 : memref<!tpu.dma_semaphore, #tpu.memory_space<semaphore_mem>>)
    %dma_wait3A_20 = arith.constant 0 : i32
    %dma_wait3A_21 = arith.constant 0 : i32
    %dma_wait3A_22 = tpu.memref_slice %arg3[%dma_wait3A_20, %dma_wait3A_21] : memref<50000x128xf32, #tpu.memory_space<hbm>> -> memref<50000x128xf32, #tpu.memory_space<hbm>>
    tpu.wait_indirect_dma semaphore(%arg12 : memref<!tpu.dma_semaphore, #tpu.memory_space<semaphore_mem>>) src(%dma_wait3A_22 : memref<50000x128xf32, #tpu.memory_space<hbm>>) dst(%arg11 : memref<128x128xf32, #tpu.memory_space<vmem>>)
    "tpu.region"() ({
      %run_scoped3A = tpu.sem_alloc : memref<!tpu.dma_semaphore, #tpu.memory_space<semaphore_mem>>
      %dma_start3A_23 = arith.constant 0 : i32
      %dma_start3A_24 = tpu.memref_slice %arg9[%mul3A_16, %dma_start3A_23] : memref<4096x128xf32, #tpu.memory_space<hbm>> -> memref<128x128xf32, #tpu.memory_space<hbm>>
      %dma_start3A_25 = arith.constant 0 : i32
      %dma_start3A_26 = tpu.memref_slice %arg9[%mul3A_16, %dma_start3A_25] : memref<4096x128xf32, #tpu.memory_space<hbm>> -> memref<128x128xf32, #tpu.memory_space<hbm>>
      tpu.enqueue_dma source(%arg11 : memref<128x128xf32, #tpu.memory_space<vmem>>) target(%dma_start3A_26 : memref<128x128xf32, #tpu.memory_space<hbm>>) target_semaphore(%run_scoped3A : memref<!tpu.dma_semaphore, #tpu.memory_space<semaphore_mem>>)
      %dma_wait3A_27 = arith.constant 0 : i32
      %dma_wait3A_28 = tpu.memref_slice %arg9[%mul3A_16, %dma_wait3A_27] : memref<4096x128xf32, #tpu.memory_space<hbm>> -> memref<128x128xf32, #tpu.memory_space<hbm>>
      %dma_wait3A_29 = arith.constant 0 : i32
      %dma_wait3A_30 = tpu.memref_slice %arg9[%mul3A_16, %dma_wait3A_29] : memref<4096x128xf32, #tpu.memory_space<hbm>> -> memref<128x128xf32, #tpu.memory_space<hbm>>
      tpu.wait_dma2 semaphore(%run_scoped3A : memref<!tpu.dma_semaphore, #tpu.memory_space<semaphore_mem>>) src(%arg11 : memref<128x128xf32, #tpu.memory_space<vmem>>) dst(%dma_wait3A_30 : memref<128x128xf32, #tpu.memory_space<hbm>>)
      tpu.yield
    }) : () -> ()
    return
  }
}

#map = affine_map<(d0, d1) -> (0, 0)>
#map1 = affine_map<(d0, d1) -> (0)>
module attributes {stable_mosaic.version = 14 : i64} {
  func.func @_sc_layer2(%arg0: i32, %arg1: i32, %arg2: memref<10000x128xf32, #tpu.memory_space<hbm>>, %arg3: memref<10000x64xf32, #tpu.memory_space<hbm>>, %arg4: memref<10000x64xf32, #tpu.memory_space<hbm>>, %arg5: memref<320000xi32, #tpu.memory_space<hbm>>, %arg6: memref<320000xi32, #tpu.memory_space<hbm>>, %arg7: memref<4096xi32, #tpu.memory_space<hbm>>, %arg8: memref<640x64xf32, #tpu.memory_space<hbm>>, %arg9: memref<10000x128xf32, #tpu.memory_space<hbm>>, %arg10: memref<4096x128xf32, #tpu.memory_space<hbm>>, %arg11: memref<400xi32, #tpu.memory_space<vmem>>, %arg12: memref<400xi32, #tpu.memory_space<vmem>>, %arg13: memref<400x64xf32, #tpu.memory_space<vmem>>, %arg14: memref<400xi32, #tpu.memory_space<vmem>>, %arg15: memref<400xi32, #tpu.memory_space<vmem>>, %arg16: memref<400x64xf32, #tpu.memory_space<vmem>>, %arg17: memref<!tpu.dma_semaphore, #tpu.memory_space<semaphore_mem>>, %arg18: memref<!tpu.dma_semaphore, #tpu.memory_space<semaphore_mem>>, %arg19: memref<!tpu.dma_semaphore, #tpu.memory_space<semaphore_mem>>, %arg20: memref<!tpu.dma_semaphore, #tpu.memory_space<semaphore_mem>>, %arg21: memref<128xi32, #tpu.memory_space<vmem>>, %arg22: memref<128x128xf32, #tpu.memory_space<vmem>>, %arg23: memref<10000x64xf32, #tpu.memory_space<vmem_shared>>, %arg24: memref<!tpu.dma_semaphore, #tpu.memory_space<semaphore_mem>>) attributes {dimension_semantics = [#tpu.dimension_semantics<core_parallel>, #tpu.dimension_semantics<subcore_parallel>], iteration_bounds = array<i64: 2, 16>, scalar_prefetch = 0 : i64, scratch_operands = 14 : i64, tpu.core_type = #tpu.core_type<sc_vector_subcore>, window_params = [{transform_indices = #map}, {transform_indices = #map}, {transform_indices = #map}, {transform_indices = #map1}, {transform_indices = #map1}, {transform_indices = #map1}, {transform_indices = #map}, {transform_indices = #map}, {transform_indices = #map}]} {
    %mul3A = arith.constant 64 : i32
    %mul3A_0 = arith.muli %arg0, %mul3A : i32
    %mul3A_1 = arith.constant 16 : i32
    %mul3A_2 = arith.muli %arg0, %mul3A_1 : i32
    %add3A = arith.addi %mul3A_2, %arg1 : i32
    %lt3A = arith.constant 15 : i32
    %lt3A_3 = arith.cmpi slt, %arg1, %lt3A : i32
    %convert_element_type3A = arith.extui %lt3A_3 : i1 to i32
    %cond3A = arith.constant 0 : i32
    %cond3A_4 = arith.cmpi ne, %convert_element_type3A, %cond3A : i32
    scf.if %cond3A_4 {
      %mul3A_36 = arith.constant 624 : i32
      %mul3A_37 = arith.muli %arg1, %mul3A_36 : i32
      "tpu.region"() ({
        %run_scoped3A = tpu.sem_alloc : memref<!tpu.dma_semaphore, #tpu.memory_space<semaphore_mem>>
        %dma_start3A_38 = arith.constant 0 : i32
        %dma_start3A_39 = tpu.memref_slice %arg23[%mul3A_37, %dma_start3A_38] : memref<10000x64xf32, #tpu.memory_space<vmem_shared>> -> memref<624x64xf32, #tpu.memory_space<vmem_shared>>
        %dma_start3A_40 = arith.constant 0 : i32
        %dma_start3A_41 = arith.constant 0 : i32
        %dma_start3A_42 = tpu.memref_slice %arg8[%dma_start3A_40, %dma_start3A_41] : memref<640x64xf32, #tpu.memory_space<hbm>> -> memref<624x64xf32, #tpu.memory_space<hbm>>
        tpu.enqueue_dma source(%dma_start3A_42 : memref<624x64xf32, #tpu.memory_space<hbm>>) target(%dma_start3A_39 : memref<624x64xf32, #tpu.memory_space<vmem_shared>>) target_semaphore(%run_scoped3A : memref<!tpu.dma_semaphore, #tpu.memory_space<semaphore_mem>>)
        %dma_wait3A_43 = arith.constant 0 : i32
        %dma_wait3A_44 = tpu.memref_slice %arg23[%mul3A_37, %dma_wait3A_43] : memref<10000x64xf32, #tpu.memory_space<vmem_shared>> -> memref<624x64xf32, #tpu.memory_space<vmem_shared>>
        %dma_wait3A_45 = arith.constant 0 : i32
        %dma_wait3A_46 = arith.constant 0 : i32
        %dma_wait3A_47 = tpu.memref_slice %arg8[%dma_wait3A_45, %dma_wait3A_46] : memref<640x64xf32, #tpu.memory_space<hbm>> -> memref<624x64xf32, #tpu.memory_space<hbm>>
        tpu.wait_dma2 semaphore(%run_scoped3A : memref<!tpu.dma_semaphore, #tpu.memory_space<semaphore_mem>>) src(%dma_wait3A_47 : memref<624x64xf32, #tpu.memory_space<hbm>>) dst(%dma_wait3A_44 : memref<624x64xf32, #tpu.memory_space<vmem_shared>>)
        tpu.yield
      }) : () -> ()
    } else {
    }
    %eq3A = arith.constant 15 : i32
    %eq3A_5 = arith.cmpi eq, %arg1, %eq3A : i32
    %convert_element_type3A_6 = arith.extui %eq3A_5 : i1 to i32
    %cond3A_7 = arith.constant 0 : i32
    %cond3A_8 = arith.cmpi ne, %convert_element_type3A_6, %cond3A_7 : i32
    scf.if %cond3A_8 {
      "tpu.region"() ({
        %run_scoped3A = tpu.sem_alloc : memref<!tpu.dma_semaphore, #tpu.memory_space<semaphore_mem>>
        %dma_start3A_36 = arith.constant 9360 : i32
        %dma_start3A_37 = arith.constant 0 : i32
        %dma_start3A_38 = tpu.memref_slice %arg23[%dma_start3A_36, %dma_start3A_37] : memref<10000x64xf32, #tpu.memory_space<vmem_shared>> -> memref<640x64xf32, #tpu.memory_space<vmem_shared>>
        tpu.enqueue_dma source(%arg8 : memref<640x64xf32, #tpu.memory_space<hbm>>) target(%dma_start3A_38 : memref<640x64xf32, #tpu.memory_space<vmem_shared>>) target_semaphore(%run_scoped3A : memref<!tpu.dma_semaphore, #tpu.memory_space<semaphore_mem>>)
        %dma_wait3A_39 = arith.constant 9360 : i32
        %dma_wait3A_40 = arith.constant 0 : i32
        %dma_wait3A_41 = tpu.memref_slice %arg23[%dma_wait3A_39, %dma_wait3A_40] : memref<10000x64xf32, #tpu.memory_space<vmem_shared>> -> memref<640x64xf32, #tpu.memory_space<vmem_shared>>
        tpu.wait_dma2 semaphore(%run_scoped3A : memref<!tpu.dma_semaphore, #tpu.memory_space<semaphore_mem>>) src(%arg8 : memref<640x64xf32, #tpu.memory_space<hbm>>) dst(%dma_wait3A_41 : memref<640x64xf32, #tpu.memory_space<vmem_shared>>)
        tpu.yield
      }) : () -> ()
    } else {
    }
    %barrier3A = arith.constant 0 : index
    tpu.barrier barrier_id(%barrier3A)
    %eq3A_9 = arith.constant 0 : i32
    %eq3A_10 = arith.cmpi eq, %arg0, %eq3A_9 : i32
    %convert_element_type3A_11 = arith.extui %eq3A_10 : i1 to i32
    %cond3A_12 = arith.constant 0 : i32
    %cond3A_13 = arith.cmpi ne, %convert_element_type3A_11, %cond3A_12 : i32
    scf.if %cond3A_13 {
      %mul3A_36 = arith.constant 20000 : i32
      %mul3A_37 = arith.muli %arg1, %mul3A_36 : i32
      %add3A_38 = arith.constant 0 : i32
      %add3A_39 = arith.addi %mul3A_37, %add3A_38 : i32
      %dma_start3A_40 = tpu.memref_slice %arg5[%add3A_39] : memref<320000xi32, #tpu.memory_space<hbm>> -> memref<400xi32, #tpu.memory_space<hbm>>
      %dma_start3A_41 = tpu.memref_slice %arg5[%add3A_39] : memref<320000xi32, #tpu.memory_space<hbm>> -> memref<400xi32, #tpu.memory_space<hbm>>
      tpu.enqueue_dma source(%dma_start3A_41 : memref<400xi32, #tpu.memory_space<hbm>>) target(%arg11 : memref<400xi32, #tpu.memory_space<vmem>>) target_semaphore(%arg19 : memref<!tpu.dma_semaphore, #tpu.memory_space<semaphore_mem>>)
      %add3A_42 = arith.constant 0 : i32
      %add3A_43 = arith.addi %mul3A_37, %add3A_42 : i32
      %dma_start3A_44 = tpu.memref_slice %arg6[%add3A_43] : memref<320000xi32, #tpu.memory_space<hbm>> -> memref<400xi32, #tpu.memory_space<hbm>>
      %dma_start3A_45 = tpu.memref_slice %arg6[%add3A_43] : memref<320000xi32, #tpu.memory_space<hbm>> -> memref<400xi32, #tpu.memory_space<hbm>>
      tpu.enqueue_dma source(%dma_start3A_45 : memref<400xi32, #tpu.memory_space<hbm>>) target(%arg12 : memref<400xi32, #tpu.memory_space<vmem>>) target_semaphore(%arg20 : memref<!tpu.dma_semaphore, #tpu.memory_space<semaphore_mem>>)
      %dma_wait3A_46 = tpu.memref_slice %arg5[%mul3A_37] : memref<320000xi32, #tpu.memory_space<hbm>> -> memref<400xi32, #tpu.memory_space<hbm>>
      %dma_wait3A_47 = tpu.memref_slice %arg5[%mul3A_37] : memref<320000xi32, #tpu.memory_space<hbm>> -> memref<400xi32, #tpu.memory_space<hbm>>
      tpu.wait_dma2 semaphore(%arg19 : memref<!tpu.dma_semaphore, #tpu.memory_space<semaphore_mem>>) src(%dma_wait3A_47 : memref<400xi32, #tpu.memory_space<hbm>>) dst(%arg11 : memref<400xi32, #tpu.memory_space<vmem>>)
      %dma_start3A_48 = arith.constant 0 : i32
      %dma_start3A_49 = arith.constant 0 : i32
      %dma_start3A_50 = tpu.memref_slice %arg3[%dma_start3A_48, %dma_start3A_49] : memref<10000x64xf32, #tpu.memory_space<hbm>> -> memref<10000x64xf32, #tpu.memory_space<hbm>>
      tpu.enqueue_indirect_dma source(%dma_start3A_50 : memref<10000x64xf32, #tpu.memory_space<hbm>>) target(%arg13 : memref<400x64xf32, #tpu.memory_space<vmem>>) offsets(%arg11 : memref<400xi32, #tpu.memory_space<vmem>>) semaphore(%arg17 : memref<!tpu.dma_semaphore, #tpu.memory_space<semaphore_mem>>)
      %add3A_51 = arith.constant 400 : i32
      %add3A_52 = arith.addi %mul3A_37, %add3A_51 : i32
      %dma_start3A_53 = tpu.memref_slice %arg5[%add3A_52] : memref<320000xi32, #tpu.memory_space<hbm>> -> memref<400xi32, #tpu.memory_space<hbm>>
      %dma_start3A_54 = tpu.memref_slice %arg5[%add3A_52] : memref<320000xi32, #tpu.memory_space<hbm>> -> memref<400xi32, #tpu.memory_space<hbm>>
      tpu.enqueue_dma source(%dma_start3A_54 : memref<400xi32, #tpu.memory_space<hbm>>) target(%arg14 : memref<400xi32, #tpu.memory_space<vmem>>) target_semaphore(%arg19 : memref<!tpu.dma_semaphore, #tpu.memory_space<semaphore_mem>>)
      %scan3A = arith.constant 0 : i32
      %scan3A_55 = arith.constant 0 : i32
      %scan3A_56 = arith.constant 25 : i32
      %scan3A_57 = arith.addi %scan3A_55, %scan3A_56 : i32
      %scan3A_58 = arith.constant 1 : i32
      %scan3A_59 = scf.for %scan3A_64 = %scan3A_55 to %scan3A_57 step %scan3A_58 iter_args(%scan3A_65 = %scan3A) -> (i32)  : i32 {
        %dma_wait3A_66 = arith.constant 0 : i32
        %dma_wait3A_67 = arith.constant 0 : i32
        %dma_wait3A_68 = tpu.memref_slice %arg3[%dma_wait3A_66, %dma_wait3A_67] : memref<10000x64xf32, #tpu.memory_space<hbm>> -> memref<10000x64xf32, #tpu.memory_space<hbm>>
        tpu.wait_indirect_dma semaphore(%arg17 : memref<!tpu.dma_semaphore, #tpu.memory_space<semaphore_mem>>) src(%dma_wait3A_68 : memref<10000x64xf32, #tpu.memory_space<hbm>>) dst(%arg13 : memref<400x64xf32, #tpu.memory_space<vmem>>)
        %dma_wait3A_69 = tpu.memref_slice %arg6[%mul3A_37] : memref<320000xi32, #tpu.memory_space<hbm>> -> memref<400xi32, #tpu.memory_space<hbm>>
        %dma_wait3A_70 = tpu.memref_slice %arg6[%mul3A_37] : memref<320000xi32, #tpu.memory_space<hbm>> -> memref<400xi32, #tpu.memory_space<hbm>>
        tpu.wait_dma2 semaphore(%arg20 : memref<!tpu.dma_semaphore, #tpu.memory_space<semaphore_mem>>) src(%dma_wait3A_70 : memref<400xi32, #tpu.memory_space<hbm>>) dst(%arg12 : memref<400xi32, #tpu.memory_space<vmem>>)
        %dma_start3A_71 = arith.constant 0 : i32
        %dma_start3A_72 = arith.constant 0 : i32
        %dma_start3A_73 = tpu.memref_slice %arg23[%dma_start3A_71, %dma_start3A_72] : memref<10000x64xf32, #tpu.memory_space<vmem_shared>> -> memref<10000x64xf32, #tpu.memory_space<vmem_shared>>
        tpu.enqueue_indirect_dma source(%arg13 : memref<400x64xf32, #tpu.memory_space<vmem>>) target(%dma_start3A_73 : memref<10000x64xf32, #tpu.memory_space<vmem_shared>>) offsets(%arg12 : memref<400xi32, #tpu.memory_space<vmem>>) semaphore(%arg18 : memref<!tpu.dma_semaphore, #tpu.memory_space<semaphore_mem>>) {add = true}
        %gt3A = arith.constant 0 : i32
        %gt3A_74 = arith.cmpi sgt, %scan3A_64, %gt3A : i32
        %convert_element_type3A_75 = arith.extui %gt3A_74 : i1 to i32
        %cond3A_76 = arith.constant 0 : i32
        %cond3A_77 = arith.cmpi ne, %convert_element_type3A_75, %cond3A_76 : i32
        scf.if %cond3A_77 {
          %dma_wait3A_114 = arith.constant 0 : i32
          %dma_wait3A_115 = arith.constant 0 : i32
          %dma_wait3A_116 = tpu.memref_slice %arg23[%dma_wait3A_114, %dma_wait3A_115] : memref<10000x64xf32, #tpu.memory_space<vmem_shared>> -> memref<10000x64xf32, #tpu.memory_space<vmem_shared>>
          tpu.wait_indirect_dma semaphore(%arg18 : memref<!tpu.dma_semaphore, #tpu.memory_space<semaphore_mem>>) src(%arg16 : memref<400x64xf32, #tpu.memory_space<vmem>>) dst(%dma_wait3A_116 : memref<10000x64xf32, #tpu.memory_space<vmem_shared>>)
        } else {
        }
        %mul3A_78 = arith.constant 2 : i32
        %mul3A_79 = arith.muli %mul3A_78, %scan3A_64 : i32
        %add3A_80 = arith.constant 1 : i32
        %add3A_81 = arith.addi %mul3A_79, %add3A_80 : i32
        %mul3A_82 = arith.constant 400 : i32
        %mul3A_83 = arith.muli %add3A_81, %mul3A_82 : i32
        %add3A_84 = arith.addi %mul3A_37, %mul3A_83 : i32
        %dma_start3A_85 = tpu.memref_slice %arg6[%add3A_84] : memref<320000xi32, #tpu.memory_space<hbm>> -> memref<400xi32, #tpu.memory_space<hbm>>
        %dma_start3A_86 = tpu.memref_slice %arg6[%add3A_84] : memref<320000xi32, #tpu.memory_space<hbm>> -> memref<400xi32, #tpu.memory_space<hbm>>
        tpu.enqueue_dma source(%dma_start3A_86 : memref<400xi32, #tpu.memory_space<hbm>>) target(%arg15 : memref<400xi32, #tpu.memory_space<vmem>>) target_semaphore(%arg20 : memref<!tpu.dma_semaphore, #tpu.memory_space<semaphore_mem>>)
        %dma_wait3A_87 = tpu.memref_slice %arg5[%mul3A_37] : memref<320000xi32, #tpu.memory_space<hbm>> -> memref<400xi32, #tpu.memory_space<hbm>>
        %dma_wait3A_88 = tpu.memref_slice %arg5[%mul3A_37] : memref<320000xi32, #tpu.memory_space<hbm>> -> memref<400xi32, #tpu.memory_space<hbm>>
        tpu.wait_dma2 semaphore(%arg19 : memref<!tpu.dma_semaphore, #tpu.memory_space<semaphore_mem>>) src(%dma_wait3A_88 : memref<400xi32, #tpu.memory_space<hbm>>) dst(%arg14 : memref<400xi32, #tpu.memory_space<vmem>>)
        %dma_start3A_89 = arith.constant 0 : i32
        %dma_start3A_90 = arith.constant 0 : i32
        %dma_start3A_91 = tpu.memref_slice %arg3[%dma_start3A_89, %dma_start3A_90] : memref<10000x64xf32, #tpu.memory_space<hbm>> -> memref<10000x64xf32, #tpu.memory_space<hbm>>
        tpu.enqueue_indirect_dma source(%dma_start3A_91 : memref<10000x64xf32, #tpu.memory_space<hbm>>) target(%arg16 : memref<400x64xf32, #tpu.memory_space<vmem>>) offsets(%arg14 : memref<400xi32, #tpu.memory_space<vmem>>) semaphore(%arg17 : memref<!tpu.dma_semaphore, #tpu.memory_space<semaphore_mem>>)
        %lt3A_92 = arith.constant 24 : i32
        %lt3A_93 = arith.cmpi slt, %scan3A_64, %lt3A_92 : i32
        %convert_element_type3A_94 = arith.extui %lt3A_93 : i1 to i32
        %cond3A_95 = arith.constant 0 : i32
        %cond3A_96 = arith.cmpi ne, %convert_element_type3A_94, %cond3A_95 : i32
        scf.if %cond3A_96 {
          %mul3A_114 = arith.constant 2 : i32
          %mul3A_115 = arith.muli %mul3A_114, %scan3A_64 : i32
          %add3A_116 = arith.constant 2 : i32
          %add3A_117 = arith.addi %mul3A_115, %add3A_116 : i32
          %mul3A_118 = arith.constant 400 : i32
          %mul3A_119 = arith.muli %add3A_117, %mul3A_118 : i32
          %add3A_120 = arith.addi %mul3A_37, %mul3A_119 : i32
          %dma_start3A_121 = tpu.memref_slice %arg5[%add3A_120] : memref<320000xi32, #tpu.memory_space<hbm>> -> memref<400xi32, #tpu.memory_space<hbm>>
          %dma_start3A_122 = tpu.memref_slice %arg5[%add3A_120] : memref<320000xi32, #tpu.memory_space<hbm>> -> memref<400xi32, #tpu.memory_space<hbm>>
          tpu.enqueue_dma source(%dma_start3A_122 : memref<400xi32, #tpu.memory_space<hbm>>) target(%arg11 : memref<400xi32, #tpu.memory_space<vmem>>) target_semaphore(%arg19 : memref<!tpu.dma_semaphore, #tpu.memory_space<semaphore_mem>>)
        } else {
        }
        %dma_wait3A_97 = arith.constant 0 : i32
        %dma_wait3A_98 = arith.constant 0 : i32
        %dma_wait3A_99 = tpu.memref_slice %arg3[%dma_wait3A_97, %dma_wait3A_98] : memref<10000x64xf32, #tpu.memory_space<hbm>> -> memref<10000x64xf32, #tpu.memory_space<hbm>>
        tpu.wait_indirect_dma semaphore(%arg17 : memref<!tpu.dma_semaphore, #tpu.memory_space<semaphore_mem>>) src(%dma_wait3A_99 : memref<10000x64xf32, #tpu.memory_space<hbm>>) dst(%arg16 : memref<400x64xf32, #tpu.memory_space<vmem>>)
        %dma_wait3A_100 = tpu.memref_slice %arg6[%mul3A_37] : memref<320000xi32, #tpu.memory_space<hbm>> -> memref<400xi32, #tpu.memory_space<hbm>>
        %dma_wait3A_101 = tpu.memref_slice %arg6[%mul3A_37] : memref<320000xi32, #tpu.memory_space<hbm>> -> memref<400xi32, #tpu.memory_space<hbm>>
        tpu.wait_dma2 semaphore(%arg20 : memref<!tpu.dma_semaphore, #tpu.memory_space<semaphore_mem>>) src(%dma_wait3A_101 : memref<400xi32, #tpu.memory_space<hbm>>) dst(%arg15 : memref<400xi32, #tpu.memory_space<vmem>>)
        %dma_start3A_102 = arith.constant 0 : i32
        %dma_start3A_103 = arith.constant 0 : i32
        %dma_start3A_104 = tpu.memref_slice %arg23[%dma_start3A_102, %dma_start3A_103] : memref<10000x64xf32, #tpu.memory_space<vmem_shared>> -> memref<10000x64xf32, #tpu.memory_space<vmem_shared>>
        tpu.enqueue_indirect_dma source(%arg16 : memref<400x64xf32, #tpu.memory_space<vmem>>) target(%dma_start3A_104 : memref<10000x64xf32, #tpu.memory_space<vmem_shared>>) offsets(%arg15 : memref<400xi32, #tpu.memory_space<vmem>>) semaphore(%arg18 : memref<!tpu.dma_semaphore, #tpu.memory_space<semaphore_mem>>) {add = true}
        %dma_wait3A_105 = arith.constant 0 : i32
        %dma_wait3A_106 = arith.constant 0 : i32
        %dma_wait3A_107 = tpu.memref_slice %arg23[%dma_wait3A_105, %dma_wait3A_106] : memref<10000x64xf32, #tpu.memory_space<vmem_shared>> -> memref<10000x64xf32, #tpu.memory_space<vmem_shared>>
        tpu.wait_indirect_dma semaphore(%arg18 : memref<!tpu.dma_semaphore, #tpu.memory_space<semaphore_mem>>) src(%arg13 : memref<400x64xf32, #tpu.memory_space<vmem>>) dst(%dma_wait3A_107 : memref<10000x64xf32, #tpu.memory_space<vmem_shared>>)
        %lt3A_108 = arith.constant 24 : i32
        %lt3A_109 = arith.cmpi slt, %scan3A_64, %lt3A_108 : i32
        %convert_element_type3A_110 = arith.extui %lt3A_109 : i1 to i32
        %cond3A_111 = arith.constant 0 : i32
        %cond3A_112 = arith.cmpi ne, %convert_element_type3A_110, %cond3A_111 : i32
        scf.if %cond3A_112 {
          %mul3A_114 = arith.constant 2 : i32
          %mul3A_115 = arith.muli %mul3A_114, %scan3A_64 : i32
          %add3A_116 = arith.constant 2 : i32
          %add3A_117 = arith.addi %mul3A_115, %add3A_116 : i32
          %mul3A_118 = arith.constant 400 : i32
          %mul3A_119 = arith.muli %add3A_117, %mul3A_118 : i32
          %add3A_120 = arith.addi %mul3A_37, %mul3A_119 : i32
          %dma_start3A_121 = tpu.memref_slice %arg6[%add3A_120] : memref<320000xi32, #tpu.memory_space<hbm>> -> memref<400xi32, #tpu.memory_space<hbm>>
          %dma_start3A_122 = tpu.memref_slice %arg6[%add3A_120] : memref<320000xi32, #tpu.memory_space<hbm>> -> memref<400xi32, #tpu.memory_space<hbm>>
          tpu.enqueue_dma source(%dma_start3A_122 : memref<400xi32, #tpu.memory_space<hbm>>) target(%arg12 : memref<400xi32, #tpu.memory_space<vmem>>) target_semaphore(%arg20 : memref<!tpu.dma_semaphore, #tpu.memory_space<semaphore_mem>>)
          %dma_wait3A_123 = tpu.memref_slice %arg5[%mul3A_37] : memref<320000xi32, #tpu.memory_space<hbm>> -> memref<400xi32, #tpu.memory_space<hbm>>
          %dma_wait3A_124 = tpu.memref_slice %arg5[%mul3A_37] : memref<320000xi32, #tpu.memory_space<hbm>> -> memref<400xi32, #tpu.memory_space<hbm>>
          tpu.wait_dma2 semaphore(%arg19 : memref<!tpu.dma_semaphore, #tpu.memory_space<semaphore_mem>>) src(%dma_wait3A_124 : memref<400xi32, #tpu.memory_space<hbm>>) dst(%arg11 : memref<400xi32, #tpu.memory_space<vmem>>)
          %dma_start3A_125 = arith.constant 0 : i32
          %dma_start3A_126 = arith.constant 0 : i32
          %dma_start3A_127 = tpu.memref_slice %arg3[%dma_start3A_125, %dma_start3A_126] : memref<10000x64xf32, #tpu.memory_space<hbm>> -> memref<10000x64xf32, #tpu.memory_space<hbm>>
          tpu.enqueue_indirect_dma source(%dma_start3A_127 : memref<10000x64xf32, #tpu.memory_space<hbm>>) target(%arg13 : memref<400x64xf32, #tpu.memory_space<vmem>>) offsets(%arg11 : memref<400xi32, #tpu.memory_space<vmem>>) semaphore(%arg17 : memref<!tpu.dma_semaphore, #tpu.memory_space<semaphore_mem>>)
          %mul3A_128 = arith.constant 2 : i32
          %mul3A_129 = arith.muli %mul3A_128, %scan3A_64 : i32
          %add3A_130 = arith.constant 3 : i32
          %add3A_131 = arith.addi %mul3A_129, %add3A_130 : i32
          %mul3A_132 = arith.constant 400 : i32
          %mul3A_133 = arith.muli %add3A_131, %mul3A_132 : i32
          %add3A_134 = arith.addi %mul3A_37, %mul3A_133 : i32
          %dma_start3A_135 = tpu.memref_slice %arg5[%add3A_134] : memref<320000xi32, #tpu.memory_space<hbm>> -> memref<400xi32, #tpu.memory_space<hbm>>
          %dma_start3A_136 = tpu.memref_slice %arg5[%add3A_134] : memref<320000xi32, #tpu.memory_space<hbm>> -> memref<400xi32, #tpu.memory_space<hbm>>
          tpu.enqueue_dma source(%dma_start3A_136 : memref<400xi32, #tpu.memory_space<hbm>>) target(%arg14 : memref<400xi32, #tpu.memory_space<vmem>>) target_semaphore(%arg19 : memref<!tpu.dma_semaphore, #tpu.memory_space<semaphore_mem>>)
        } else {
        }
        %scan3A_113 = arith.constant 0 : i32
        scf.yield %scan3A_113 : i32
      }
      %scan3A_60 = arith.constant 25 : i32
      %dma_wait3A_61 = arith.constant 0 : i32
      %dma_wait3A_62 = arith.constant 0 : i32
      %dma_wait3A_63 = tpu.memref_slice %arg23[%dma_wait3A_61, %dma_wait3A_62] : memref<10000x64xf32, #tpu.memory_space<vmem_shared>> -> memref<10000x64xf32, #tpu.memory_space<vmem_shared>>
      tpu.wait_indirect_dma semaphore(%arg18 : memref<!tpu.dma_semaphore, #tpu.memory_space<semaphore_mem>>) src(%arg16 : memref<400x64xf32, #tpu.memory_space<vmem>>) dst(%dma_wait3A_63 : memref<10000x64xf32, #tpu.memory_space<vmem_shared>>)
    } else {
    }
    %eq3A_14 = arith.constant 1 : i32
    %eq3A_15 = arith.cmpi eq, %arg0, %eq3A_14 : i32
    %convert_element_type3A_16 = arith.extui %eq3A_15 : i1 to i32
    %cond3A_17 = arith.constant 0 : i32
    %cond3A_18 = arith.cmpi ne, %convert_element_type3A_16, %cond3A_17 : i32
    scf.if %cond3A_18 {
      %mul3A_36 = arith.constant 20000 : i32
      %mul3A_37 = arith.muli %arg1, %mul3A_36 : i32
      %add3A_38 = arith.constant 0 : i32
      %add3A_39 = arith.addi %mul3A_37, %add3A_38 : i32
      %dma_start3A_40 = tpu.memref_slice %arg5[%add3A_39] : memref<320000xi32, #tpu.memory_space<hbm>> -> memref<400xi32, #tpu.memory_space<hbm>>
      %dma_start3A_41 = tpu.memref_slice %arg5[%add3A_39] : memref<320000xi32, #tpu.memory_space<hbm>> -> memref<400xi32, #tpu.memory_space<hbm>>
      tpu.enqueue_dma source(%dma_start3A_41 : memref<400xi32, #tpu.memory_space<hbm>>) target(%arg11 : memref<400xi32, #tpu.memory_space<vmem>>) target_semaphore(%arg19 : memref<!tpu.dma_semaphore, #tpu.memory_space<semaphore_mem>>)
      %add3A_42 = arith.constant 0 : i32
      %add3A_43 = arith.addi %mul3A_37, %add3A_42 : i32
      %dma_start3A_44 = tpu.memref_slice %arg6[%add3A_43] : memref<320000xi32, #tpu.memory_space<hbm>> -> memref<400xi32, #tpu.memory_space<hbm>>
      %dma_start3A_45 = tpu.memref_slice %arg6[%add3A_43] : memref<320000xi32, #tpu.memory_space<hbm>> -> memref<400xi32, #tpu.memory_space<hbm>>
      tpu.enqueue_dma source(%dma_start3A_45 : memref<400xi32, #tpu.memory_space<hbm>>) target(%arg12 : memref<400xi32, #tpu.memory_space<vmem>>) target_semaphore(%arg20 : memref<!tpu.dma_semaphore, #tpu.memory_space<semaphore_mem>>)
      %dma_wait3A_46 = tpu.memref_slice %arg5[%mul3A_37] : memref<320000xi32, #tpu.memory_space<hbm>> -> memref<400xi32, #tpu.memory_space<hbm>>
      %dma_wait3A_47 = tpu.memref_slice %arg5[%mul3A_37] : memref<320000xi32, #tpu.memory_space<hbm>> -> memref<400xi32, #tpu.memory_space<hbm>>
      tpu.wait_dma2 semaphore(%arg19 : memref<!tpu.dma_semaphore, #tpu.memory_space<semaphore_mem>>) src(%dma_wait3A_47 : memref<400xi32, #tpu.memory_space<hbm>>) dst(%arg11 : memref<400xi32, #tpu.memory_space<vmem>>)
      %dma_start3A_48 = arith.constant 0 : i32
      %dma_start3A_49 = arith.constant 0 : i32
      %dma_start3A_50 = tpu.memref_slice %arg4[%dma_start3A_48, %dma_start3A_49] : memref<10000x64xf32, #tpu.memory_space<hbm>> -> memref<10000x64xf32, #tpu.memory_space<hbm>>
      tpu.enqueue_indirect_dma source(%dma_start3A_50 : memref<10000x64xf32, #tpu.memory_space<hbm>>) target(%arg13 : memref<400x64xf32, #tpu.memory_space<vmem>>) offsets(%arg11 : memref<400xi32, #tpu.memory_space<vmem>>) semaphore(%arg17 : memref<!tpu.dma_semaphore, #tpu.memory_space<semaphore_mem>>)
      %add3A_51 = arith.constant 400 : i32
      %add3A_52 = arith.addi %mul3A_37, %add3A_51 : i32
      %dma_start3A_53 = tpu.memref_slice %arg5[%add3A_52] : memref<320000xi32, #tpu.memory_space<hbm>> -> memref<400xi32, #tpu.memory_space<hbm>>
      %dma_start3A_54 = tpu.memref_slice %arg5[%add3A_52] : memref<320000xi32, #tpu.memory_space<hbm>> -> memref<400xi32, #tpu.memory_space<hbm>>
      tpu.enqueue_dma source(%dma_start3A_54 : memref<400xi32, #tpu.memory_space<hbm>>) target(%arg14 : memref<400xi32, #tpu.memory_space<vmem>>) target_semaphore(%arg19 : memref<!tpu.dma_semaphore, #tpu.memory_space<semaphore_mem>>)
      %scan3A = arith.constant 0 : i32
      %scan3A_55 = arith.constant 0 : i32
      %scan3A_56 = arith.constant 25 : i32
      %scan3A_57 = arith.addi %scan3A_55, %scan3A_56 : i32
      %scan3A_58 = arith.constant 1 : i32
      %scan3A_59 = scf.for %scan3A_64 = %scan3A_55 to %scan3A_57 step %scan3A_58 iter_args(%scan3A_65 = %scan3A) -> (i32)  : i32 {
        %dma_wait3A_66 = arith.constant 0 : i32
        %dma_wait3A_67 = arith.constant 0 : i32
        %dma_wait3A_68 = tpu.memref_slice %arg4[%dma_wait3A_66, %dma_wait3A_67] : memref<10000x64xf32, #tpu.memory_space<hbm>> -> memref<10000x64xf32, #tpu.memory_space<hbm>>
        tpu.wait_indirect_dma semaphore(%arg17 : memref<!tpu.dma_semaphore, #tpu.memory_space<semaphore_mem>>) src(%dma_wait3A_68 : memref<10000x64xf32, #tpu.memory_space<hbm>>) dst(%arg13 : memref<400x64xf32, #tpu.memory_space<vmem>>)
        %dma_wait3A_69 = tpu.memref_slice %arg6[%mul3A_37] : memref<320000xi32, #tpu.memory_space<hbm>> -> memref<400xi32, #tpu.memory_space<hbm>>
        %dma_wait3A_70 = tpu.memref_slice %arg6[%mul3A_37] : memref<320000xi32, #tpu.memory_space<hbm>> -> memref<400xi32, #tpu.memory_space<hbm>>
        tpu.wait_dma2 semaphore(%arg20 : memref<!tpu.dma_semaphore, #tpu.memory_space<semaphore_mem>>) src(%dma_wait3A_70 : memref<400xi32, #tpu.memory_space<hbm>>) dst(%arg12 : memref<400xi32, #tpu.memory_space<vmem>>)
        %dma_start3A_71 = arith.constant 0 : i32
        %dma_start3A_72 = arith.constant 0 : i32
        %dma_start3A_73 = tpu.memref_slice %arg23[%dma_start3A_71, %dma_start3A_72] : memref<10000x64xf32, #tpu.memory_space<vmem_shared>> -> memref<10000x64xf32, #tpu.memory_space<vmem_shared>>
        tpu.enqueue_indirect_dma source(%arg13 : memref<400x64xf32, #tpu.memory_space<vmem>>) target(%dma_start3A_73 : memref<10000x64xf32, #tpu.memory_space<vmem_shared>>) offsets(%arg12 : memref<400xi32, #tpu.memory_space<vmem>>) semaphore(%arg18 : memref<!tpu.dma_semaphore, #tpu.memory_space<semaphore_mem>>) {add = true}
        %gt3A = arith.constant 0 : i32
        %gt3A_74 = arith.cmpi sgt, %scan3A_64, %gt3A : i32
        %convert_element_type3A_75 = arith.extui %gt3A_74 : i1 to i32
        %cond3A_76 = arith.constant 0 : i32
        %cond3A_77 = arith.cmpi ne, %convert_element_type3A_75, %cond3A_76 : i32
        scf.if %cond3A_77 {
          %dma_wait3A_114 = arith.constant 0 : i32
          %dma_wait3A_115 = arith.constant 0 : i32
          %dma_wait3A_116 = tpu.memref_slice %arg23[%dma_wait3A_114, %dma_wait3A_115] : memref<10000x64xf32, #tpu.memory_space<vmem_shared>> -> memref<10000x64xf32, #tpu.memory_space<vmem_shared>>
          tpu.wait_indirect_dma semaphore(%arg18 : memref<!tpu.dma_semaphore, #tpu.memory_space<semaphore_mem>>) src(%arg16 : memref<400x64xf32, #tpu.memory_space<vmem>>) dst(%dma_wait3A_116 : memref<10000x64xf32, #tpu.memory_space<vmem_shared>>)
        } else {
        }
        %mul3A_78 = arith.constant 2 : i32
        %mul3A_79 = arith.muli %mul3A_78, %scan3A_64 : i32
        %add3A_80 = arith.constant 1 : i32
        %add3A_81 = arith.addi %mul3A_79, %add3A_80 : i32
        %mul3A_82 = arith.constant 400 : i32
        %mul3A_83 = arith.muli %add3A_81, %mul3A_82 : i32
        %add3A_84 = arith.addi %mul3A_37, %mul3A_83 : i32
        %dma_start3A_85 = tpu.memref_slice %arg6[%add3A_84] : memref<320000xi32, #tpu.memory_space<hbm>> -> memref<400xi32, #tpu.memory_space<hbm>>
        %dma_start3A_86 = tpu.memref_slice %arg6[%add3A_84] : memref<320000xi32, #tpu.memory_space<hbm>> -> memref<400xi32, #tpu.memory_space<hbm>>
        tpu.enqueue_dma source(%dma_start3A_86 : memref<400xi32, #tpu.memory_space<hbm>>) target(%arg15 : memref<400xi32, #tpu.memory_space<vmem>>) target_semaphore(%arg20 : memref<!tpu.dma_semaphore, #tpu.memory_space<semaphore_mem>>)
        %dma_wait3A_87 = tpu.memref_slice %arg5[%mul3A_37] : memref<320000xi32, #tpu.memory_space<hbm>> -> memref<400xi32, #tpu.memory_space<hbm>>
        %dma_wait3A_88 = tpu.memref_slice %arg5[%mul3A_37] : memref<320000xi32, #tpu.memory_space<hbm>> -> memref<400xi32, #tpu.memory_space<hbm>>
        tpu.wait_dma2 semaphore(%arg19 : memref<!tpu.dma_semaphore, #tpu.memory_space<semaphore_mem>>) src(%dma_wait3A_88 : memref<400xi32, #tpu.memory_space<hbm>>) dst(%arg14 : memref<400xi32, #tpu.memory_space<vmem>>)
        %dma_start3A_89 = arith.constant 0 : i32
        %dma_start3A_90 = arith.constant 0 : i32
        %dma_start3A_91 = tpu.memref_slice %arg4[%dma_start3A_89, %dma_start3A_90] : memref<10000x64xf32, #tpu.memory_space<hbm>> -> memref<10000x64xf32, #tpu.memory_space<hbm>>
        tpu.enqueue_indirect_dma source(%dma_start3A_91 : memref<10000x64xf32, #tpu.memory_space<hbm>>) target(%arg16 : memref<400x64xf32, #tpu.memory_space<vmem>>) offsets(%arg14 : memref<400xi32, #tpu.memory_space<vmem>>) semaphore(%arg17 : memref<!tpu.dma_semaphore, #tpu.memory_space<semaphore_mem>>)
        %lt3A_92 = arith.constant 24 : i32
        %lt3A_93 = arith.cmpi slt, %scan3A_64, %lt3A_92 : i32
        %convert_element_type3A_94 = arith.extui %lt3A_93 : i1 to i32
        %cond3A_95 = arith.constant 0 : i32
        %cond3A_96 = arith.cmpi ne, %convert_element_type3A_94, %cond3A_95 : i32
        scf.if %cond3A_96 {
          %mul3A_114 = arith.constant 2 : i32
          %mul3A_115 = arith.muli %mul3A_114, %scan3A_64 : i32
          %add3A_116 = arith.constant 2 : i32
          %add3A_117 = arith.addi %mul3A_115, %add3A_116 : i32
          %mul3A_118 = arith.constant 400 : i32
          %mul3A_119 = arith.muli %add3A_117, %mul3A_118 : i32
          %add3A_120 = arith.addi %mul3A_37, %mul3A_119 : i32
          %dma_start3A_121 = tpu.memref_slice %arg5[%add3A_120] : memref<320000xi32, #tpu.memory_space<hbm>> -> memref<400xi32, #tpu.memory_space<hbm>>
          %dma_start3A_122 = tpu.memref_slice %arg5[%add3A_120] : memref<320000xi32, #tpu.memory_space<hbm>> -> memref<400xi32, #tpu.memory_space<hbm>>
          tpu.enqueue_dma source(%dma_start3A_122 : memref<400xi32, #tpu.memory_space<hbm>>) target(%arg11 : memref<400xi32, #tpu.memory_space<vmem>>) target_semaphore(%arg19 : memref<!tpu.dma_semaphore, #tpu.memory_space<semaphore_mem>>)
        } else {
        }
        %dma_wait3A_97 = arith.constant 0 : i32
        %dma_wait3A_98 = arith.constant 0 : i32
        %dma_wait3A_99 = tpu.memref_slice %arg4[%dma_wait3A_97, %dma_wait3A_98] : memref<10000x64xf32, #tpu.memory_space<hbm>> -> memref<10000x64xf32, #tpu.memory_space<hbm>>
        tpu.wait_indirect_dma semaphore(%arg17 : memref<!tpu.dma_semaphore, #tpu.memory_space<semaphore_mem>>) src(%dma_wait3A_99 : memref<10000x64xf32, #tpu.memory_space<hbm>>) dst(%arg16 : memref<400x64xf32, #tpu.memory_space<vmem>>)
        %dma_wait3A_100 = tpu.memref_slice %arg6[%mul3A_37] : memref<320000xi32, #tpu.memory_space<hbm>> -> memref<400xi32, #tpu.memory_space<hbm>>
        %dma_wait3A_101 = tpu.memref_slice %arg6[%mul3A_37] : memref<320000xi32, #tpu.memory_space<hbm>> -> memref<400xi32, #tpu.memory_space<hbm>>
        tpu.wait_dma2 semaphore(%arg20 : memref<!tpu.dma_semaphore, #tpu.memory_space<semaphore_mem>>) src(%dma_wait3A_101 : memref<400xi32, #tpu.memory_space<hbm>>) dst(%arg15 : memref<400xi32, #tpu.memory_space<vmem>>)
        %dma_start3A_102 = arith.constant 0 : i32
        %dma_start3A_103 = arith.constant 0 : i32
        %dma_start3A_104 = tpu.memref_slice %arg23[%dma_start3A_102, %dma_start3A_103] : memref<10000x64xf32, #tpu.memory_space<vmem_shared>> -> memref<10000x64xf32, #tpu.memory_space<vmem_shared>>
        tpu.enqueue_indirect_dma source(%arg16 : memref<400x64xf32, #tpu.memory_space<vmem>>) target(%dma_start3A_104 : memref<10000x64xf32, #tpu.memory_space<vmem_shared>>) offsets(%arg15 : memref<400xi32, #tpu.memory_space<vmem>>) semaphore(%arg18 : memref<!tpu.dma_semaphore, #tpu.memory_space<semaphore_mem>>) {add = true}
        %dma_wait3A_105 = arith.constant 0 : i32
        %dma_wait3A_106 = arith.constant 0 : i32
        %dma_wait3A_107 = tpu.memref_slice %arg23[%dma_wait3A_105, %dma_wait3A_106] : memref<10000x64xf32, #tpu.memory_space<vmem_shared>> -> memref<10000x64xf32, #tpu.memory_space<vmem_shared>>
        tpu.wait_indirect_dma semaphore(%arg18 : memref<!tpu.dma_semaphore, #tpu.memory_space<semaphore_mem>>) src(%arg13 : memref<400x64xf32, #tpu.memory_space<vmem>>) dst(%dma_wait3A_107 : memref<10000x64xf32, #tpu.memory_space<vmem_shared>>)
        %lt3A_108 = arith.constant 24 : i32
        %lt3A_109 = arith.cmpi slt, %scan3A_64, %lt3A_108 : i32
        %convert_element_type3A_110 = arith.extui %lt3A_109 : i1 to i32
        %cond3A_111 = arith.constant 0 : i32
        %cond3A_112 = arith.cmpi ne, %convert_element_type3A_110, %cond3A_111 : i32
        scf.if %cond3A_112 {
          %mul3A_114 = arith.constant 2 : i32
          %mul3A_115 = arith.muli %mul3A_114, %scan3A_64 : i32
          %add3A_116 = arith.constant 2 : i32
          %add3A_117 = arith.addi %mul3A_115, %add3A_116 : i32
          %mul3A_118 = arith.constant 400 : i32
          %mul3A_119 = arith.muli %add3A_117, %mul3A_118 : i32
          %add3A_120 = arith.addi %mul3A_37, %mul3A_119 : i32
          %dma_start3A_121 = tpu.memref_slice %arg6[%add3A_120] : memref<320000xi32, #tpu.memory_space<hbm>> -> memref<400xi32, #tpu.memory_space<hbm>>
          %dma_start3A_122 = tpu.memref_slice %arg6[%add3A_120] : memref<320000xi32, #tpu.memory_space<hbm>> -> memref<400xi32, #tpu.memory_space<hbm>>
          tpu.enqueue_dma source(%dma_start3A_122 : memref<400xi32, #tpu.memory_space<hbm>>) target(%arg12 : memref<400xi32, #tpu.memory_space<vmem>>) target_semaphore(%arg20 : memref<!tpu.dma_semaphore, #tpu.memory_space<semaphore_mem>>)
          %dma_wait3A_123 = tpu.memref_slice %arg5[%mul3A_37] : memref<320000xi32, #tpu.memory_space<hbm>> -> memref<400xi32, #tpu.memory_space<hbm>>
          %dma_wait3A_124 = tpu.memref_slice %arg5[%mul3A_37] : memref<320000xi32, #tpu.memory_space<hbm>> -> memref<400xi32, #tpu.memory_space<hbm>>
          tpu.wait_dma2 semaphore(%arg19 : memref<!tpu.dma_semaphore, #tpu.memory_space<semaphore_mem>>) src(%dma_wait3A_124 : memref<400xi32, #tpu.memory_space<hbm>>) dst(%arg11 : memref<400xi32, #tpu.memory_space<vmem>>)
          %dma_start3A_125 = arith.constant 0 : i32
          %dma_start3A_126 = arith.constant 0 : i32
          %dma_start3A_127 = tpu.memref_slice %arg4[%dma_start3A_125, %dma_start3A_126] : memref<10000x64xf32, #tpu.memory_space<hbm>> -> memref<10000x64xf32, #tpu.memory_space<hbm>>
          tpu.enqueue_indirect_dma source(%dma_start3A_127 : memref<10000x64xf32, #tpu.memory_space<hbm>>) target(%arg13 : memref<400x64xf32, #tpu.memory_space<vmem>>) offsets(%arg11 : memref<400xi32, #tpu.memory_space<vmem>>) semaphore(%arg17 : memref<!tpu.dma_semaphore, #tpu.memory_space<semaphore_mem>>)
          %mul3A_128 = arith.constant 2 : i32
          %mul3A_129 = arith.muli %mul3A_128, %scan3A_64 : i32
          %add3A_130 = arith.constant 3 : i32
          %add3A_131 = arith.addi %mul3A_129, %add3A_130 : i32
          %mul3A_132 = arith.constant 400 : i32
          %mul3A_133 = arith.muli %add3A_131, %mul3A_132 : i32
          %add3A_134 = arith.addi %mul3A_37, %mul3A_133 : i32
          %dma_start3A_135 = tpu.memref_slice %arg5[%add3A_134] : memref<320000xi32, #tpu.memory_space<hbm>> -> memref<400xi32, #tpu.memory_space<hbm>>
          %dma_start3A_136 = tpu.memref_slice %arg5[%add3A_134] : memref<320000xi32, #tpu.memory_space<hbm>> -> memref<400xi32, #tpu.memory_space<hbm>>
          tpu.enqueue_dma source(%dma_start3A_136 : memref<400xi32, #tpu.memory_space<hbm>>) target(%arg14 : memref<400xi32, #tpu.memory_space<vmem>>) target_semaphore(%arg19 : memref<!tpu.dma_semaphore, #tpu.memory_space<semaphore_mem>>)
        } else {
        }
        %scan3A_113 = arith.constant 0 : i32
        scf.yield %scan3A_113 : i32
      }
      %scan3A_60 = arith.constant 25 : i32
      %dma_wait3A_61 = arith.constant 0 : i32
      %dma_wait3A_62 = arith.constant 0 : i32
      %dma_wait3A_63 = tpu.memref_slice %arg23[%dma_wait3A_61, %dma_wait3A_62] : memref<10000x64xf32, #tpu.memory_space<vmem_shared>> -> memref<10000x64xf32, #tpu.memory_space<vmem_shared>>
      tpu.wait_indirect_dma semaphore(%arg18 : memref<!tpu.dma_semaphore, #tpu.memory_space<semaphore_mem>>) src(%arg16 : memref<400x64xf32, #tpu.memory_space<vmem>>) dst(%dma_wait3A_63 : memref<10000x64xf32, #tpu.memory_space<vmem_shared>>)
    } else {
    }
    %mul3A_19 = arith.constant 128 : i32
    %mul3A_20 = arith.muli %add3A, %mul3A_19 : i32
    "tpu.region"() ({
      %run_scoped3A = tpu.sem_alloc : memref<!tpu.dma_semaphore, #tpu.memory_space<semaphore_mem>>
      %dma_start3A_36 = tpu.memref_slice %arg7[%mul3A_20] : memref<4096xi32, #tpu.memory_space<hbm>> -> memref<128xi32, #tpu.memory_space<hbm>>
      %dma_start3A_37 = tpu.memref_slice %arg7[%mul3A_20] : memref<4096xi32, #tpu.memory_space<hbm>> -> memref<128xi32, #tpu.memory_space<hbm>>
      tpu.enqueue_dma source(%dma_start3A_37 : memref<128xi32, #tpu.memory_space<hbm>>) target(%arg21 : memref<128xi32, #tpu.memory_space<vmem>>) target_semaphore(%run_scoped3A : memref<!tpu.dma_semaphore, #tpu.memory_space<semaphore_mem>>)
      %dma_wait3A_38 = tpu.memref_slice %arg7[%mul3A_20] : memref<4096xi32, #tpu.memory_space<hbm>> -> memref<128xi32, #tpu.memory_space<hbm>>
      %dma_wait3A_39 = tpu.memref_slice %arg7[%mul3A_20] : memref<4096xi32, #tpu.memory_space<hbm>> -> memref<128xi32, #tpu.memory_space<hbm>>
      tpu.wait_dma2 semaphore(%run_scoped3A : memref<!tpu.dma_semaphore, #tpu.memory_space<semaphore_mem>>) src(%dma_wait3A_39 : memref<128xi32, #tpu.memory_space<hbm>>) dst(%arg21 : memref<128xi32, #tpu.memory_space<vmem>>)
      tpu.yield
    }) : () -> ()
    %dma_start3A = arith.constant 0 : i32
    %dma_start3A_21 = arith.constant 0 : i32
    %dma_start3A_22 = tpu.memref_slice %arg2[%dma_start3A, %dma_start3A_21] : memref<10000x128xf32, #tpu.memory_space<hbm>> -> memref<10000x128xf32, #tpu.memory_space<hbm>>
    tpu.enqueue_indirect_dma source(%dma_start3A_22 : memref<10000x128xf32, #tpu.memory_space<hbm>>) target(%arg22 : memref<128x128xf32, #tpu.memory_space<vmem>>) offsets(%arg21 : memref<128xi32, #tpu.memory_space<vmem>>) semaphore(%arg24 : memref<!tpu.dma_semaphore, #tpu.memory_space<semaphore_mem>>)
    %dma_wait3A = arith.constant 0 : i32
    %dma_wait3A_23 = arith.constant 0 : i32
    %dma_wait3A_24 = tpu.memref_slice %arg2[%dma_wait3A, %dma_wait3A_23] : memref<10000x128xf32, #tpu.memory_space<hbm>> -> memref<10000x128xf32, #tpu.memory_space<hbm>>
    tpu.wait_indirect_dma semaphore(%arg24 : memref<!tpu.dma_semaphore, #tpu.memory_space<semaphore_mem>>) src(%dma_wait3A_24 : memref<10000x128xf32, #tpu.memory_space<hbm>>) dst(%arg22 : memref<128x128xf32, #tpu.memory_space<vmem>>)
    "tpu.region"() ({
      %run_scoped3A = tpu.sem_alloc : memref<!tpu.dma_semaphore, #tpu.memory_space<semaphore_mem>>
      %dma_start3A_36 = arith.constant 0 : i32
      %dma_start3A_37 = tpu.memref_slice %arg10[%mul3A_20, %dma_start3A_36] : memref<4096x128xf32, #tpu.memory_space<hbm>> -> memref<128x128xf32, #tpu.memory_space<hbm>>
      %dma_start3A_38 = arith.constant 0 : i32
      %dma_start3A_39 = tpu.memref_slice %arg10[%mul3A_20, %dma_start3A_38] : memref<4096x128xf32, #tpu.memory_space<hbm>> -> memref<128x128xf32, #tpu.memory_space<hbm>>
      tpu.enqueue_dma source(%arg22 : memref<128x128xf32, #tpu.memory_space<vmem>>) target(%dma_start3A_39 : memref<128x128xf32, #tpu.memory_space<hbm>>) target_semaphore(%run_scoped3A : memref<!tpu.dma_semaphore, #tpu.memory_space<semaphore_mem>>)
      %dma_wait3A_40 = arith.constant 0 : i32
      %dma_wait3A_41 = tpu.memref_slice %arg10[%mul3A_20, %dma_wait3A_40] : memref<4096x128xf32, #tpu.memory_space<hbm>> -> memref<128x128xf32, #tpu.memory_space<hbm>>
      %dma_wait3A_42 = arith.constant 0 : i32
      %dma_wait3A_43 = tpu.memref_slice %arg10[%mul3A_20, %dma_wait3A_42] : memref<4096x128xf32, #tpu.memory_space<hbm>> -> memref<128x128xf32, #tpu.memory_space<hbm>>
      tpu.wait_dma2 semaphore(%run_scoped3A : memref<!tpu.dma_semaphore, #tpu.memory_space<semaphore_mem>>) src(%arg22 : memref<128x128xf32, #tpu.memory_space<vmem>>) dst(%dma_wait3A_43 : memref<128x128xf32, #tpu.memory_space<hbm>>)
      tpu.yield
    }) : () -> ()
    %barrier3A_25 = arith.constant 0 : index
    tpu.barrier barrier_id(%barrier3A_25)
    %lt3A_26 = arith.constant 15 : i32
    %lt3A_27 = arith.cmpi slt, %arg1, %lt3A_26 : i32
    %convert_element_type3A_28 = arith.extui %lt3A_27 : i1 to i32
    %cond3A_29 = arith.constant 0 : i32
    %cond3A_30 = arith.cmpi ne, %convert_element_type3A_28, %cond3A_29 : i32
    scf.if %cond3A_30 {
      %mul3A_36 = arith.constant 624 : i32
      %mul3A_37 = arith.muli %arg1, %mul3A_36 : i32
      %mul3A_38 = arith.constant 624 : i32
      %mul3A_39 = arith.muli %arg1, %mul3A_38 : i32
      "tpu.region"() ({
        %run_scoped3A = tpu.sem_alloc : memref<!tpu.dma_semaphore, #tpu.memory_space<semaphore_mem>>
        %dma_start3A_40 = tpu.memref_slice %arg9[%mul3A_39, %mul3A_0] : memref<10000x128xf32, #tpu.memory_space<hbm>> -> memref<624x64xf32, #tpu.memory_space<hbm>>
        %dma_start3A_41 = arith.constant 0 : i32
        %dma_start3A_42 = tpu.memref_slice %arg23[%mul3A_37, %dma_start3A_41] : memref<10000x64xf32, #tpu.memory_space<vmem_shared>> -> memref<624x64xf32, #tpu.memory_space<vmem_shared>>
        tpu.enqueue_dma source(%dma_start3A_42 : memref<624x64xf32, #tpu.memory_space<vmem_shared>>) target(%dma_start3A_40 : memref<624x64xf32, #tpu.memory_space<hbm>>) target_semaphore(%run_scoped3A : memref<!tpu.dma_semaphore, #tpu.memory_space<semaphore_mem>>)
        %dma_wait3A_43 = tpu.memref_slice %arg9[%mul3A_39, %mul3A_0] : memref<10000x128xf32, #tpu.memory_space<hbm>> -> memref<624x64xf32, #tpu.memory_space<hbm>>
        %dma_wait3A_44 = arith.constant 0 : i32
        %dma_wait3A_45 = tpu.memref_slice %arg23[%mul3A_37, %dma_wait3A_44] : memref<10000x64xf32, #tpu.memory_space<vmem_shared>> -> memref<624x64xf32, #tpu.memory_space<vmem_shared>>
        tpu.wait_dma2 semaphore(%run_scoped3A : memref<!tpu.dma_semaphore, #tpu.memory_space<semaphore_mem>>) src(%dma_wait3A_45 : memref<624x64xf32, #tpu.memory_space<vmem_shared>>) dst(%dma_wait3A_43 : memref<624x64xf32, #tpu.memory_space<hbm>>)
        tpu.yield
      }) : () -> ()
    } else {
    }
    %eq3A_31 = arith.constant 15 : i32
    %eq3A_32 = arith.cmpi eq, %arg1, %eq3A_31 : i32
    %convert_element_type3A_33 = arith.extui %eq3A_32 : i1 to i32
    %cond3A_34 = arith.constant 0 : i32
    %cond3A_35 = arith.cmpi ne, %convert_element_type3A_33, %cond3A_34 : i32
    scf.if %cond3A_35 {
      "tpu.region"() ({
        %run_scoped3A = tpu.sem_alloc : memref<!tpu.dma_semaphore, #tpu.memory_space<semaphore_mem>>
        %dma_start3A_36 = arith.constant 9360 : i32
        %dma_start3A_37 = tpu.memref_slice %arg9[%dma_start3A_36, %mul3A_0] : memref<10000x128xf32, #tpu.memory_space<hbm>> -> memref<640x64xf32, #tpu.memory_space<hbm>>
        %dma_start3A_38 = arith.constant 9360 : i32
        %dma_start3A_39 = arith.constant 0 : i32
        %dma_start3A_40 = tpu.memref_slice %arg23[%dma_start3A_38, %dma_start3A_39] : memref<10000x64xf32, #tpu.memory_space<vmem_shared>> -> memref<640x64xf32, #tpu.memory_space<vmem_shared>>
        tpu.enqueue_dma source(%dma_start3A_40 : memref<640x64xf32, #tpu.memory_space<vmem_shared>>) target(%dma_start3A_37 : memref<640x64xf32, #tpu.memory_space<hbm>>) target_semaphore(%run_scoped3A : memref<!tpu.dma_semaphore, #tpu.memory_space<semaphore_mem>>)
        %dma_wait3A_41 = arith.constant 9360 : i32
        %dma_wait3A_42 = tpu.memref_slice %arg9[%dma_wait3A_41, %mul3A_0] : memref<10000x128xf32, #tpu.memory_space<hbm>> -> memref<640x64xf32, #tpu.memory_space<hbm>>
        %dma_wait3A_43 = arith.constant 9360 : i32
        %dma_wait3A_44 = arith.constant 0 : i32
        %dma_wait3A_45 = tpu.memref_slice %arg23[%dma_wait3A_43, %dma_wait3A_44] : memref<10000x64xf32, #tpu.memory_space<vmem_shared>> -> memref<640x64xf32, #tpu.memory_space<vmem_shared>>
        tpu.wait_dma2 semaphore(%run_scoped3A : memref<!tpu.dma_semaphore, #tpu.memory_space<semaphore_mem>>) src(%dma_wait3A_45 : memref<640x64xf32, #tpu.memory_space<vmem_shared>>) dst(%dma_wait3A_42 : memref<640x64xf32, #tpu.memory_space<hbm>>)
        tpu.yield
      }) : () -> ()
    } else {
    }
    return
  }
}

#map = affine_map<(d0, d1) -> (0, 0)>
#map1 = affine_map<(d0, d1) -> (0)>
module attributes {stable_mosaic.version = 14 : i64} {
  func.func @_sc_layer1(%arg0: i32, %arg1: i32, %arg2: memref<10000x64xf32, #tpu.memory_space<hbm>>, %arg3: memref<10000x64xf32, #tpu.memory_space<hbm>>, %arg4: memref<320000xi32, #tpu.memory_space<hbm>>, %arg5: memref<320000xi32, #tpu.memory_space<hbm>>, %arg6: memref<640x64xf32, #tpu.memory_space<hbm>>, %arg7: memref<10000x128xf32, #tpu.memory_space<hbm>>, %arg8: memref<20000xf32, #tpu.memory_space<hbm>>, %arg9: memref<400xi32, #tpu.memory_space<vmem>>, %arg10: memref<400xi32, #tpu.memory_space<vmem>>, %arg11: memref<400x64xf32, #tpu.memory_space<vmem>>, %arg12: memref<400xi32, #tpu.memory_space<vmem>>, %arg13: memref<400xi32, #tpu.memory_space<vmem>>, %arg14: memref<400x64xf32, #tpu.memory_space<vmem>>, %arg15: memref<!tpu.dma_semaphore, #tpu.memory_space<semaphore_mem>>, %arg16: memref<!tpu.dma_semaphore, #tpu.memory_space<semaphore_mem>>, %arg17: memref<!tpu.dma_semaphore, #tpu.memory_space<semaphore_mem>>, %arg18: memref<!tpu.dma_semaphore, #tpu.memory_space<semaphore_mem>>, %arg19: memref<400xf32, #tpu.memory_space<vmem>>, %arg20: memref<10000xf32, #tpu.memory_space<vmem>>, %arg21: memref<10000x64xf32, #tpu.memory_space<vmem_shared>>, %arg22: memref<10000xf32, #tpu.memory_space<vmem_shared>>, %arg23: memref<!tpu.dma_semaphore, #tpu.memory_space<semaphore_mem>>) attributes {dimension_semantics = [#tpu.dimension_semantics<core_parallel>, #tpu.dimension_semantics<subcore_parallel>], iteration_bounds = array<i64: 2, 16>, scalar_prefetch = 0 : i64, scratch_operands = 15 : i64, tpu.core_type = #tpu.core_type<sc_vector_subcore>, window_params = [{transform_indices = #map}, {transform_indices = #map}, {transform_indices = #map1}, {transform_indices = #map1}, {transform_indices = #map}, {transform_indices = #map}, {transform_indices = #map1}]} {
    %mul3A = arith.constant 64 : i32
    %mul3A_0 = arith.muli %arg0, %mul3A : i32
    %lt3A = arith.constant 15 : i32
    %lt3A_1 = arith.cmpi slt, %arg1, %lt3A : i32
    %convert_element_type3A = arith.extui %lt3A_1 : i1 to i32
    %cond3A = arith.constant 0 : i32
    %cond3A_2 = arith.cmpi ne, %convert_element_type3A, %cond3A : i32
    scf.if %cond3A_2 {
      %mul3A_44 = arith.constant 624 : i32
      %mul3A_45 = arith.muli %arg1, %mul3A_44 : i32
      "tpu.region"() ({
        %run_scoped3A = tpu.sem_alloc : memref<!tpu.dma_semaphore, #tpu.memory_space<semaphore_mem>>
        %dma_start3A = arith.constant 0 : i32
        %dma_start3A_46 = tpu.memref_slice %arg21[%mul3A_45, %dma_start3A] : memref<10000x64xf32, #tpu.memory_space<vmem_shared>> -> memref<624x64xf32, #tpu.memory_space<vmem_shared>>
        %dma_start3A_47 = arith.constant 0 : i32
        %dma_start3A_48 = arith.constant 0 : i32
        %dma_start3A_49 = tpu.memref_slice %arg6[%dma_start3A_47, %dma_start3A_48] : memref<640x64xf32, #tpu.memory_space<hbm>> -> memref<624x64xf32, #tpu.memory_space<hbm>>
        tpu.enqueue_dma source(%dma_start3A_49 : memref<624x64xf32, #tpu.memory_space<hbm>>) target(%dma_start3A_46 : memref<624x64xf32, #tpu.memory_space<vmem_shared>>) target_semaphore(%run_scoped3A : memref<!tpu.dma_semaphore, #tpu.memory_space<semaphore_mem>>)
        %dma_wait3A = arith.constant 0 : i32
        %dma_wait3A_50 = tpu.memref_slice %arg21[%mul3A_45, %dma_wait3A] : memref<10000x64xf32, #tpu.memory_space<vmem_shared>> -> memref<624x64xf32, #tpu.memory_space<vmem_shared>>
        %dma_wait3A_51 = arith.constant 0 : i32
        %dma_wait3A_52 = arith.constant 0 : i32
        %dma_wait3A_53 = tpu.memref_slice %arg6[%dma_wait3A_51, %dma_wait3A_52] : memref<640x64xf32, #tpu.memory_space<hbm>> -> memref<624x64xf32, #tpu.memory_space<hbm>>
        tpu.wait_dma2 semaphore(%run_scoped3A : memref<!tpu.dma_semaphore, #tpu.memory_space<semaphore_mem>>) src(%dma_wait3A_53 : memref<624x64xf32, #tpu.memory_space<hbm>>) dst(%dma_wait3A_50 : memref<624x64xf32, #tpu.memory_space<vmem_shared>>)
        tpu.yield
      }) : () -> ()
    } else {
    }
    %eq3A = arith.constant 15 : i32
    %eq3A_3 = arith.cmpi eq, %arg1, %eq3A : i32
    %convert_element_type3A_4 = arith.extui %eq3A_3 : i1 to i32
    %cond3A_5 = arith.constant 0 : i32
    %cond3A_6 = arith.cmpi ne, %convert_element_type3A_4, %cond3A_5 : i32
    scf.if %cond3A_6 {
      "tpu.region"() ({
        %run_scoped3A = tpu.sem_alloc : memref<!tpu.dma_semaphore, #tpu.memory_space<semaphore_mem>>
        %dma_start3A = arith.constant 9360 : i32
        %dma_start3A_44 = arith.constant 0 : i32
        %dma_start3A_45 = tpu.memref_slice %arg21[%dma_start3A, %dma_start3A_44] : memref<10000x64xf32, #tpu.memory_space<vmem_shared>> -> memref<640x64xf32, #tpu.memory_space<vmem_shared>>
        tpu.enqueue_dma source(%arg6 : memref<640x64xf32, #tpu.memory_space<hbm>>) target(%dma_start3A_45 : memref<640x64xf32, #tpu.memory_space<vmem_shared>>) target_semaphore(%run_scoped3A : memref<!tpu.dma_semaphore, #tpu.memory_space<semaphore_mem>>)
        %dma_wait3A = arith.constant 9360 : i32
        %dma_wait3A_46 = arith.constant 0 : i32
        %dma_wait3A_47 = tpu.memref_slice %arg21[%dma_wait3A, %dma_wait3A_46] : memref<10000x64xf32, #tpu.memory_space<vmem_shared>> -> memref<640x64xf32, #tpu.memory_space<vmem_shared>>
        tpu.wait_dma2 semaphore(%run_scoped3A : memref<!tpu.dma_semaphore, #tpu.memory_space<semaphore_mem>>) src(%arg6 : memref<640x64xf32, #tpu.memory_space<hbm>>) dst(%dma_wait3A_47 : memref<640x64xf32, #tpu.memory_space<vmem_shared>>)
        tpu.yield
      }) : () -> ()
    } else {
    }
    %eq3A_7 = arith.constant 0 : i32
    %eq3A_8 = arith.cmpi eq, %arg1, %eq3A_7 : i32
    %convert_element_type3A_9 = arith.extui %eq3A_8 : i1 to i32
    %cond3A_10 = arith.constant 0 : i32
    %cond3A_11 = arith.cmpi ne, %convert_element_type3A_9, %cond3A_10 : i32
    scf.if %cond3A_11 {
      %scan3A_44 = arith.constant 0 : i32
      %scan3A_45 = arith.constant 0 : i32
      %scan3A_46 = arith.constant 625 : i32
      %scan3A_47 = arith.addi %scan3A_45, %scan3A_46 : i32
      %scan3A_48 = arith.constant 1 : i32
      %scan3A_49 = scf.for %scan3A_51 = %scan3A_45 to %scan3A_47 step %scan3A_48 iter_args(%scan3A_52 = %scan3A_44) -> (i32)  : i32 {
        %broadcast_in_dim3A = arith.constant 0.000000e+00 : f32
        %broadcast_in_dim3A_53 = vector.broadcast %broadcast_in_dim3A : f32 to vector<16xf32>
        %mul3A_54 = arith.constant 16 : i32
        %mul3A_55 = arith.muli %scan3A_51, %mul3A_54 : i32
        %swap3A = arith.index_cast %mul3A_55 : i32 to index
        %swap3A_56 = tpu.vector_load %arg20[%swap3A] {strides = array<i32>} : memref<10000xf32, #tpu.memory_space<vmem>>, vector<16xf32>,
        %swap3A_57 = vector.shape_cast %swap3A_56 : vector<16xf32> to vector<16xf32>
        %swap3A_58 = vector.shape_cast %broadcast_in_dim3A_53 : vector<16xf32> to vector<16xf32>
        tpu.vector_store %arg20[%swap3A], %swap3A_58 {strides = array<i32>} : memref<10000xf32, #tpu.memory_space<vmem>>, vector<16xf32>,
        %scan3A_59 = arith.constant 0 : i32
        scf.yield %scan3A_59 : i32
      }
      %scan3A_50 = arith.constant 625 : i32
      "tpu.region"() ({
        %run_scoped3A = tpu.sem_alloc : memref<!tpu.dma_semaphore, #tpu.memory_space<semaphore_mem>>
        tpu.enqueue_dma source(%arg20 : memref<10000xf32, #tpu.memory_space<vmem>>) target(%arg22 : memref<10000xf32, #tpu.memory_space<vmem_shared>>) target_semaphore(%run_scoped3A : memref<!tpu.dma_semaphore, #tpu.memory_space<semaphore_mem>>)
        tpu.wait_dma2 semaphore(%run_scoped3A : memref<!tpu.dma_semaphore, #tpu.memory_space<semaphore_mem>>) src(%arg20 : memref<10000xf32, #tpu.memory_space<vmem>>) dst(%arg22 : memref<10000xf32, #tpu.memory_space<vmem_shared>>)
        tpu.yield
      }) : () -> ()
    } else {
    }
    %scan3A = arith.constant 0 : i32
    %scan3A_12 = arith.constant 0 : i32
    %scan3A_13 = arith.constant 25 : i32
    %scan3A_14 = arith.addi %scan3A_12, %scan3A_13 : i32
    %scan3A_15 = arith.constant 1 : i32
    %scan3A_16 = scf.for %scan3A_44 = %scan3A_12 to %scan3A_14 step %scan3A_15 iter_args(%scan3A_45 = %scan3A) -> (i32)  : i32 {
      %broadcast_in_dim3A = arith.constant 1.000000e+00 : f32
      %broadcast_in_dim3A_46 = vector.broadcast %broadcast_in_dim3A : f32 to vector<16xf32>
      %mul3A_47 = arith.constant 16 : i32
      %mul3A_48 = arith.muli %scan3A_44, %mul3A_47 : i32
      %swap3A = arith.index_cast %mul3A_48 : i32 to index
      %swap3A_49 = tpu.vector_load %arg19[%swap3A] {strides = array<i32>} : memref<400xf32, #tpu.memory_space<vmem>>, vector<16xf32>,
      %swap3A_50 = vector.shape_cast %swap3A_49 : vector<16xf32> to vector<16xf32>
      %swap3A_51 = vector.shape_cast %broadcast_in_dim3A_46 : vector<16xf32> to vector<16xf32>
      tpu.vector_store %arg19[%swap3A], %swap3A_51 {strides = array<i32>} : memref<400xf32, #tpu.memory_space<vmem>>, vector<16xf32>,
      %scan3A_52 = arith.constant 0 : i32
      scf.yield %scan3A_52 : i32
    }
    %scan3A_17 = arith.constant 25 : i32
    %barrier3A = arith.constant 0 : index
    tpu.barrier barrier_id(%barrier3A)
    %eq3A_18 = arith.constant 0 : i32
    %eq3A_19 = arith.cmpi eq, %arg0, %eq3A_18 : i32
    %convert_element_type3A_20 = arith.extui %eq3A_19 : i1 to i32
    %cond3A_21 = arith.constant 0 : i32
    %cond3A_22 = arith.cmpi ne, %convert_element_type3A_20, %cond3A_21 : i32
    scf.if %cond3A_22 {
      %mul3A_44 = arith.constant 20000 : i32
      %mul3A_45 = arith.muli %arg1, %mul3A_44 : i32
      %add3A = arith.constant 0 : i32
      %add3A_46 = arith.addi %mul3A_45, %add3A : i32
      %dma_start3A = tpu.memref_slice %arg4[%add3A_46] : memref<320000xi32, #tpu.memory_space<hbm>> -> memref<400xi32, #tpu.memory_space<hbm>>
      %dma_start3A_47 = tpu.memref_slice %arg4[%add3A_46] : memref<320000xi32, #tpu.memory_space<hbm>> -> memref<400xi32, #tpu.memory_space<hbm>>
      tpu.enqueue_dma source(%dma_start3A_47 : memref<400xi32, #tpu.memory_space<hbm>>) target(%arg9 : memref<400xi32, #tpu.memory_space<vmem>>) target_semaphore(%arg17 : memref<!tpu.dma_semaphore, #tpu.memory_space<semaphore_mem>>)
      %add3A_48 = arith.constant 0 : i32
      %add3A_49 = arith.addi %mul3A_45, %add3A_48 : i32
      %dma_start3A_50 = tpu.memref_slice %arg5[%add3A_49] : memref<320000xi32, #tpu.memory_space<hbm>> -> memref<400xi32, #tpu.memory_space<hbm>>
      %dma_start3A_51 = tpu.memref_slice %arg5[%add3A_49] : memref<320000xi32, #tpu.memory_space<hbm>> -> memref<400xi32, #tpu.memory_space<hbm>>
      tpu.enqueue_dma source(%dma_start3A_51 : memref<400xi32, #tpu.memory_space<hbm>>) target(%arg10 : memref<400xi32, #tpu.memory_space<vmem>>) target_semaphore(%arg18 : memref<!tpu.dma_semaphore, #tpu.memory_space<semaphore_mem>>)
      %dma_wait3A = tpu.memref_slice %arg4[%mul3A_45] : memref<320000xi32, #tpu.memory_space<hbm>> -> memref<400xi32, #tpu.memory_space<hbm>>
      %dma_wait3A_52 = tpu.memref_slice %arg4[%mul3A_45] : memref<320000xi32, #tpu.memory_space<hbm>> -> memref<400xi32, #tpu.memory_space<hbm>>
      tpu.wait_dma2 semaphore(%arg17 : memref<!tpu.dma_semaphore, #tpu.memory_space<semaphore_mem>>) src(%dma_wait3A_52 : memref<400xi32, #tpu.memory_space<hbm>>) dst(%arg9 : memref<400xi32, #tpu.memory_space<vmem>>)
      %dma_start3A_53 = arith.constant 0 : i32
      %dma_start3A_54 = arith.constant 0 : i32
      %dma_start3A_55 = tpu.memref_slice %arg2[%dma_start3A_53, %dma_start3A_54] : memref<10000x64xf32, #tpu.memory_space<hbm>> -> memref<10000x64xf32, #tpu.memory_space<hbm>>
      tpu.enqueue_indirect_dma source(%dma_start3A_55 : memref<10000x64xf32, #tpu.memory_space<hbm>>) target(%arg11 : memref<400x64xf32, #tpu.memory_space<vmem>>) offsets(%arg9 : memref<400xi32, #tpu.memory_space<vmem>>) semaphore(%arg15 : memref<!tpu.dma_semaphore, #tpu.memory_space<semaphore_mem>>)
      %add3A_56 = arith.constant 400 : i32
      %add3A_57 = arith.addi %mul3A_45, %add3A_56 : i32
      %dma_start3A_58 = tpu.memref_slice %arg4[%add3A_57] : memref<320000xi32, #tpu.memory_space<hbm>> -> memref<400xi32, #tpu.memory_space<hbm>>
      %dma_start3A_59 = tpu.memref_slice %arg4[%add3A_57] : memref<320000xi32, #tpu.memory_space<hbm>> -> memref<400xi32, #tpu.memory_space<hbm>>
      tpu.enqueue_dma source(%dma_start3A_59 : memref<400xi32, #tpu.memory_space<hbm>>) target(%arg12 : memref<400xi32, #tpu.memory_space<vmem>>) target_semaphore(%arg17 : memref<!tpu.dma_semaphore, #tpu.memory_space<semaphore_mem>>)
      %scan3A_60 = arith.constant 0 : i32
      %scan3A_61 = arith.constant 0 : i32
      %scan3A_62 = arith.constant 25 : i32
      %scan3A_63 = arith.addi %scan3A_61, %scan3A_62 : i32
      %scan3A_64 = arith.constant 1 : i32
      %scan3A_65 = scf.for %scan3A_75 = %scan3A_61 to %scan3A_63 step %scan3A_64 iter_args(%scan3A_76 = %scan3A_60) -> (i32)  : i32 {
        %dma_wait3A_77 = arith.constant 0 : i32
        %dma_wait3A_78 = arith.constant 0 : i32
        %dma_wait3A_79 = tpu.memref_slice %arg2[%dma_wait3A_77, %dma_wait3A_78] : memref<10000x64xf32, #tpu.memory_space<hbm>> -> memref<10000x64xf32, #tpu.memory_space<hbm>>
        tpu.wait_indirect_dma semaphore(%arg15 : memref<!tpu.dma_semaphore, #tpu.memory_space<semaphore_mem>>) src(%dma_wait3A_79 : memref<10000x64xf32, #tpu.memory_space<hbm>>) dst(%arg11 : memref<400x64xf32, #tpu.memory_space<vmem>>)
        %dma_wait3A_80 = tpu.memref_slice %arg5[%mul3A_45] : memref<320000xi32, #tpu.memory_space<hbm>> -> memref<400xi32, #tpu.memory_space<hbm>>
        %dma_wait3A_81 = tpu.memref_slice %arg5[%mul3A_45] : memref<320000xi32, #tpu.memory_space<hbm>> -> memref<400xi32, #tpu.memory_space<hbm>>
        tpu.wait_dma2 semaphore(%arg18 : memref<!tpu.dma_semaphore, #tpu.memory_space<semaphore_mem>>) src(%dma_wait3A_81 : memref<400xi32, #tpu.memory_space<hbm>>) dst(%arg10 : memref<400xi32, #tpu.memory_space<vmem>>)
        %dma_start3A_82 = arith.constant 0 : i32
        %dma_start3A_83 = arith.constant 0 : i32
        %dma_start3A_84 = tpu.memref_slice %arg21[%dma_start3A_82, %dma_start3A_83] : memref<10000x64xf32, #tpu.memory_space<vmem_shared>> -> memref<10000x64xf32, #tpu.memory_space<vmem_shared>>
        tpu.enqueue_indirect_dma source(%arg11 : memref<400x64xf32, #tpu.memory_space<vmem>>) target(%dma_start3A_84 : memref<10000x64xf32, #tpu.memory_space<vmem_shared>>) offsets(%arg10 : memref<400xi32, #tpu.memory_space<vmem>>) semaphore(%arg16 : memref<!tpu.dma_semaphore, #tpu.memory_space<semaphore_mem>>) {add = true}
        %eq3A_85 = arith.constant 0 : i32
        %eq3A_86 = arith.cmpi eq, %arg0, %eq3A_85 : i32
        %convert_element_type3A_87 = arith.extui %eq3A_86 : i1 to i32
        %cond3A_88 = arith.constant 0 : i32
        %cond3A_89 = arith.cmpi ne, %convert_element_type3A_87, %cond3A_88 : i32
        scf.if %cond3A_89 {
          %dma_start3A_140 = arith.constant 0 : i32
          %dma_start3A_141 = tpu.memref_slice %arg22[%dma_start3A_140] : memref<10000xf32, #tpu.memory_space<vmem_shared>> -> memref<10000xf32, #tpu.memory_space<vmem_shared>>
          tpu.enqueue_indirect_dma source(%arg19 : memref<400xf32, #tpu.memory_space<vmem>>) target(%dma_start3A_141 : memref<10000xf32, #tpu.memory_space<vmem_shared>>) offsets(%arg10 : memref<400xi32, #tpu.memory_space<vmem>>) semaphore(%arg23 : memref<!tpu.dma_semaphore, #tpu.memory_space<semaphore_mem>>) {add = true}
        } else {
        }
        %gt3A = arith.constant 0 : i32
        %gt3A_90 = arith.cmpi sgt, %scan3A_75, %gt3A : i32
        %convert_element_type3A_91 = arith.extui %gt3A_90 : i1 to i32
        %cond3A_92 = arith.constant 0 : i32
        %cond3A_93 = arith.cmpi ne, %convert_element_type3A_91, %cond3A_92 : i32
        scf.if %cond3A_93 {
          %dma_wait3A_140 = arith.constant 0 : i32
          %dma_wait3A_141 = arith.constant 0 : i32
          %dma_wait3A_142 = tpu.memref_slice %arg21[%dma_wait3A_140, %dma_wait3A_141] : memref<10000x64xf32, #tpu.memory_space<vmem_shared>> -> memref<10000x64xf32, #tpu.memory_space<vmem_shared>>
          tpu.wait_indirect_dma semaphore(%arg16 : memref<!tpu.dma_semaphore, #tpu.memory_space<semaphore_mem>>) src(%arg14 : memref<400x64xf32, #tpu.memory_space<vmem>>) dst(%dma_wait3A_142 : memref<10000x64xf32, #tpu.memory_space<vmem_shared>>)
          %eq3A_143 = arith.constant 1 : i32
          %eq3A_144 = arith.cmpi eq, %arg0, %eq3A_143 : i32
          %convert_element_type3A_145 = arith.extui %eq3A_144 : i1 to i32
          %cond3A_146 = arith.constant 0 : i32
          %cond3A_147 = arith.cmpi ne, %convert_element_type3A_145, %cond3A_146 : i32
          scf.if %cond3A_147 {
            %dma_wait3A_148 = arith.constant 0 : i32
            %dma_wait3A_149 = tpu.memref_slice %arg22[%dma_wait3A_148] : memref<10000xf32, #tpu.memory_space<vmem_shared>> -> memref<10000xf32, #tpu.memory_space<vmem_shared>>
            tpu.wait_indirect_dma semaphore(%arg23 : memref<!tpu.dma_semaphore, #tpu.memory_space<semaphore_mem>>) src(%arg19 : memref<400xf32, #tpu.memory_space<vmem>>) dst(%dma_wait3A_149 : memref<10000xf32, #tpu.memory_space<vmem_shared>>)
          } else {
          }
        } else {
        }
        %mul3A_94 = arith.constant 2 : i32
        %mul3A_95 = arith.muli %mul3A_94, %scan3A_75 : i32
        %add3A_96 = arith.constant 1 : i32
        %add3A_97 = arith.addi %mul3A_95, %add3A_96 : i32
        %mul3A_98 = arith.constant 400 : i32
        %mul3A_99 = arith.muli %add3A_97, %mul3A_98 : i32
        %add3A_100 = arith.addi %mul3A_45, %mul3A_99 : i32
        %dma_start3A_101 = tpu.memref_slice %arg5[%add3A_100] : memref<320000xi32, #tpu.memory_space<hbm>> -> memref<400xi32, #tpu.memory_space<hbm>>
        %dma_start3A_102 = tpu.memref_slice %arg5[%add3A_100] : memref<320000xi32, #tpu.memory_space<hbm>> -> memref<400xi32, #tpu.memory_space<hbm>>
        tpu.enqueue_dma source(%dma_start3A_102 : memref<400xi32, #tpu.memory_space<hbm>>) target(%arg13 : memref<400xi32, #tpu.memory_space<vmem>>) target_semaphore(%arg18 : memref<!tpu.dma_semaphore, #tpu.memory_space<semaphore_mem>>)
        %dma_wait3A_103 = tpu.memref_slice %arg4[%mul3A_45] : memref<320000xi32, #tpu.memory_space<hbm>> -> memref<400xi32, #tpu.memory_space<hbm>>
        %dma_wait3A_104 = tpu.memref_slice %arg4[%mul3A_45] : memref<320000xi32, #tpu.memory_space<hbm>> -> memref<400xi32, #tpu.memory_space<hbm>>
        tpu.wait_dma2 semaphore(%arg17 : memref<!tpu.dma_semaphore, #tpu.memory_space<semaphore_mem>>) src(%dma_wait3A_104 : memref<400xi32, #tpu.memory_space<hbm>>) dst(%arg12 : memref<400xi32, #tpu.memory_space<vmem>>)
        %dma_start3A_105 = arith.constant 0 : i32
        %dma_start3A_106 = arith.constant 0 : i32
        %dma_start3A_107 = tpu.memref_slice %arg2[%dma_start3A_105, %dma_start3A_106] : memref<10000x64xf32, #tpu.memory_space<hbm>> -> memref<10000x64xf32, #tpu.memory_space<hbm>>
        tpu.enqueue_indirect_dma source(%dma_start3A_107 : memref<10000x64xf32, #tpu.memory_space<hbm>>) target(%arg14 : memref<400x64xf32, #tpu.memory_space<vmem>>) offsets(%arg12 : memref<400xi32, #tpu.memory_space<vmem>>) semaphore(%arg15 : memref<!tpu.dma_semaphore, #tpu.memory_space<semaphore_mem>>)
        %lt3A_108 = arith.constant 24 : i32
        %lt3A_109 = arith.cmpi slt, %scan3A_75, %lt3A_108 : i32
        %convert_element_type3A_110 = arith.extui %lt3A_109 : i1 to i32
        %cond3A_111 = arith.constant 0 : i32
        %cond3A_112 = arith.cmpi ne, %convert_element_type3A_110, %cond3A_111 : i32
        scf.if %cond3A_112 {
          %mul3A_140 = arith.constant 2 : i32
          %mul3A_141 = arith.muli %mul3A_140, %scan3A_75 : i32
          %add3A_142 = arith.constant 2 : i32
          %add3A_143 = arith.addi %mul3A_141, %add3A_142 : i32
          %mul3A_144 = arith.constant 400 : i32
          %mul3A_145 = arith.muli %add3A_143, %mul3A_144 : i32
          %add3A_146 = arith.addi %mul3A_45, %mul3A_145 : i32
          %dma_start3A_147 = tpu.memref_slice %arg4[%add3A_146] : memref<320000xi32, #tpu.memory_space<hbm>> -> memref<400xi32, #tpu.memory_space<hbm>>
          %dma_start3A_148 = tpu.memref_slice %arg4[%add3A_146] : memref<320000xi32, #tpu.memory_space<hbm>> -> memref<400xi32, #tpu.memory_space<hbm>>
          tpu.enqueue_dma source(%dma_start3A_148 : memref<400xi32, #tpu.memory_space<hbm>>) target(%arg9 : memref<400xi32, #tpu.memory_space<vmem>>) target_semaphore(%arg17 : memref<!tpu.dma_semaphore, #tpu.memory_space<semaphore_mem>>)
        } else {
        }
        %dma_wait3A_113 = arith.constant 0 : i32
        %dma_wait3A_114 = arith.constant 0 : i32
        %dma_wait3A_115 = tpu.memref_slice %arg2[%dma_wait3A_113, %dma_wait3A_114] : memref<10000x64xf32, #tpu.memory_space<hbm>> -> memref<10000x64xf32, #tpu.memory_space<hbm>>
        tpu.wait_indirect_dma semaphore(%arg15 : memref<!tpu.dma_semaphore, #tpu.memory_space<semaphore_mem>>) src(%dma_wait3A_115 : memref<10000x64xf32, #tpu.memory_space<hbm>>) dst(%arg14 : memref<400x64xf32, #tpu.memory_space<vmem>>)
        %dma_wait3A_116 = tpu.memref_slice %arg5[%mul3A_45] : memref<320000xi32, #tpu.memory_space<hbm>> -> memref<400xi32, #tpu.memory_space<hbm>>
        %dma_wait3A_117 = tpu.memref_slice %arg5[%mul3A_45] : memref<320000xi32, #tpu.memory_space<hbm>> -> memref<400xi32, #tpu.memory_space<hbm>>
        tpu.wait_dma2 semaphore(%arg18 : memref<!tpu.dma_semaphore, #tpu.memory_space<semaphore_mem>>) src(%dma_wait3A_117 : memref<400xi32, #tpu.memory_space<hbm>>) dst(%arg13 : memref<400xi32, #tpu.memory_space<vmem>>)
        %dma_start3A_118 = arith.constant 0 : i32
        %dma_start3A_119 = arith.constant 0 : i32
        %dma_start3A_120 = tpu.memref_slice %arg21[%dma_start3A_118, %dma_start3A_119] : memref<10000x64xf32, #tpu.memory_space<vmem_shared>> -> memref<10000x64xf32, #tpu.memory_space<vmem_shared>>
        tpu.enqueue_indirect_dma source(%arg14 : memref<400x64xf32, #tpu.memory_space<vmem>>) target(%dma_start3A_120 : memref<10000x64xf32, #tpu.memory_space<vmem_shared>>) offsets(%arg13 : memref<400xi32, #tpu.memory_space<vmem>>) semaphore(%arg16 : memref<!tpu.dma_semaphore, #tpu.memory_space<semaphore_mem>>) {add = true}
        %eq3A_121 = arith.constant 1 : i32
        %eq3A_122 = arith.cmpi eq, %arg0, %eq3A_121 : i32
        %convert_element_type3A_123 = arith.extui %eq3A_122 : i1 to i32
        %cond3A_124 = arith.constant 0 : i32
        %cond3A_125 = arith.cmpi ne, %convert_element_type3A_123, %cond3A_124 : i32
        scf.if %cond3A_125 {
          %dma_start3A_140 = arith.constant 0 : i32
          %dma_start3A_141 = tpu.memref_slice %arg22[%dma_start3A_140] : memref<10000xf32, #tpu.memory_space<vmem_shared>> -> memref<10000xf32, #tpu.memory_space<vmem_shared>>
          tpu.enqueue_indirect_dma source(%arg19 : memref<400xf32, #tpu.memory_space<vmem>>) target(%dma_start3A_141 : memref<10000xf32, #tpu.memory_space<vmem_shared>>) offsets(%arg13 : memref<400xi32, #tpu.memory_space<vmem>>) semaphore(%arg23 : memref<!tpu.dma_semaphore, #tpu.memory_space<semaphore_mem>>) {add = true}
        } else {
        }
        %dma_wait3A_126 = arith.constant 0 : i32
        %dma_wait3A_127 = arith.constant 0 : i32
        %dma_wait3A_128 = tpu.memref_slice %arg21[%dma_wait3A_126, %dma_wait3A_127] : memref<10000x64xf32, #tpu.memory_space<vmem_shared>> -> memref<10000x64xf32, #tpu.memory_space<vmem_shared>>
        tpu.wait_indirect_dma semaphore(%arg16 : memref<!tpu.dma_semaphore, #tpu.memory_space<semaphore_mem>>) src(%arg11 : memref<400x64xf32, #tpu.memory_space<vmem>>) dst(%dma_wait3A_128 : memref<10000x64xf32, #tpu.memory_space<vmem_shared>>)
        %eq3A_129 = arith.constant 0 : i32
        %eq3A_130 = arith.cmpi eq, %arg0, %eq3A_129 : i32
        %convert_element_type3A_131 = arith.extui %eq3A_130 : i1 to i32
        %cond3A_132 = arith.constant 0 : i32
        %cond3A_133 = arith.cmpi ne, %convert_element_type3A_131, %cond3A_132 : i32
        scf.if %cond3A_133 {
          %dma_wait3A_140 = arith.constant 0 : i32
          %dma_wait3A_141 = tpu.memref_slice %arg22[%dma_wait3A_140] : memref<10000xf32, #tpu.memory_space<vmem_shared>> -> memref<10000xf32, #tpu.memory_space<vmem_shared>>
          tpu.wait_indirect_dma semaphore(%arg23 : memref<!tpu.dma_semaphore, #tpu.memory_space<semaphore_mem>>) src(%arg19 : memref<400xf32, #tpu.memory_space<vmem>>) dst(%dma_wait3A_141 : memref<10000xf32, #tpu.memory_space<vmem_shared>>)
        } else {
        }
        %lt3A_134 = arith.constant 24 : i32
        %lt3A_135 = arith.cmpi slt, %scan3A_75, %lt3A_134 : i32
        %convert_element_type3A_136 = arith.extui %lt3A_135 : i1 to i32
        %cond3A_137 = arith.constant 0 : i32
        %cond3A_138 = arith.cmpi ne, %convert_element_type3A_136, %cond3A_137 : i32
        scf.if %cond3A_138 {
          %mul3A_140 = arith.constant 2 : i32
          %mul3A_141 = arith.muli %mul3A_140, %scan3A_75 : i32
          %add3A_142 = arith.constant 2 : i32
          %add3A_143 = arith.addi %mul3A_141, %add3A_142 : i32
          %mul3A_144 = arith.constant 400 : i32
          %mul3A_145 = arith.muli %add3A_143, %mul3A_144 : i32
          %add3A_146 = arith.addi %mul3A_45, %mul3A_145 : i32
          %dma_start3A_147 = tpu.memref_slice %arg5[%add3A_146] : memref<320000xi32, #tpu.memory_space<hbm>> -> memref<400xi32, #tpu.memory_space<hbm>>
          %dma_start3A_148 = tpu.memref_slice %arg5[%add3A_146] : memref<320000xi32, #tpu.memory_space<hbm>> -> memref<400xi32, #tpu.memory_space<hbm>>
          tpu.enqueue_dma source(%dma_start3A_148 : memref<400xi32, #tpu.memory_space<hbm>>) target(%arg10 : memref<400xi32, #tpu.memory_space<vmem>>) target_semaphore(%arg18 : memref<!tpu.dma_semaphore, #tpu.memory_space<semaphore_mem>>)
          %dma_wait3A_149 = tpu.memref_slice %arg4[%mul3A_45] : memref<320000xi32, #tpu.memory_space<hbm>> -> memref<400xi32, #tpu.memory_space<hbm>>
          %dma_wait3A_150 = tpu.memref_slice %arg4[%mul3A_45] : memref<320000xi32, #tpu.memory_space<hbm>> -> memref<400xi32, #tpu.memory_space<hbm>>
          tpu.wait_dma2 semaphore(%arg17 : memref<!tpu.dma_semaphore, #tpu.memory_space<semaphore_mem>>) src(%dma_wait3A_150 : memref<400xi32, #tpu.memory_space<hbm>>) dst(%arg9 : memref<400xi32, #tpu.memory_space<vmem>>)
          %dma_start3A_151 = arith.constant 0 : i32
          %dma_start3A_152 = arith.constant 0 : i32
          %dma_start3A_153 = tpu.memref_slice %arg2[%dma_start3A_151, %dma_start3A_152] : memref<10000x64xf32, #tpu.memory_space<hbm>> -> memref<10000x64xf32, #tpu.memory_space<hbm>>
          tpu.enqueue_indirect_dma source(%dma_start3A_153 : memref<10000x64xf32, #tpu.memory_space<hbm>>) target(%arg11 : memref<400x64xf32, #tpu.memory_space<vmem>>) offsets(%arg9 : memref<400xi32, #tpu.memory_space<vmem>>) semaphore(%arg15 : memref<!tpu.dma_semaphore, #tpu.memory_space<semaphore_mem>>)
          %mul3A_154 = arith.constant 2 : i32
          %mul3A_155 = arith.muli %mul3A_154, %scan3A_75 : i32
          %add3A_156 = arith.constant 3 : i32
          %add3A_157 = arith.addi %mul3A_155, %add3A_156 : i32
          %mul3A_158 = arith.constant 400 : i32
          %mul3A_159 = arith.muli %add3A_157, %mul3A_158 : i32
          %add3A_160 = arith.addi %mul3A_45, %mul3A_159 : i32
          %dma_start3A_161 = tpu.memref_slice %arg4[%add3A_160] : memref<320000xi32, #tpu.memory_space<hbm>> -> memref<400xi32, #tpu.memory_space<hbm>>
          %dma_start3A_162 = tpu.memref_slice %arg4[%add3A_160] : memref<320000xi32, #tpu.memory_space<hbm>> -> memref<400xi32, #tpu.memory_space<hbm>>
          tpu.enqueue_dma source(%dma_start3A_162 : memref<400xi32, #tpu.memory_space<hbm>>) target(%arg12 : memref<400xi32, #tpu.memory_space<vmem>>) target_semaphore(%arg17 : memref<!tpu.dma_semaphore, #tpu.memory_space<semaphore_mem>>)
        } else {
        }
        %scan3A_139 = arith.constant 0 : i32
        scf.yield %scan3A_139 : i32
      }
      %scan3A_66 = arith.constant 25 : i32
      %dma_wait3A_67 = arith.constant 0 : i32
      %dma_wait3A_68 = arith.constant 0 : i32
      %dma_wait3A_69 = tpu.memref_slice %arg21[%dma_wait3A_67, %dma_wait3A_68] : memref<10000x64xf32, #tpu.memory_space<vmem_shared>> -> memref<10000x64xf32, #tpu.memory_space<vmem_shared>>
      tpu.wait_indirect_dma semaphore(%arg16 : memref<!tpu.dma_semaphore, #tpu.memory_space<semaphore_mem>>) src(%arg14 : memref<400x64xf32, #tpu.memory_space<vmem>>) dst(%dma_wait3A_69 : memref<10000x64xf32, #tpu.memory_space<vmem_shared>>)
      %eq3A_70 = arith.constant 1 : i32
      %eq3A_71 = arith.cmpi eq, %arg0, %eq3A_70 : i32
      %convert_element_type3A_72 = arith.extui %eq3A_71 : i1 to i32
      %cond3A_73 = arith.constant 0 : i32
      %cond3A_74 = arith.cmpi ne, %convert_element_type3A_72, %cond3A_73 : i32
      scf.if %cond3A_74 {
        %dma_wait3A_75 = arith.constant 0 : i32
        %dma_wait3A_76 = tpu.memref_slice %arg22[%dma_wait3A_75] : memref<10000xf32, #tpu.memory_space<vmem_shared>> -> memref<10000xf32, #tpu.memory_space<vmem_shared>>
        tpu.wait_indirect_dma semaphore(%arg23 : memref<!tpu.dma_semaphore, #tpu.memory_space<semaphore_mem>>) src(%arg19 : memref<400xf32, #tpu.memory_space<vmem>>) dst(%dma_wait3A_76 : memref<10000xf32, #tpu.memory_space<vmem_shared>>)
      } else {
      }
    } else {
    }
    %eq3A_23 = arith.constant 1 : i32
    %eq3A_24 = arith.cmpi eq, %arg0, %eq3A_23 : i32
    %convert_element_type3A_25 = arith.extui %eq3A_24 : i1 to i32
    %cond3A_26 = arith.constant 0 : i32
    %cond3A_27 = arith.cmpi ne, %convert_element_type3A_25, %cond3A_26 : i32
    scf.if %cond3A_27 {
      %mul3A_44 = arith.constant 20000 : i32
      %mul3A_45 = arith.muli %arg1, %mul3A_44 : i32
      %add3A = arith.constant 0 : i32
      %add3A_46 = arith.addi %mul3A_45, %add3A : i32
      %dma_start3A = tpu.memref_slice %arg4[%add3A_46] : memref<320000xi32, #tpu.memory_space<hbm>> -> memref<400xi32, #tpu.memory_space<hbm>>
      %dma_start3A_47 = tpu.memref_slice %arg4[%add3A_46] : memref<320000xi32, #tpu.memory_space<hbm>> -> memref<400xi32, #tpu.memory_space<hbm>>
      tpu.enqueue_dma source(%dma_start3A_47 : memref<400xi32, #tpu.memory_space<hbm>>) target(%arg9 : memref<400xi32, #tpu.memory_space<vmem>>) target_semaphore(%arg17 : memref<!tpu.dma_semaphore, #tpu.memory_space<semaphore_mem>>)
      %add3A_48 = arith.constant 0 : i32
      %add3A_49 = arith.addi %mul3A_45, %add3A_48 : i32
      %dma_start3A_50 = tpu.memref_slice %arg5[%add3A_49] : memref<320000xi32, #tpu.memory_space<hbm>> -> memref<400xi32, #tpu.memory_space<hbm>>
      %dma_start3A_51 = tpu.memref_slice %arg5[%add3A_49] : memref<320000xi32, #tpu.memory_space<hbm>> -> memref<400xi32, #tpu.memory_space<hbm>>
      tpu.enqueue_dma source(%dma_start3A_51 : memref<400xi32, #tpu.memory_space<hbm>>) target(%arg10 : memref<400xi32, #tpu.memory_space<vmem>>) target_semaphore(%arg18 : memref<!tpu.dma_semaphore, #tpu.memory_space<semaphore_mem>>)
      %dma_wait3A = tpu.memref_slice %arg4[%mul3A_45] : memref<320000xi32, #tpu.memory_space<hbm>> -> memref<400xi32, #tpu.memory_space<hbm>>
      %dma_wait3A_52 = tpu.memref_slice %arg4[%mul3A_45] : memref<320000xi32, #tpu.memory_space<hbm>> -> memref<400xi32, #tpu.memory_space<hbm>>
      tpu.wait_dma2 semaphore(%arg17 : memref<!tpu.dma_semaphore, #tpu.memory_space<semaphore_mem>>) src(%dma_wait3A_52 : memref<400xi32, #tpu.memory_space<hbm>>) dst(%arg9 : memref<400xi32, #tpu.memory_space<vmem>>)
      %dma_start3A_53 = arith.constant 0 : i32
      %dma_start3A_54 = arith.constant 0 : i32
      %dma_start3A_55 = tpu.memref_slice %arg3[%dma_start3A_53, %dma_start3A_54] : memref<10000x64xf32, #tpu.memory_space<hbm>> -> memref<10000x64xf32, #tpu.memory_space<hbm>>
      tpu.enqueue_indirect_dma source(%dma_start3A_55 : memref<10000x64xf32, #tpu.memory_space<hbm>>) target(%arg11 : memref<400x64xf32, #tpu.memory_space<vmem>>) offsets(%arg9 : memref<400xi32, #tpu.memory_space<vmem>>) semaphore(%arg15 : memref<!tpu.dma_semaphore, #tpu.memory_space<semaphore_mem>>)
      %add3A_56 = arith.constant 400 : i32
      %add3A_57 = arith.addi %mul3A_45, %add3A_56 : i32
      %dma_start3A_58 = tpu.memref_slice %arg4[%add3A_57] : memref<320000xi32, #tpu.memory_space<hbm>> -> memref<400xi32, #tpu.memory_space<hbm>>
      %dma_start3A_59 = tpu.memref_slice %arg4[%add3A_57] : memref<320000xi32, #tpu.memory_space<hbm>> -> memref<400xi32, #tpu.memory_space<hbm>>
      tpu.enqueue_dma source(%dma_start3A_59 : memref<400xi32, #tpu.memory_space<hbm>>) target(%arg12 : memref<400xi32, #tpu.memory_space<vmem>>) target_semaphore(%arg17 : memref<!tpu.dma_semaphore, #tpu.memory_space<semaphore_mem>>)
      %scan3A_60 = arith.constant 0 : i32
      %scan3A_61 = arith.constant 0 : i32
      %scan3A_62 = arith.constant 25 : i32
      %scan3A_63 = arith.addi %scan3A_61, %scan3A_62 : i32
      %scan3A_64 = arith.constant 1 : i32
      %scan3A_65 = scf.for %scan3A_75 = %scan3A_61 to %scan3A_63 step %scan3A_64 iter_args(%scan3A_76 = %scan3A_60) -> (i32)  : i32 {
        %dma_wait3A_77 = arith.constant 0 : i32
        %dma_wait3A_78 = arith.constant 0 : i32
        %dma_wait3A_79 = tpu.memref_slice %arg3[%dma_wait3A_77, %dma_wait3A_78] : memref<10000x64xf32, #tpu.memory_space<hbm>> -> memref<10000x64xf32, #tpu.memory_space<hbm>>
        tpu.wait_indirect_dma semaphore(%arg15 : memref<!tpu.dma_semaphore, #tpu.memory_space<semaphore_mem>>) src(%dma_wait3A_79 : memref<10000x64xf32, #tpu.memory_space<hbm>>) dst(%arg11 : memref<400x64xf32, #tpu.memory_space<vmem>>)
        %dma_wait3A_80 = tpu.memref_slice %arg5[%mul3A_45] : memref<320000xi32, #tpu.memory_space<hbm>> -> memref<400xi32, #tpu.memory_space<hbm>>
        %dma_wait3A_81 = tpu.memref_slice %arg5[%mul3A_45] : memref<320000xi32, #tpu.memory_space<hbm>> -> memref<400xi32, #tpu.memory_space<hbm>>
        tpu.wait_dma2 semaphore(%arg18 : memref<!tpu.dma_semaphore, #tpu.memory_space<semaphore_mem>>) src(%dma_wait3A_81 : memref<400xi32, #tpu.memory_space<hbm>>) dst(%arg10 : memref<400xi32, #tpu.memory_space<vmem>>)
        %dma_start3A_82 = arith.constant 0 : i32
        %dma_start3A_83 = arith.constant 0 : i32
        %dma_start3A_84 = tpu.memref_slice %arg21[%dma_start3A_82, %dma_start3A_83] : memref<10000x64xf32, #tpu.memory_space<vmem_shared>> -> memref<10000x64xf32, #tpu.memory_space<vmem_shared>>
        tpu.enqueue_indirect_dma source(%arg11 : memref<400x64xf32, #tpu.memory_space<vmem>>) target(%dma_start3A_84 : memref<10000x64xf32, #tpu.memory_space<vmem_shared>>) offsets(%arg10 : memref<400xi32, #tpu.memory_space<vmem>>) semaphore(%arg16 : memref<!tpu.dma_semaphore, #tpu.memory_space<semaphore_mem>>) {add = true}
        %eq3A_85 = arith.constant 0 : i32
        %eq3A_86 = arith.cmpi eq, %arg0, %eq3A_85 : i32
        %convert_element_type3A_87 = arith.extui %eq3A_86 : i1 to i32
        %cond3A_88 = arith.constant 0 : i32
        %cond3A_89 = arith.cmpi ne, %convert_element_type3A_87, %cond3A_88 : i32
        scf.if %cond3A_89 {
          %dma_start3A_140 = arith.constant 0 : i32
          %dma_start3A_141 = tpu.memref_slice %arg22[%dma_start3A_140] : memref<10000xf32, #tpu.memory_space<vmem_shared>> -> memref<10000xf32, #tpu.memory_space<vmem_shared>>
          tpu.enqueue_indirect_dma source(%arg19 : memref<400xf32, #tpu.memory_space<vmem>>) target(%dma_start3A_141 : memref<10000xf32, #tpu.memory_space<vmem_shared>>) offsets(%arg10 : memref<400xi32, #tpu.memory_space<vmem>>) semaphore(%arg23 : memref<!tpu.dma_semaphore, #tpu.memory_space<semaphore_mem>>) {add = true}
        } else {
        }
        %gt3A = arith.constant 0 : i32
        %gt3A_90 = arith.cmpi sgt, %scan3A_75, %gt3A : i32
        %convert_element_type3A_91 = arith.extui %gt3A_90 : i1 to i32
        %cond3A_92 = arith.constant 0 : i32
        %cond3A_93 = arith.cmpi ne, %convert_element_type3A_91, %cond3A_92 : i32
        scf.if %cond3A_93 {
          %dma_wait3A_140 = arith.constant 0 : i32
          %dma_wait3A_141 = arith.constant 0 : i32
          %dma_wait3A_142 = tpu.memref_slice %arg21[%dma_wait3A_140, %dma_wait3A_141] : memref<10000x64xf32, #tpu.memory_space<vmem_shared>> -> memref<10000x64xf32, #tpu.memory_space<vmem_shared>>
          tpu.wait_indirect_dma semaphore(%arg16 : memref<!tpu.dma_semaphore, #tpu.memory_space<semaphore_mem>>) src(%arg14 : memref<400x64xf32, #tpu.memory_space<vmem>>) dst(%dma_wait3A_142 : memref<10000x64xf32, #tpu.memory_space<vmem_shared>>)
          %eq3A_143 = arith.constant 1 : i32
          %eq3A_144 = arith.cmpi eq, %arg0, %eq3A_143 : i32
          %convert_element_type3A_145 = arith.extui %eq3A_144 : i1 to i32
          %cond3A_146 = arith.constant 0 : i32
          %cond3A_147 = arith.cmpi ne, %convert_element_type3A_145, %cond3A_146 : i32
          scf.if %cond3A_147 {
            %dma_wait3A_148 = arith.constant 0 : i32
            %dma_wait3A_149 = tpu.memref_slice %arg22[%dma_wait3A_148] : memref<10000xf32, #tpu.memory_space<vmem_shared>> -> memref<10000xf32, #tpu.memory_space<vmem_shared>>
            tpu.wait_indirect_dma semaphore(%arg23 : memref<!tpu.dma_semaphore, #tpu.memory_space<semaphore_mem>>) src(%arg19 : memref<400xf32, #tpu.memory_space<vmem>>) dst(%dma_wait3A_149 : memref<10000xf32, #tpu.memory_space<vmem_shared>>)
          } else {
          }
        } else {
        }
        %mul3A_94 = arith.constant 2 : i32
        %mul3A_95 = arith.muli %mul3A_94, %scan3A_75 : i32
        %add3A_96 = arith.constant 1 : i32
        %add3A_97 = arith.addi %mul3A_95, %add3A_96 : i32
        %mul3A_98 = arith.constant 400 : i32
        %mul3A_99 = arith.muli %add3A_97, %mul3A_98 : i32
        %add3A_100 = arith.addi %mul3A_45, %mul3A_99 : i32
        %dma_start3A_101 = tpu.memref_slice %arg5[%add3A_100] : memref<320000xi32, #tpu.memory_space<hbm>> -> memref<400xi32, #tpu.memory_space<hbm>>
        %dma_start3A_102 = tpu.memref_slice %arg5[%add3A_100] : memref<320000xi32, #tpu.memory_space<hbm>> -> memref<400xi32, #tpu.memory_space<hbm>>
        tpu.enqueue_dma source(%dma_start3A_102 : memref<400xi32, #tpu.memory_space<hbm>>) target(%arg13 : memref<400xi32, #tpu.memory_space<vmem>>) target_semaphore(%arg18 : memref<!tpu.dma_semaphore, #tpu.memory_space<semaphore_mem>>)
        %dma_wait3A_103 = tpu.memref_slice %arg4[%mul3A_45] : memref<320000xi32, #tpu.memory_space<hbm>> -> memref<400xi32, #tpu.memory_space<hbm>>
        %dma_wait3A_104 = tpu.memref_slice %arg4[%mul3A_45] : memref<320000xi32, #tpu.memory_space<hbm>> -> memref<400xi32, #tpu.memory_space<hbm>>
        tpu.wait_dma2 semaphore(%arg17 : memref<!tpu.dma_semaphore, #tpu.memory_space<semaphore_mem>>) src(%dma_wait3A_104 : memref<400xi32, #tpu.memory_space<hbm>>) dst(%arg12 : memref<400xi32, #tpu.memory_space<vmem>>)
        %dma_start3A_105 = arith.constant 0 : i32
        %dma_start3A_106 = arith.constant 0 : i32
        %dma_start3A_107 = tpu.memref_slice %arg3[%dma_start3A_105, %dma_start3A_106] : memref<10000x64xf32, #tpu.memory_space<hbm>> -> memref<10000x64xf32, #tpu.memory_space<hbm>>
        tpu.enqueue_indirect_dma source(%dma_start3A_107 : memref<10000x64xf32, #tpu.memory_space<hbm>>) target(%arg14 : memref<400x64xf32, #tpu.memory_space<vmem>>) offsets(%arg12 : memref<400xi32, #tpu.memory_space<vmem>>) semaphore(%arg15 : memref<!tpu.dma_semaphore, #tpu.memory_space<semaphore_mem>>)
        %lt3A_108 = arith.constant 24 : i32
        %lt3A_109 = arith.cmpi slt, %scan3A_75, %lt3A_108 : i32
        %convert_element_type3A_110 = arith.extui %lt3A_109 : i1 to i32
        %cond3A_111 = arith.constant 0 : i32
        %cond3A_112 = arith.cmpi ne, %convert_element_type3A_110, %cond3A_111 : i32
        scf.if %cond3A_112 {
          %mul3A_140 = arith.constant 2 : i32
          %mul3A_141 = arith.muli %mul3A_140, %scan3A_75 : i32
          %add3A_142 = arith.constant 2 : i32
          %add3A_143 = arith.addi %mul3A_141, %add3A_142 : i32
          %mul3A_144 = arith.constant 400 : i32
          %mul3A_145 = arith.muli %add3A_143, %mul3A_144 : i32
          %add3A_146 = arith.addi %mul3A_45, %mul3A_145 : i32
          %dma_start3A_147 = tpu.memref_slice %arg4[%add3A_146] : memref<320000xi32, #tpu.memory_space<hbm>> -> memref<400xi32, #tpu.memory_space<hbm>>
          %dma_start3A_148 = tpu.memref_slice %arg4[%add3A_146] : memref<320000xi32, #tpu.memory_space<hbm>> -> memref<400xi32, #tpu.memory_space<hbm>>
          tpu.enqueue_dma source(%dma_start3A_148 : memref<400xi32, #tpu.memory_space<hbm>>) target(%arg9 : memref<400xi32, #tpu.memory_space<vmem>>) target_semaphore(%arg17 : memref<!tpu.dma_semaphore, #tpu.memory_space<semaphore_mem>>)
        } else {
        }
        %dma_wait3A_113 = arith.constant 0 : i32
        %dma_wait3A_114 = arith.constant 0 : i32
        %dma_wait3A_115 = tpu.memref_slice %arg3[%dma_wait3A_113, %dma_wait3A_114] : memref<10000x64xf32, #tpu.memory_space<hbm>> -> memref<10000x64xf32, #tpu.memory_space<hbm>>
        tpu.wait_indirect_dma semaphore(%arg15 : memref<!tpu.dma_semaphore, #tpu.memory_space<semaphore_mem>>) src(%dma_wait3A_115 : memref<10000x64xf32, #tpu.memory_space<hbm>>) dst(%arg14 : memref<400x64xf32, #tpu.memory_space<vmem>>)
        %dma_wait3A_116 = tpu.memref_slice %arg5[%mul3A_45] : memref<320000xi32, #tpu.memory_space<hbm>> -> memref<400xi32, #tpu.memory_space<hbm>>
        %dma_wait3A_117 = tpu.memref_slice %arg5[%mul3A_45] : memref<320000xi32, #tpu.memory_space<hbm>> -> memref<400xi32, #tpu.memory_space<hbm>>
        tpu.wait_dma2 semaphore(%arg18 : memref<!tpu.dma_semaphore, #tpu.memory_space<semaphore_mem>>) src(%dma_wait3A_117 : memref<400xi32, #tpu.memory_space<hbm>>) dst(%arg13 : memref<400xi32, #tpu.memory_space<vmem>>)
        %dma_start3A_118 = arith.constant 0 : i32
        %dma_start3A_119 = arith.constant 0 : i32
        %dma_start3A_120 = tpu.memref_slice %arg21[%dma_start3A_118, %dma_start3A_119] : memref<10000x64xf32, #tpu.memory_space<vmem_shared>> -> memref<10000x64xf32, #tpu.memory_space<vmem_shared>>
        tpu.enqueue_indirect_dma source(%arg14 : memref<400x64xf32, #tpu.memory_space<vmem>>) target(%dma_start3A_120 : memref<10000x64xf32, #tpu.memory_space<vmem_shared>>) offsets(%arg13 : memref<400xi32, #tpu.memory_space<vmem>>) semaphore(%arg16 : memref<!tpu.dma_semaphore, #tpu.memory_space<semaphore_mem>>) {add = true}
        %eq3A_121 = arith.constant 1 : i32
        %eq3A_122 = arith.cmpi eq, %arg0, %eq3A_121 : i32
        %convert_element_type3A_123 = arith.extui %eq3A_122 : i1 to i32
        %cond3A_124 = arith.constant 0 : i32
        %cond3A_125 = arith.cmpi ne, %convert_element_type3A_123, %cond3A_124 : i32
        scf.if %cond3A_125 {
          %dma_start3A_140 = arith.constant 0 : i32
          %dma_start3A_141 = tpu.memref_slice %arg22[%dma_start3A_140] : memref<10000xf32, #tpu.memory_space<vmem_shared>> -> memref<10000xf32, #tpu.memory_space<vmem_shared>>
          tpu.enqueue_indirect_dma source(%arg19 : memref<400xf32, #tpu.memory_space<vmem>>) target(%dma_start3A_141 : memref<10000xf32, #tpu.memory_space<vmem_shared>>) offsets(%arg13 : memref<400xi32, #tpu.memory_space<vmem>>) semaphore(%arg23 : memref<!tpu.dma_semaphore, #tpu.memory_space<semaphore_mem>>) {add = true}
        } else {
        }
        %dma_wait3A_126 = arith.constant 0 : i32
        %dma_wait3A_127 = arith.constant 0 : i32
        %dma_wait3A_128 = tpu.memref_slice %arg21[%dma_wait3A_126, %dma_wait3A_127] : memref<10000x64xf32, #tpu.memory_space<vmem_shared>> -> memref<10000x64xf32, #tpu.memory_space<vmem_shared>>
        tpu.wait_indirect_dma semaphore(%arg16 : memref<!tpu.dma_semaphore, #tpu.memory_space<semaphore_mem>>) src(%arg11 : memref<400x64xf32, #tpu.memory_space<vmem>>) dst(%dma_wait3A_128 : memref<10000x64xf32, #tpu.memory_space<vmem_shared>>)
        %eq3A_129 = arith.constant 0 : i32
        %eq3A_130 = arith.cmpi eq, %arg0, %eq3A_129 : i32
        %convert_element_type3A_131 = arith.extui %eq3A_130 : i1 to i32
        %cond3A_132 = arith.constant 0 : i32
        %cond3A_133 = arith.cmpi ne, %convert_element_type3A_131, %cond3A_132 : i32
        scf.if %cond3A_133 {
          %dma_wait3A_140 = arith.constant 0 : i32
          %dma_wait3A_141 = tpu.memref_slice %arg22[%dma_wait3A_140] : memref<10000xf32, #tpu.memory_space<vmem_shared>> -> memref<10000xf32, #tpu.memory_space<vmem_shared>>
          tpu.wait_indirect_dma semaphore(%arg23 : memref<!tpu.dma_semaphore, #tpu.memory_space<semaphore_mem>>) src(%arg19 : memref<400xf32, #tpu.memory_space<vmem>>) dst(%dma_wait3A_141 : memref<10000xf32, #tpu.memory_space<vmem_shared>>)
        } else {
        }
        %lt3A_134 = arith.constant 24 : i32
        %lt3A_135 = arith.cmpi slt, %scan3A_75, %lt3A_134 : i32
        %convert_element_type3A_136 = arith.extui %lt3A_135 : i1 to i32
        %cond3A_137 = arith.constant 0 : i32
        %cond3A_138 = arith.cmpi ne, %convert_element_type3A_136, %cond3A_137 : i32
        scf.if %cond3A_138 {
          %mul3A_140 = arith.constant 2 : i32
          %mul3A_141 = arith.muli %mul3A_140, %scan3A_75 : i32
          %add3A_142 = arith.constant 2 : i32
          %add3A_143 = arith.addi %mul3A_141, %add3A_142 : i32
          %mul3A_144 = arith.constant 400 : i32
          %mul3A_145 = arith.muli %add3A_143, %mul3A_144 : i32
          %add3A_146 = arith.addi %mul3A_45, %mul3A_145 : i32
          %dma_start3A_147 = tpu.memref_slice %arg5[%add3A_146] : memref<320000xi32, #tpu.memory_space<hbm>> -> memref<400xi32, #tpu.memory_space<hbm>>
          %dma_start3A_148 = tpu.memref_slice %arg5[%add3A_146] : memref<320000xi32, #tpu.memory_space<hbm>> -> memref<400xi32, #tpu.memory_space<hbm>>
          tpu.enqueue_dma source(%dma_start3A_148 : memref<400xi32, #tpu.memory_space<hbm>>) target(%arg10 : memref<400xi32, #tpu.memory_space<vmem>>) target_semaphore(%arg18 : memref<!tpu.dma_semaphore, #tpu.memory_space<semaphore_mem>>)
          %dma_wait3A_149 = tpu.memref_slice %arg4[%mul3A_45] : memref<320000xi32, #tpu.memory_space<hbm>> -> memref<400xi32, #tpu.memory_space<hbm>>
          %dma_wait3A_150 = tpu.memref_slice %arg4[%mul3A_45] : memref<320000xi32, #tpu.memory_space<hbm>> -> memref<400xi32, #tpu.memory_space<hbm>>
          tpu.wait_dma2 semaphore(%arg17 : memref<!tpu.dma_semaphore, #tpu.memory_space<semaphore_mem>>) src(%dma_wait3A_150 : memref<400xi32, #tpu.memory_space<hbm>>) dst(%arg9 : memref<400xi32, #tpu.memory_space<vmem>>)
          %dma_start3A_151 = arith.constant 0 : i32
          %dma_start3A_152 = arith.constant 0 : i32
          %dma_start3A_153 = tpu.memref_slice %arg3[%dma_start3A_151, %dma_start3A_152] : memref<10000x64xf32, #tpu.memory_space<hbm>> -> memref<10000x64xf32, #tpu.memory_space<hbm>>
          tpu.enqueue_indirect_dma source(%dma_start3A_153 : memref<10000x64xf32, #tpu.memory_space<hbm>>) target(%arg11 : memref<400x64xf32, #tpu.memory_space<vmem>>) offsets(%arg9 : memref<400xi32, #tpu.memory_space<vmem>>) semaphore(%arg15 : memref<!tpu.dma_semaphore, #tpu.memory_space<semaphore_mem>>)
          %mul3A_154 = arith.constant 2 : i32
          %mul3A_155 = arith.muli %mul3A_154, %scan3A_75 : i32
          %add3A_156 = arith.constant 3 : i32
          %add3A_157 = arith.addi %mul3A_155, %add3A_156 : i32
          %mul3A_158 = arith.constant 400 : i32
          %mul3A_159 = arith.muli %add3A_157, %mul3A_158 : i32
          %add3A_160 = arith.addi %mul3A_45, %mul3A_159 : i32
          %dma_start3A_161 = tpu.memref_slice %arg4[%add3A_160] : memref<320000xi32, #tpu.memory_space<hbm>> -> memref<400xi32, #tpu.memory_space<hbm>>
          %dma_start3A_162 = tpu.memref_slice %arg4[%add3A_160] : memref<320000xi32, #tpu.memory_space<hbm>> -> memref<400xi32, #tpu.memory_space<hbm>>
          tpu.enqueue_dma source(%dma_start3A_162 : memref<400xi32, #tpu.memory_space<hbm>>) target(%arg12 : memref<400xi32, #tpu.memory_space<vmem>>) target_semaphore(%arg17 : memref<!tpu.dma_semaphore, #tpu.memory_space<semaphore_mem>>)
        } else {
        }
        %scan3A_139 = arith.constant 0 : i32
        scf.yield %scan3A_139 : i32
      }
      %scan3A_66 = arith.constant 25 : i32
      %dma_wait3A_67 = arith.constant 0 : i32
      %dma_wait3A_68 = arith.constant 0 : i32
      %dma_wait3A_69 = tpu.memref_slice %arg21[%dma_wait3A_67, %dma_wait3A_68] : memref<10000x64xf32, #tpu.memory_space<vmem_shared>> -> memref<10000x64xf32, #tpu.memory_space<vmem_shared>>
      tpu.wait_indirect_dma semaphore(%arg16 : memref<!tpu.dma_semaphore, #tpu.memory_space<semaphore_mem>>) src(%arg14 : memref<400x64xf32, #tpu.memory_space<vmem>>) dst(%dma_wait3A_69 : memref<10000x64xf32, #tpu.memory_space<vmem_shared>>)
      %eq3A_70 = arith.constant 1 : i32
      %eq3A_71 = arith.cmpi eq, %arg0, %eq3A_70 : i32
      %convert_element_type3A_72 = arith.extui %eq3A_71 : i1 to i32
      %cond3A_73 = arith.constant 0 : i32
      %cond3A_74 = arith.cmpi ne, %convert_element_type3A_72, %cond3A_73 : i32
      scf.if %cond3A_74 {
        %dma_wait3A_75 = arith.constant 0 : i32
        %dma_wait3A_76 = tpu.memref_slice %arg22[%dma_wait3A_75] : memref<10000xf32, #tpu.memory_space<vmem_shared>> -> memref<10000xf32, #tpu.memory_space<vmem_shared>>
        tpu.wait_indirect_dma semaphore(%arg23 : memref<!tpu.dma_semaphore, #tpu.memory_space<semaphore_mem>>) src(%arg19 : memref<400xf32, #tpu.memory_space<vmem>>) dst(%dma_wait3A_76 : memref<10000xf32, #tpu.memory_space<vmem_shared>>)
      } else {
      }
    } else {
    }
    %barrier3A_28 = arith.constant 0 : index
    tpu.barrier barrier_id(%barrier3A_28)
    %lt3A_29 = arith.constant 15 : i32
    %lt3A_30 = arith.cmpi slt, %arg1, %lt3A_29 : i32
    %convert_element_type3A_31 = arith.extui %lt3A_30 : i1 to i32
    %cond3A_32 = arith.constant 0 : i32
    %cond3A_33 = arith.cmpi ne, %convert_element_type3A_31, %cond3A_32 : i32
    scf.if %cond3A_33 {
      %mul3A_44 = arith.constant 624 : i32
      %mul3A_45 = arith.muli %arg1, %mul3A_44 : i32
      %mul3A_46 = arith.constant 624 : i32
      %mul3A_47 = arith.muli %arg1, %mul3A_46 : i32
      "tpu.region"() ({
        %run_scoped3A = tpu.sem_alloc : memref<!tpu.dma_semaphore, #tpu.memory_space<semaphore_mem>>
        %dma_start3A = tpu.memref_slice %arg7[%mul3A_47, %mul3A_0] : memref<10000x128xf32, #tpu.memory_space<hbm>> -> memref<624x64xf32, #tpu.memory_space<hbm>>
        %dma_start3A_48 = arith.constant 0 : i32
        %dma_start3A_49 = tpu.memref_slice %arg21[%mul3A_45, %dma_start3A_48] : memref<10000x64xf32, #tpu.memory_space<vmem_shared>> -> memref<624x64xf32, #tpu.memory_space<vmem_shared>>
        tpu.enqueue_dma source(%dma_start3A_49 : memref<624x64xf32, #tpu.memory_space<vmem_shared>>) target(%dma_start3A : memref<624x64xf32, #tpu.memory_space<hbm>>) target_semaphore(%run_scoped3A : memref<!tpu.dma_semaphore, #tpu.memory_space<semaphore_mem>>)
        %dma_wait3A = tpu.memref_slice %arg7[%mul3A_47, %mul3A_0] : memref<10000x128xf32, #tpu.memory_space<hbm>> -> memref<624x64xf32, #tpu.memory_space<hbm>>
        %dma_wait3A_50 = arith.constant 0 : i32
        %dma_wait3A_51 = tpu.memref_slice %arg21[%mul3A_45, %dma_wait3A_50] : memref<10000x64xf32, #tpu.memory_space<vmem_shared>> -> memref<624x64xf32, #tpu.memory_space<vmem_shared>>
        tpu.wait_dma2 semaphore(%run_scoped3A : memref<!tpu.dma_semaphore, #tpu.memory_space<semaphore_mem>>) src(%dma_wait3A_51 : memref<624x64xf32, #tpu.memory_space<vmem_shared>>) dst(%dma_wait3A : memref<624x64xf32, #tpu.memory_space<hbm>>)
        tpu.yield
      }) : () -> ()
    } else {
    }
    %eq3A_34 = arith.constant 15 : i32
    %eq3A_35 = arith.cmpi eq, %arg1, %eq3A_34 : i32
    %convert_element_type3A_36 = arith.extui %eq3A_35 : i1 to i32
    %cond3A_37 = arith.constant 0 : i32
    %cond3A_38 = arith.cmpi ne, %convert_element_type3A_36, %cond3A_37 : i32
    scf.if %cond3A_38 {
      "tpu.region"() ({
        %run_scoped3A = tpu.sem_alloc : memref<!tpu.dma_semaphore, #tpu.memory_space<semaphore_mem>>
        %dma_start3A = arith.constant 9360 : i32
        %dma_start3A_44 = tpu.memref_slice %arg7[%dma_start3A, %mul3A_0] : memref<10000x128xf32, #tpu.memory_space<hbm>> -> memref<640x64xf32, #tpu.memory_space<hbm>>
        %dma_start3A_45 = arith.constant 9360 : i32
        %dma_start3A_46 = arith.constant 0 : i32
        %dma_start3A_47 = tpu.memref_slice %arg21[%dma_start3A_45, %dma_start3A_46] : memref<10000x64xf32, #tpu.memory_space<vmem_shared>> -> memref<640x64xf32, #tpu.memory_space<vmem_shared>>
        tpu.enqueue_dma source(%dma_start3A_47 : memref<640x64xf32, #tpu.memory_space<vmem_shared>>) target(%dma_start3A_44 : memref<640x64xf32, #tpu.memory_space<hbm>>) target_semaphore(%run_scoped3A : memref<!tpu.dma_semaphore, #tpu.memory_space<semaphore_mem>>)
        %dma_wait3A = arith.constant 9360 : i32
        %dma_wait3A_48 = tpu.memref_slice %arg7[%dma_wait3A, %mul3A_0] : memref<10000x128xf32, #tpu.memory_space<hbm>> -> memref<640x64xf32, #tpu.memory_space<hbm>>
        %dma_wait3A_49 = arith.constant 9360 : i32
        %dma_wait3A_50 = arith.constant 0 : i32
        %dma_wait3A_51 = tpu.memref_slice %arg21[%dma_wait3A_49, %dma_wait3A_50] : memref<10000x64xf32, #tpu.memory_space<vmem_shared>> -> memref<640x64xf32, #tpu.memory_space<vmem_shared>>
        tpu.wait_dma2 semaphore(%run_scoped3A : memref<!tpu.dma_semaphore, #tpu.memory_space<semaphore_mem>>) src(%dma_wait3A_51 : memref<640x64xf32, #tpu.memory_space<vmem_shared>>) dst(%dma_wait3A_48 : memref<640x64xf32, #tpu.memory_space<hbm>>)
        tpu.yield
      }) : () -> ()
    } else {
    }
    %eq3A_39 = arith.constant 0 : i32
    %eq3A_40 = arith.cmpi eq, %arg1, %eq3A_39 : i32
    %convert_element_type3A_41 = arith.extui %eq3A_40 : i1 to i32
    %cond3A_42 = arith.constant 0 : i32
    %cond3A_43 = arith.cmpi ne, %convert_element_type3A_41, %cond3A_42 : i32
    scf.if %cond3A_43 {
      "tpu.region"() ({
        %run_scoped3A = tpu.sem_alloc : memref<!tpu.dma_semaphore, #tpu.memory_space<semaphore_mem>>
        tpu.enqueue_dma source(%arg22 : memref<10000xf32, #tpu.memory_space<vmem_shared>>) target(%arg20 : memref<10000xf32, #tpu.memory_space<vmem>>) target_semaphore(%run_scoped3A : memref<!tpu.dma_semaphore, #tpu.memory_space<semaphore_mem>>)
        tpu.wait_dma2 semaphore(%run_scoped3A : memref<!tpu.dma_semaphore, #tpu.memory_space<semaphore_mem>>) src(%arg22 : memref<10000xf32, #tpu.memory_space<vmem_shared>>) dst(%arg20 : memref<10000xf32, #tpu.memory_space<vmem>>)
        tpu.yield
      }) : () -> ()
      %mul3A_44 = arith.constant 10000 : i32
      %mul3A_45 = arith.muli %arg0, %mul3A_44 : i32
      "tpu.region"() ({
        %run_scoped3A = tpu.sem_alloc : memref<!tpu.dma_semaphore, #tpu.memory_space<semaphore_mem>>
        %dma_start3A = tpu.memref_slice %arg8[%mul3A_45] : memref<20000xf32, #tpu.memory_space<hbm>> -> memref<10000xf32, #tpu.memory_space<hbm>>
        %dma_start3A_46 = tpu.memref_slice %arg8[%mul3A_45] : memref<20000xf32, #tpu.memory_space<hbm>> -> memref<10000xf32, #tpu.memory_space<hbm>>
        tpu.enqueue_dma source(%arg20 : memref<10000xf32, #tpu.memory_space<vmem>>) target(%dma_start3A_46 : memref<10000xf32, #tpu.memory_space<hbm>>) target_semaphore(%run_scoped3A : memref<!tpu.dma_semaphore, #tpu.memory_space<semaphore_mem>>)
        %dma_wait3A = tpu.memref_slice %arg8[%mul3A_45] : memref<20000xf32, #tpu.memory_space<hbm>> -> memref<10000xf32, #tpu.memory_space<hbm>>
        %dma_wait3A_47 = tpu.memref_slice %arg8[%mul3A_45] : memref<20000xf32, #tpu.memory_space<hbm>> -> memref<10000xf32, #tpu.memory_space<hbm>>
        tpu.wait_dma2 semaphore(%run_scoped3A : memref<!tpu.dma_semaphore, #tpu.memory_space<semaphore_mem>>) src(%arg20 : memref<10000xf32, #tpu.memory_space<vmem>>) dst(%dma_wait3A_47 : memref<10000xf32, #tpu.memory_space<hbm>>)
        tpu.yield
      }) : () -> ()
    } else {
    }
    return
  }
}

module attributes {stable_mosaic.version = 14 : i64} {
  func.func @_sage_body3(%arg0: i32, %arg1: memref<2000x128xf32, #tpu.memory_space<vmem>>, %arg2: memref<2000x128xf32, #tpu.memory_space<vmem>>, %arg3: memref<2000x2xf32, #tpu.memory_space<vmem>>, %arg4: memref<128x128xf32, #tpu.memory_space<vmem>>, %arg5: memref<128x128xf32, #tpu.memory_space<vmem>>, %arg6: memref<1x128xf32, #tpu.memory_space<vmem>>, %arg7: memref<2000x128xf32, #tpu.memory_space<vmem>>, %arg8: memref<2000x64xf32, #tpu.memory_space<vmem>>, %arg9: memref<2000x64xf32, #tpu.memory_space<vmem>>) attributes {dimension_semantics = [#tpu.dimension_semantics<arbitrary>], iteration_bounds = array<i64: 5>, scalar_prefetch = 0 : i64, scratch_operands = 0 : i64, tpu.core_type = #tpu.core_type<tc>, window_params = [{transform_indices = @transform_0, window_bounds = array<i64: 2000, 128>}, {transform_indices = @transform_1, window_bounds = array<i64: 2000, 128>}, {transform_indices = @transform_2, window_bounds = array<i64: 2000, 2>}, {pipeline_mode = #tpu.pipeline_mode<synchronous>, transform_indices = @transform_3, window_bounds = array<i64: 128, 128>}, {pipeline_mode = #tpu.pipeline_mode<synchronous>, transform_indices = @transform_4, window_bounds = array<i64: 128, 128>}, {pipeline_mode = #tpu.pipeline_mode<synchronous>, transform_indices = @transform_5, window_bounds = array<i64: 1, 128>}, {transform_indices = @transform_6, window_bounds = array<i64: 2000, 128>}, {transform_indices = @transform_7, window_bounds = array<i64: 2000, 64>}, {transform_indices = @transform_8, window_bounds = array<i64: 2000, 64>}]} {
    %get3A = arith.constant 0 : index
    %get3A_0 = arith.constant 0 : index
    %get3A_1 = vector.load %arg3[%get3A, %get3A_0] : memref<2000x2xf32, #tpu.memory_space<vmem>>, vector<2000x2xf32>
    %reduce_sum3A = arith.constant dense<0.000000e+00> : vector<2000xf32>
    %reduce_sum3A_2 = vector.multi_reduction <add>, %get3A_1, %reduce_sum3A [1] : vector<2000x2xf32> to vector<2000xf32>
    %broadcast_in_dim3A = vector.shape_cast %reduce_sum3A_2 : vector<2000xf32> to vector<2000x1xf32>
    %max3A = arith.constant 1.000000e+00 : f32
    %max3A_3 = vector.broadcast %max3A : f32 to vector<2000x1xf32>
    %max3A_4 = arith.maximumf %broadcast_in_dim3A, %max3A_3 : vector<2000x1xf32>
    %div3A = arith.constant 1.000000e+00 : f32
    %div3A_5 = vector.broadcast %div3A : f32 to vector<2000x1xf32>
    %div3A_6 = arith.divf %div3A_5, %max3A_4 : vector<2000x1xf32>
    %get3A_7 = arith.constant 0 : index
    %get3A_8 = arith.constant 0 : index
    %get3A_9 = vector.load %arg1[%get3A_7, %get3A_8] : memref<2000x128xf32, #tpu.memory_space<vmem>>, vector<2000x128xf32>
    %get3A_10 = arith.constant 0 : index
    %get3A_11 = arith.constant 0 : index
    %get3A_12 = vector.load %arg4[%get3A_10, %get3A_11] : memref<128x128xf32, #tpu.memory_space<vmem>>, vector<128x128xf32>
    %dot_general3A = arith.constant dense<0.000000e+00> : vector<2000x128xf32>
    %dot_general3A_13 = tpu.matmul %get3A_9, %get3A_12, %dot_general3A {dimension_numbers = #tpu.dot_dimension_numbers<[1], [0], [0], [1], [0, 0, 1, 1], [], []>, transpose_lhs_hint = false} : vector<2000x128xf32>, vector<128x128xf32>, vector<2000x128xf32> -> vector<2000x128xf32>
    %get3A_14 = arith.constant 0 : index
    %get3A_15 = arith.constant 0 : index
    %get3A_16 = vector.load %arg2[%get3A_14, %get3A_15] : memref<2000x128xf32, #tpu.memory_space<vmem>>, vector<2000x128xf32>
    %mul3A = vector.broadcast %div3A_6 : vector<2000x1xf32> to vector<2000x128xf32>
    %mul3A_17 = arith.mulf %get3A_16, %mul3A : vector<2000x128xf32>
    %get3A_18 = arith.constant 0 : index
    %get3A_19 = arith.constant 0 : index
    %get3A_20 = vector.load %arg5[%get3A_18, %get3A_19] : memref<128x128xf32, #tpu.memory_space<vmem>>, vector<128x128xf32>
    %dot_general3A_21 = arith.constant dense<0.000000e+00> : vector<2000x128xf32>
    %dot_general3A_22 = tpu.matmul %mul3A_17, %get3A_20, %dot_general3A_21 {dimension_numbers = #tpu.dot_dimension_numbers<[1], [0], [0], [1], [0, 0, 1, 1], [], []>, transpose_lhs_hint = false} : vector<2000x128xf32>, vector<128x128xf32>, vector<2000x128xf32> -> vector<2000x128xf32>
    %add3A = arith.addf %dot_general3A_13, %dot_general3A_22 : vector<2000x128xf32>
    %get3A_23 = arith.constant 0 : index
    %get3A_24 = arith.constant 0 : index
    %get3A_25 = vector.load %arg6[%get3A_23, %get3A_24] : memref<1x128xf32, #tpu.memory_space<vmem>>, vector<1x128xf32>
    %add3A_26 = vector.broadcast %get3A_25 : vector<1x128xf32> to vector<2000x128xf32>
    %add3A_27 = arith.addf %add3A, %add3A_26 : vector<2000x128xf32>
    %ge3A = arith.constant 0.000000e+00 : f32
    %ge3A_28 = vector.broadcast %ge3A : f32 to vector<2000x128xf32>
    %ge3A_29 = arith.cmpf oge, %add3A_27, %ge3A_28 : vector<2000x128xf32>
    %mul3A_30 = arith.constant 2.000000e-01 : f32
    %mul3A_31 = vector.broadcast %mul3A_30 : f32 to vector<2000x128xf32>
    %mul3A_32 = arith.mulf %mul3A_31, %add3A_27 : vector<2000x128xf32>
    %select_n3A = arith.select %ge3A_29, %add3A_27, %mul3A_32 : vector<2000x128xi1>, vector<2000x128xf32>
    %mul3A_33 = arith.mulf %select_n3A, %select_n3A : vector<2000x128xf32>
    %reduce_sum3A_34 = arith.constant dense<0.000000e+00> : vector<2000xf32>
    %reduce_sum3A_35 = vector.multi_reduction <add>, %mul3A_33, %reduce_sum3A_34 [1] : vector<2000x128xf32> to vector<2000xf32>
    %broadcast_in_dim3A_36 = vector.shape_cast %reduce_sum3A_35 : vector<2000xf32> to vector<2000x1xf32>
    %max3A_37 = arith.constant 1.000000e-24 : f32
    %max3A_38 = vector.broadcast %max3A_37 : f32 to vector<2000x1xf32>
    %max3A_39 = arith.maximumf %broadcast_in_dim3A_36, %max3A_38 : vector<2000x1xf32>
    %rsqrt3A = math.rsqrt %max3A_39 : vector<2000x1xf32>
    %mul3A_40 = vector.broadcast %rsqrt3A : vector<2000x1xf32> to vector<2000x128xf32>
    %mul3A_41 = arith.mulf %select_n3A, %mul3A_40 : vector<2000x128xf32>
    %swap3A = arith.constant 0 : index
    %swap3A_42 = arith.constant 0 : index
    %swap3A_43 = vector.load %arg7[%swap3A, %swap3A_42] : memref<2000x128xf32, #tpu.memory_space<vmem>>, vector<2000x128xf32>
    tpu.vector_store %arg7[%swap3A, %swap3A_42], %mul3A_41 {strides = array<i32>} : memref<2000x128xf32, #tpu.memory_space<vmem>>, vector<2000x128xf32>,
    %slice3A = vector.extract_strided_slice %mul3A_41 {offsets = [0, 0], sizes = [2000, 64], strides = [1, 1]} : vector<2000x128xf32> to vector<2000x64xf32>
    %swap3A_44 = arith.constant 0 : index
    %swap3A_45 = arith.constant 0 : index
    %swap3A_46 = vector.load %arg8[%swap3A_44, %swap3A_45] : memref<2000x64xf32, #tpu.memory_space<vmem>>, vector<2000x64xf32>
    tpu.vector_store %arg8[%swap3A_44, %swap3A_45], %slice3A {strides = array<i32>} : memref<2000x64xf32, #tpu.memory_space<vmem>>, vector<2000x64xf32>,
    %slice3A_47 = vector.extract_strided_slice %mul3A_41 {offsets = [0, 64], sizes = [2000, 64], strides = [1, 1]} : vector<2000x128xf32> to vector<2000x64xf32>
    %swap3A_48 = arith.constant 0 : index
    %swap3A_49 = arith.constant 0 : index
    %swap3A_50 = vector.load %arg9[%swap3A_48, %swap3A_49] : memref<2000x64xf32, #tpu.memory_space<vmem>>, vector<2000x64xf32>
    tpu.vector_store %arg9[%swap3A_48, %swap3A_49], %slice3A_47 {strides = array<i32>} : memref<2000x64xf32, #tpu.memory_space<vmem>>, vector<2000x64xf32>,
    return
  }
  func.func @transform_0(%arg0: i32) -> (i32, i32) {
    %c0_i32 = arith.constant 0 : i32
    %c0_i32_0 = arith.constant 0 : i32
    return %arg0, %c0_i32 : i32, i32
  }
  func.func @transform_1(%arg0: i32) -> (i32, i32) {
    %c0_i32 = arith.constant 0 : i32
    %c0_i32_0 = arith.constant 0 : i32
    return %arg0, %c0_i32 : i32, i32
  }
  func.func @transform_2(%arg0: i32) -> (i32, i32) {
    %c0_i32 = arith.constant 0 : i32
    %c0_i32_0 = arith.constant 0 : i32
    return %arg0, %c0_i32 : i32, i32
  }
  func.func @transform_3(%arg0: i32) -> (i32, i32) {
    %c0_i32 = arith.constant 0 : i32
    %c0_i32_0 = arith.constant 0 : i32
    %c0_i32_1 = arith.constant 0 : i32
    return %c0_i32, %c0_i32_0 : i32, i32
  }
  func.func @transform_4(%arg0: i32) -> (i32, i32) {
    %c0_i32 = arith.constant 0 : i32
    %c0_i32_0 = arith.constant 0 : i32
    %c0_i32_1 = arith.constant 0 : i32
    return %c0_i32, %c0_i32_0 : i32, i32
  }
  func.func @transform_5(%arg0: i32) -> (i32, i32) {
    %c0_i32 = arith.constant 0 : i32
    %c0_i32_0 = arith.constant 0 : i32
    %c0_i32_1 = arith.constant 0 : i32
    return %c0_i32, %c0_i32_0 : i32, i32
  }
  func.func @transform_6(%arg0: i32) -> (i32, i32) {
    %c0_i32 = arith.constant 0 : i32
    %c0_i32_0 = arith.constant 0 : i32
    return %arg0, %c0_i32 : i32, i32
  }
  func.func @transform_7(%arg0: i32) -> (i32, i32) {
    %c0_i32 = arith.constant 0 : i32
    %c0_i32_0 = arith.constant 0 : i32
    return %arg0, %c0_i32 : i32, i32
  }
  func.func @transform_8(%arg0: i32) -> (i32, i32) {
    %c0_i32 = arith.constant 0 : i32
    %c0_i32_0 = arith.constant 0 : i32
    return %arg0, %c0_i32 : i32, i32
  }
}

module attributes {stable_mosaic.version = 14 : i64} {
  func.func @_sage_body1(%arg0: i32, %arg1: memref<2000x128xf32, #tpu.memory_space<vmem>>, %arg2: memref<2000x128xf32, #tpu.memory_space<vmem>>, %arg3: memref<2000x2xf32, #tpu.memory_space<vmem>>, %arg4: memref<128x128xf32, #tpu.memory_space<vmem>>, %arg5: memref<128x128xf32, #tpu.memory_space<vmem>>, %arg6: memref<1x128xf32, #tpu.memory_space<vmem>>, %arg7: memref<2000x128xf32, #tpu.memory_space<vmem>>) attributes {dimension_semantics = [#tpu.dimension_semantics<arbitrary>], iteration_bounds = array<i64: 5>, scalar_prefetch = 0 : i64, scratch_operands = 0 : i64, tpu.core_type = #tpu.core_type<tc>, window_params = [{transform_indices = @transform_0, window_bounds = array<i64: 2000, 128>}, {transform_indices = @transform_1, window_bounds = array<i64: 2000, 128>}, {transform_indices = @transform_2, window_bounds = array<i64: 2000, 2>}, {pipeline_mode = #tpu.pipeline_mode<synchronous>, transform_indices = @transform_3, window_bounds = array<i64: 128, 128>}, {pipeline_mode = #tpu.pipeline_mode<synchronous>, transform_indices = @transform_4, window_bounds = array<i64: 128, 128>}, {pipeline_mode = #tpu.pipeline_mode<synchronous>, transform_indices = @transform_5, window_bounds = array<i64: 1, 128>}, {transform_indices = @transform_6, window_bounds = array<i64: 2000, 128>}]} {
    %get3A = arith.constant 0 : index
    %get3A_0 = arith.constant 0 : index
    %get3A_1 = vector.load %arg3[%get3A, %get3A_0] : memref<2000x2xf32, #tpu.memory_space<vmem>>, vector<2000x2xf32>
    %reduce_sum3A = arith.constant dense<0.000000e+00> : vector<2000xf32>
    %reduce_sum3A_2 = vector.multi_reduction <add>, %get3A_1, %reduce_sum3A [1] : vector<2000x2xf32> to vector<2000xf32>
    %broadcast_in_dim3A = vector.shape_cast %reduce_sum3A_2 : vector<2000xf32> to vector<2000x1xf32>
    %max3A = arith.constant 1.000000e+00 : f32
    %max3A_3 = vector.broadcast %max3A : f32 to vector<2000x1xf32>
    %max3A_4 = arith.maximumf %broadcast_in_dim3A, %max3A_3 : vector<2000x1xf32>
    %div3A = arith.constant 1.000000e+00 : f32
    %div3A_5 = vector.broadcast %div3A : f32 to vector<2000x1xf32>
    %div3A_6 = arith.divf %div3A_5, %max3A_4 : vector<2000x1xf32>
    %get3A_7 = arith.constant 0 : index
    %get3A_8 = arith.constant 0 : index
    %get3A_9 = vector.load %arg1[%get3A_7, %get3A_8] : memref<2000x128xf32, #tpu.memory_space<vmem>>, vector<2000x128xf32>
    %get3A_10 = arith.constant 0 : index
    %get3A_11 = arith.constant 0 : index
    %get3A_12 = vector.load %arg4[%get3A_10, %get3A_11] : memref<128x128xf32, #tpu.memory_space<vmem>>, vector<128x128xf32>
    %dot_general3A = arith.constant dense<0.000000e+00> : vector<2000x128xf32>
    %dot_general3A_13 = tpu.matmul %get3A_9, %get3A_12, %dot_general3A {dimension_numbers = #tpu.dot_dimension_numbers<[1], [0], [0], [1], [0, 0, 1, 1], [], []>, transpose_lhs_hint = false} : vector<2000x128xf32>, vector<128x128xf32>, vector<2000x128xf32> -> vector<2000x128xf32>
    %get3A_14 = arith.constant 0 : index
    %get3A_15 = arith.constant 0 : index
    %get3A_16 = vector.load %arg2[%get3A_14, %get3A_15] : memref<2000x128xf32, #tpu.memory_space<vmem>>, vector<2000x128xf32>
    %mul3A = vector.broadcast %div3A_6 : vector<2000x1xf32> to vector<2000x128xf32>
    %mul3A_17 = arith.mulf %get3A_16, %mul3A : vector<2000x128xf32>
    %get3A_18 = arith.constant 0 : index
    %get3A_19 = arith.constant 0 : index
    %get3A_20 = vector.load %arg5[%get3A_18, %get3A_19] : memref<128x128xf32, #tpu.memory_space<vmem>>, vector<128x128xf32>
    %dot_general3A_21 = arith.constant dense<0.000000e+00> : vector<2000x128xf32>
    %dot_general3A_22 = tpu.matmul %mul3A_17, %get3A_20, %dot_general3A_21 {dimension_numbers = #tpu.dot_dimension_numbers<[1], [0], [0], [1], [0, 0, 1, 1], [], []>, transpose_lhs_hint = false} : vector<2000x128xf32>, vector<128x128xf32>, vector<2000x128xf32> -> vector<2000x128xf32>
    %add3A = arith.addf %dot_general3A_13, %dot_general3A_22 : vector<2000x128xf32>
    %get3A_23 = arith.constant 0 : index
    %get3A_24 = arith.constant 0 : index
    %get3A_25 = vector.load %arg6[%get3A_23, %get3A_24] : memref<1x128xf32, #tpu.memory_space<vmem>>, vector<1x128xf32>
    %add3A_26 = vector.broadcast %get3A_25 : vector<1x128xf32> to vector<2000x128xf32>
    %add3A_27 = arith.addf %add3A, %add3A_26 : vector<2000x128xf32>
    %ge3A = arith.constant 0.000000e+00 : f32
    %ge3A_28 = vector.broadcast %ge3A : f32 to vector<2000x128xf32>
    %ge3A_29 = arith.cmpf oge, %add3A_27, %ge3A_28 : vector<2000x128xf32>
    %mul3A_30 = arith.constant 2.000000e-01 : f32
    %mul3A_31 = vector.broadcast %mul3A_30 : f32 to vector<2000x128xf32>
    %mul3A_32 = arith.mulf %mul3A_31, %add3A_27 : vector<2000x128xf32>
    %select_n3A = arith.select %ge3A_29, %add3A_27, %mul3A_32 : vector<2000x128xi1>, vector<2000x128xf32>
    %mul3A_33 = arith.mulf %select_n3A, %select_n3A : vector<2000x128xf32>
    %reduce_sum3A_34 = arith.constant dense<0.000000e+00> : vector<2000xf32>
    %reduce_sum3A_35 = vector.multi_reduction <add>, %mul3A_33, %reduce_sum3A_34 [1] : vector<2000x128xf32> to vector<2000xf32>
    %broadcast_in_dim3A_36 = vector.shape_cast %reduce_sum3A_35 : vector<2000xf32> to vector<2000x1xf32>
    %max3A_37 = arith.constant 1.000000e-24 : f32
    %max3A_38 = vector.broadcast %max3A_37 : f32 to vector<2000x1xf32>
    %max3A_39 = arith.maximumf %broadcast_in_dim3A_36, %max3A_38 : vector<2000x1xf32>
    %rsqrt3A = math.rsqrt %max3A_39 : vector<2000x1xf32>
    %mul3A_40 = vector.broadcast %rsqrt3A : vector<2000x1xf32> to vector<2000x128xf32>
    %mul3A_41 = arith.mulf %select_n3A, %mul3A_40 : vector<2000x128xf32>
    %swap3A = arith.constant 0 : index
    %swap3A_42 = arith.constant 0 : index
    %swap3A_43 = vector.load %arg7[%swap3A, %swap3A_42] : memref<2000x128xf32, #tpu.memory_space<vmem>>, vector<2000x128xf32>
    tpu.vector_store %arg7[%swap3A, %swap3A_42], %mul3A_41 {strides = array<i32>} : memref<2000x128xf32, #tpu.memory_space<vmem>>, vector<2000x128xf32>,
    return
  }
  func.func @transform_0(%arg0: i32) -> (i32, i32) {
    %c0_i32 = arith.constant 0 : i32
    %c0_i32_0 = arith.constant 0 : i32
    return %arg0, %c0_i32 : i32, i32
  }
  func.func @transform_1(%arg0: i32) -> (i32, i32) {
    %c0_i32 = arith.constant 0 : i32
    %c0_i32_0 = arith.constant 0 : i32
    return %arg0, %c0_i32 : i32, i32
  }
  func.func @transform_2(%arg0: i32) -> (i32, i32) {
    %c0_i32 = arith.constant 0 : i32
    %c0_i32_0 = arith.constant 0 : i32
    return %arg0, %c0_i32 : i32, i32
  }
  func.func @transform_3(%arg0: i32) -> (i32, i32) {
    %c0_i32 = arith.constant 0 : i32
    %c0_i32_0 = arith.constant 0 : i32
    %c0_i32_1 = arith.constant 0 : i32
    return %c0_i32, %c0_i32_0 : i32, i32
  }
  func.func @transform_4(%arg0: i32) -> (i32, i32) {
    %c0_i32 = arith.constant 0 : i32
    %c0_i32_0 = arith.constant 0 : i32
    %c0_i32_1 = arith.constant 0 : i32
    return %c0_i32, %c0_i32_0 : i32, i32
  }
  func.func @transform_5(%arg0: i32) -> (i32, i32) {
    %c0_i32 = arith.constant 0 : i32
    %c0_i32_0 = arith.constant 0 : i32
    %c0_i32_1 = arith.constant 0 : i32
    return %c0_i32, %c0_i32_0 : i32, i32
  }
  func.func @transform_6(%arg0: i32) -> (i32, i32) {
    %c0_i32 = arith.constant 0 : i32
    %c0_i32_0 = arith.constant 0 : i32
    return %arg0, %c0_i32 : i32, i32
  }
}

module attributes {stable_mosaic.version = 14 : i64} {
  func.func @_item_body(%arg0: i32, %arg1: memref<1024x128xf32, #tpu.memory_space<vmem>>, %arg2: memref<128x128xf32, #tpu.memory_space<vmem>>, %arg3: memref<1x128xf32, #tpu.memory_space<vmem>>, %arg4: memref<128x128xf32, #tpu.memory_space<vmem>>, %arg5: memref<1x128xf32, #tpu.memory_space<vmem>>, %arg6: memref<1024x384xf32, #tpu.memory_space<vmem>>) attributes {dimension_semantics = [#tpu.dimension_semantics<arbitrary>], iteration_bounds = array<i64: 4>, scalar_prefetch = 0 : i64, scratch_operands = 0 : i64, tpu.core_type = #tpu.core_type<tc>, window_params = [{transform_indices = @transform_0, window_bounds = array<i64: 1024, 128>}, {pipeline_mode = #tpu.pipeline_mode<synchronous>, transform_indices = @transform_1, window_bounds = array<i64: 128, 128>}, {pipeline_mode = #tpu.pipeline_mode<synchronous>, transform_indices = @transform_2, window_bounds = array<i64: 1, 128>}, {pipeline_mode = #tpu.pipeline_mode<synchronous>, transform_indices = @transform_3, window_bounds = array<i64: 128, 128>}, {pipeline_mode = #tpu.pipeline_mode<synchronous>, transform_indices = @transform_4, window_bounds = array<i64: 1, 128>}, {transform_indices = @transform_5, window_bounds = array<i64: 1024, 384>}]} {
    %get3A = arith.constant 0 : index
    %get3A_0 = arith.constant 0 : index
    %get3A_1 = vector.load %arg1[%get3A, %get3A_0] : memref<1024x128xf32, #tpu.memory_space<vmem>>, vector<1024x128xf32>
    %get3A_2 = arith.constant 0 : index
    %get3A_3 = arith.constant 0 : index
    %get3A_4 = vector.load %arg2[%get3A_2, %get3A_3] : memref<128x128xf32, #tpu.memory_space<vmem>>, vector<128x128xf32>
    %dot_general3A = arith.constant dense<0.000000e+00> : vector<1024x128xf32>
    %dot_general3A_5 = tpu.matmul %get3A_1, %get3A_4, %dot_general3A {dimension_numbers = #tpu.dot_dimension_numbers<[1], [0], [0], [1], [0, 0, 1, 1], [], []>, transpose_lhs_hint = false} : vector<1024x128xf32>, vector<128x128xf32>, vector<1024x128xf32> -> vector<1024x128xf32>
    %get3A_6 = arith.constant 0 : index
    %get3A_7 = arith.constant 0 : index
    %get3A_8 = vector.load %arg3[%get3A_6, %get3A_7] : memref<1x128xf32, #tpu.memory_space<vmem>>, vector<1x128xf32>
    %add3A = vector.broadcast %get3A_8 : vector<1x128xf32> to vector<1024x128xf32>
    %add3A_9 = arith.addf %dot_general3A_5, %add3A : vector<1024x128xf32>
    %ge3A = arith.constant 0.000000e+00 : f32
    %ge3A_10 = vector.broadcast %ge3A : f32 to vector<1024x128xf32>
    %ge3A_11 = arith.cmpf oge, %add3A_9, %ge3A_10 : vector<1024x128xf32>
    %mul3A = arith.constant 2.000000e-01 : f32
    %mul3A_12 = vector.broadcast %mul3A : f32 to vector<1024x128xf32>
    %mul3A_13 = arith.mulf %mul3A_12, %add3A_9 : vector<1024x128xf32>
    %select_n3A = arith.select %ge3A_11, %add3A_9, %mul3A_13 : vector<1024x128xi1>, vector<1024x128xf32>
    %mul3A_14 = arith.mulf %select_n3A, %select_n3A : vector<1024x128xf32>
    %reduce_sum3A = arith.constant dense<0.000000e+00> : vector<1024xf32>
    %reduce_sum3A_15 = vector.multi_reduction <add>, %mul3A_14, %reduce_sum3A [1] : vector<1024x128xf32> to vector<1024xf32>
    %broadcast_in_dim3A = vector.shape_cast %reduce_sum3A_15 : vector<1024xf32> to vector<1024x1xf32>
    %max3A = arith.constant 1.000000e-24 : f32
    %max3A_16 = vector.broadcast %max3A : f32 to vector<1024x1xf32>
    %max3A_17 = arith.maximumf %broadcast_in_dim3A, %max3A_16 : vector<1024x1xf32>
    %rsqrt3A = math.rsqrt %max3A_17 : vector<1024x1xf32>
    %mul3A_18 = vector.broadcast %rsqrt3A : vector<1024x1xf32> to vector<1024x128xf32>
    %mul3A_19 = arith.mulf %select_n3A, %mul3A_18 : vector<1024x128xf32>
    %get3A_20 = arith.constant 0 : index
    %get3A_21 = arith.constant 0 : index
    %get3A_22 = vector.load %arg4[%get3A_20, %get3A_21] : memref<128x128xf32, #tpu.memory_space<vmem>>, vector<128x128xf32>
    %dot_general3A_23 = arith.constant dense<0.000000e+00> : vector<1024x128xf32>
    %dot_general3A_24 = tpu.matmul %mul3A_19, %get3A_22, %dot_general3A_23 {dimension_numbers = #tpu.dot_dimension_numbers<[1], [0], [0], [1], [0, 0, 1, 1], [], []>, transpose_lhs_hint = false} : vector<1024x128xf32>, vector<128x128xf32>, vector<1024x128xf32> -> vector<1024x128xf32>
    %get3A_25 = arith.constant 0 : index
    %get3A_26 = arith.constant 0 : index
    %get3A_27 = vector.load %arg5[%get3A_25, %get3A_26] : memref<1x128xf32, #tpu.memory_space<vmem>>, vector<1x128xf32>
    %add3A_28 = vector.broadcast %get3A_27 : vector<1x128xf32> to vector<1024x128xf32>
    %add3A_29 = arith.addf %dot_general3A_24, %add3A_28 : vector<1024x128xf32>
    %ge3A_30 = arith.constant 0.000000e+00 : f32
    %ge3A_31 = vector.broadcast %ge3A_30 : f32 to vector<1024x128xf32>
    %ge3A_32 = arith.cmpf oge, %add3A_29, %ge3A_31 : vector<1024x128xf32>
    %mul3A_33 = arith.constant 2.000000e-01 : f32
    %mul3A_34 = vector.broadcast %mul3A_33 : f32 to vector<1024x128xf32>
    %mul3A_35 = arith.mulf %mul3A_34, %add3A_29 : vector<1024x128xf32>
    %select_n3A_36 = arith.select %ge3A_32, %add3A_29, %mul3A_35 : vector<1024x128xi1>, vector<1024x128xf32>
    %mul3A_37 = arith.mulf %select_n3A_36, %select_n3A_36 : vector<1024x128xf32>
    %reduce_sum3A_38 = arith.constant dense<0.000000e+00> : vector<1024xf32>
    %reduce_sum3A_39 = vector.multi_reduction <add>, %mul3A_37, %reduce_sum3A_38 [1] : vector<1024x128xf32> to vector<1024xf32>
    %broadcast_in_dim3A_40 = vector.shape_cast %reduce_sum3A_39 : vector<1024xf32> to vector<1024x1xf32>
    %max3A_41 = arith.constant 1.000000e-24 : f32
    %max3A_42 = vector.broadcast %max3A_41 : f32 to vector<1024x1xf32>
    %max3A_43 = arith.maximumf %broadcast_in_dim3A_40, %max3A_42 : vector<1024x1xf32>
    %rsqrt3A_44 = math.rsqrt %max3A_43 : vector<1024x1xf32>
    %mul3A_45 = vector.broadcast %rsqrt3A_44 : vector<1024x1xf32> to vector<1024x128xf32>
    %mul3A_46 = arith.mulf %select_n3A_36, %mul3A_45 : vector<1024x128xf32>
    %swap3A = arith.constant 0 : index
    %swap3A_47 = arith.constant 0 : index
    %swap3A_48 = vector.load %arg6[%swap3A, %swap3A_47] : memref<1024x384xf32, #tpu.memory_space<vmem>>, vector<1024x128xf32>
    tpu.vector_store %arg6[%swap3A, %swap3A_47], %get3A_1 {strides = array<i32>} : memref<1024x384xf32, #tpu.memory_space<vmem>>, vector<1024x128xf32>,
    %swap3A_49 = arith.constant 0 : index
    %swap3A_50 = arith.constant 128 : index
    %swap3A_51 = vector.load %arg6[%swap3A_49, %swap3A_50] : memref<1024x384xf32, #tpu.memory_space<vmem>>, vector<1024x128xf32>
    tpu.vector_store %arg6[%swap3A_49, %swap3A_50], %mul3A_19 {strides = array<i32>} : memref<1024x384xf32, #tpu.memory_space<vmem>>, vector<1024x128xf32>,
    %swap3A_52 = arith.constant 0 : index
    %swap3A_53 = arith.constant 256 : index
    %swap3A_54 = vector.load %arg6[%swap3A_52, %swap3A_53] : memref<1024x384xf32, #tpu.memory_space<vmem>>, vector<1024x128xf32>
    tpu.vector_store %arg6[%swap3A_52, %swap3A_53], %mul3A_46 {strides = array<i32>} : memref<1024x384xf32, #tpu.memory_space<vmem>>, vector<1024x128xf32>,
    return
  }
  func.func @transform_0(%arg0: i32) -> (i32, i32) {
    %c0_i32 = arith.constant 0 : i32
    %c0_i32_0 = arith.constant 0 : i32
    return %arg0, %c0_i32 : i32, i32
  }
  func.func @transform_1(%arg0: i32) -> (i32, i32) {
    %c0_i32 = arith.constant 0 : i32
    %c0_i32_0 = arith.constant 0 : i32
    %c0_i32_1 = arith.constant 0 : i32
    return %c0_i32, %c0_i32_0 : i32, i32
  }
  func.func @transform_2(%arg0: i32) -> (i32, i32) {
    %c0_i32 = arith.constant 0 : i32
    %c0_i32_0 = arith.constant 0 : i32
    %c0_i32_1 = arith.constant 0 : i32
    return %c0_i32, %c0_i32_0 : i32, i32
  }
  func.func @transform_3(%arg0: i32) -> (i32, i32) {
    %c0_i32 = arith.constant 0 : i32
    %c0_i32_0 = arith.constant 0 : i32
    %c0_i32_1 = arith.constant 0 : i32
    return %c0_i32, %c0_i32_0 : i32, i32
  }
  func.func @transform_4(%arg0: i32) -> (i32, i32) {
    %c0_i32 = arith.constant 0 : i32
    %c0_i32_0 = arith.constant 0 : i32
    %c0_i32_1 = arith.constant 0 : i32
    return %c0_i32, %c0_i32_0 : i32, i32
  }
  func.func @transform_5(%arg0: i32) -> (i32, i32) {
    %c0_i32 = arith.constant 0 : i32
    %c0_i32_0 = arith.constant 0 : i32
    return %arg0, %c0_i32 : i32, i32
  }
}

</mosaic_0001>

<sc_bundles>
// kernel: kernel.10.cloned.1.call-start
scs
__scs_entry_jumppad:
0x0: {  	(pc) =	sbr.rel $0x88, $3  }
0x1: {  	(tag) =	ssettag $0x0;
	lr =	simm.s32 $0x1  }
0x2: {  	[smem:$0x3F91] =	sst lr;
	_ =	strace $0xD0000000  }
0x3: {  	_ = 	snop  }
0x4: {  	_ = 	snop  }
0x5: {  	_ = 	snop  }
0x6: {  	_ = 	snop  }
0x7: {  	_ = 	snop  }
__scs_overlays_trampoline_lowered:
0x8: {  	[smem:$0x3FA0] =	sst s0  }
0x9: {  	[smem:$0x3FA1] =	sst s1  }
0xa: {  	[smem:$0x3FA2] =	sst s2  }
0xb: {  	[smem:$0x3FA3] =	sst s3  }
0xc: {  	[smem:$0x3FA4] =	sst s4  }
0xd: {  	[smem:$0x3FA5] =	sst s5  }
0xe: {  	[smem:$0x3FA6] =	sst s6  }
0xf: {  	[smem:$0x3FA7] =	sst s7  }
0x10: {  	[smem:$0x3FA8] =	sst s8  }
0x11: {  	[smem:$0x3FA9] =	sst s9;
	s0 =	simm.s32 @!p0 $0x0  }
0x12: {  	s1 =	sld [smem:$0x3F8F];
	s0 =	simm.s32 @p0 $0x1  }
0x13: {  	[smem:$0x3FAA] =	sst s0;
	s0 =	simm.s32 @!p1 $0x0  }
0x14: {  	s2 =	sld [smem:$0x3F8E];
	s0 =	simm.s32 @p1 $0x1  }
0x15: {  	[smem:$0x3FAB] =	sst s0;
	s0 =	simm.s32 @!p2 $0x0  }
0x16: {  	s3 =	sld [smem:$0x3FDB];
	s0 =	simm.s32 @p2 $0x1  }
0x17: {  	s4 =	simm.s32 $0x1BF5;
	[smem:$0x3FAD] =	sst s0  }
0x18: {  	s0 =	sld [smem:$0x3F90];
	_ =	swait.ge [sflag:s4], $0x0  }
0x19: {  	s7 =	sld [smem:$0x3F91]  }
0x1a: {  	s8 =	sadd.s32 $0xFFFFE003, lr  }
0x1b: {  	s9 =	sadd.s32 $0xFFFFFEF7, lr;
	s5 =	simm.s32 $0xFFFFFFFF;
	p2 =	slt.u32 s8, $0xFFFFF086  }
0x1c: {  	p1 =	slt.u32 s9, $0xF7A;
	s5 =	simm.s32 @!p2 $0x0  }
0x1d: {  	s5 =	simm.s32 @p1 $0x1;
	p0 =	seq.s32 s7, s2  }
0x1e: {  	s7 =	smul.u32 @!p0 $0xF7A, s2;
	p2 =	seq.s32 @!p0 s5, $0x0  }
0x1f: {  	s9 =	smul.u32 $0xF7A, s1;
	s8 =	simm.s32 @!p0 $0x1BF5;
	p2 =	por !p2, p0  }
0x20: {  	[sflag:s8] =	ssyncset.s32 @!p0 $0xFFFFF086;
	s6 =	sadd.s32 @!p0 s3, s7;
	s7 =	simm.s32 @!p0 $0x108  }
0x21: {  	s3 =	sadd.s32 s3, s9;
	s6 =	sadd.s32 @!p0 $0x88, s6;
	s7 =	simm.s32 @p2 $0x1082  }
0x22: {  	[simem:s7], [sflag:s8] =	dma.local @!p0 [hbm:s6], $0xF7A  }
0x23: {  	s9 =	sor.u32 $0xD0000000, s2;
	s6 =	simm.s32 $0x108;
	_ =	swait.ge @!p0 [sflag:s8], $0x0  }
0x24: {  	s3 =	sadd.s32 $0x88, s3;
	s6 =	simm.s32 @!p1 $0x1082;
	[sflag:s4] =	ssyncset.s32 $0xFFFFF086  }
0x25: {  	[simem:s6], [sflag:s4] =	dma.local [hbm:s3], $0xF7A  }
0x26: {  	[smem:$0x3F91] =	sst s1;
	(tag) =	ssettag s2;
	_ =	strace s9  }
0x27: {  	s1 =	sld [smem:$0x3FA1]  }
0x28: {  	s2 =	sld [smem:$0x3FA2]  }
0x29: {  	s4 =	sld [smem:$0x3FA4]  }
0x2a: {  	p0 =	seq.s32 s5, $0x0;
	s5 =	sld [smem:$0x3FA5]  }
0x2b: {  	s6 =	sld [smem:$0x3FA6]  }
0x2c: {  	s7 =	sld [smem:$0x3FA7]  }
0x2d: {  	s3 =	simm.s32 $0x108;
	s8 =	sld [smem:$0x3FA8]  }
0x2e: {  	s3 =	simm.s32 @!p0 $0x1082;
	s9 =	sld [smem:$0x3FA9]  }
0x2f: {  	lr =	sadd.s32 s0, s3;
	s0 =	sld [smem:$0x3FA0]  }
0x30: {  	s3 =	sld [smem:$0x3FA3]  }
0x31: {  	[smem:$0x3FAC] =	sst s10  }
0x32: {  	s10 =	sld [smem:$0x3FAA];
	_ =	sdelay $0x3  }
0x33: {  	p0 =	seq.s32 s10, $0x1;
	s10 =	sld [smem:$0x3FAC];
	_ =	sdelay $0x3  }
0x34: {  	[smem:$0x3FAC] =	sst s10  }
0x35: {  	s10 =	sld [smem:$0x3FAB];
	_ =	sdelay $0x3  }
0x36: {  	p1 =	seq.s32 s10, $0x1;
	s10 =	sld [smem:$0x3FAC];
	_ =	sdelay $0x3  }
0x37: {  	[smem:$0x3FAC] =	sst s10  }
0x38: {  	s10 =	sld [smem:$0x3FAD]  }
0x39: {  	_ = 	snop;
	(pc) =	sbr.ind lr, $3  }
0x3a: {  	_ = 	snop  }
0x3b: {  	_ = 	snop  }
0x3c: {  	p2 =	seq.s32 s10, $0x1;
	s10 =	sld [smem:$0x3FAC]  }
0x3d: {  	_ =	shalt  }
0x3e: {  	_ =	shalt  }
0x3f: {  	_ =	shalt  }
0x40: {  	_ =	shalt  }
0x41: {  	_ =	shalt  }
0x42: {  	_ =	shalt  }
0x43: {  	_ =	shalt  }
0x44: {  	_ =	shalt  }
0x45: {  	_ =	shalt  }
0x46: {  	_ =	shalt  }
0x47: {  	_ =	shalt  }
0x48: {  	_ =	shalt  }
0x49: {  	_ =	shalt  }
0x4a: {  	_ =	shalt  }
0x4b: {  	_ =	shalt  }
0x4c: {  	_ =	shalt  }
0x4d: {  	_ =	shalt  }
0x4e: {  	_ =	shalt  }
0x4f: {  	_ =	shalt  }
0x50: {  	_ =	shalt  }
0x51: {  	_ =	shalt  }
0x52: {  	_ =	shalt  }
0x53: {  	_ =	shalt  }
0x54: {  	_ =	shalt  }
0x55: {  	_ =	shalt  }
0x56: {  	_ =	shalt  }
0x57: {  	_ =	shalt  }
0x58: {  	_ =	shalt  }
0x59: {  	_ =	shalt  }
0x5a: {  	_ =	shalt  }
0x5b: {  	_ =	shalt  }
0x5c: {  	_ =	shalt  }
0x5d: {  	_ =	shalt  }
0x5e: {  	_ =	shalt  }
0x5f: {  	_ =	shalt  }
0x60: {  	_ =	shalt  }
0x61: {  	_ =	shalt  }
0x62: {  	_ =	shalt  }
0x63: {  	_ =	shalt  }
0x64: {  	_ =	shalt  }
0x65: {  	_ =	shalt  }
0x66: {  	_ =	shalt  }
0x67: {  	_ =	shalt  }
0x68: {  	_ =	shalt  }
0x69: {  	_ =	shalt  }
0x6a: {  	_ =	shalt  }
0x6b: {  	_ =	shalt  }
0x6c: {  	_ =	shalt  }
0x6d: {  	_ =	shalt  }
0x6e: {  	_ =	shalt  }
0x6f: {  	_ =	shalt  }
0x70: {  	_ =	shalt  }
0x71: {  	_ =	shalt  }
0x72: {  	_ =	shalt  }
0x73: {  	_ =	shalt  }
0x74: {  	_ =	shalt  }
0x75: {  	_ =	shalt  }
0x76: {  	_ =	shalt  }
0x77: {  	_ =	shalt  }
0x78: {  	_ =	shalt  }
0x79: {  	_ =	shalt  }
0x7a: {  	_ =	shalt  }
0x7b: {  	_ =	shalt  }
0x7c: {  	_ =	shalt  }
0x7d: {  	_ =	shalt  }
0x7e: {  	_ =	shalt  }
0x7f: {  	_ =	shalt  }
0x80: {  	_ =	shalt  }
0x81: {  	_ =	shalt  }
0x82: {  	_ =	shalt  }
0x83: {  	_ =	shalt  }
0x84: {  	_ =	shalt  }
0x85: {  	_ =	shalt  }
0x86: {  	_ =	shalt  }
0x87: {  	_ =	shalt  }
.Lfunc_end0:
.L_simem_size_0:
called_computation_lowered:
.L_overlay_start_0:
0x88: {  	s2 =	sld [smem:$0x3FD9]  }
0x89: {  	s3 =	sld [smem:$0x3FFE];
	_ =	sdelay $0x1  }
0x8a: {  	s1 =	srdreg.scid  }
0x8b: {  	s0 =	sand.u32 $0x1, s1  }
0x8c: {  	s14 =	sshll.u32 s0, $0xA;
	s2 =	sadd.s32 s3, s2  }
0x8d: {  	s2 =	sadd.s32 s2, s14  }
0x8e: {  	[smem:$0x3FB8] =	sst s2  }
0x8f: {  	_ = 	snop  }
0x90: {  	s2 =	sld [smem:$0x3FD0];
	_ =	sdelay $0x2  }
0x91: {  	s15 =	simm.s32 $0xB;
	s4 =	simm.s32 $0x10  }
0x92: {  	[smem:s4], [sflag:s15] =	dma.local [hbm:s2], $0x1  }
0x93: {  	_ =	swait.eq [sflag:s15], $0x1  }
0x94: {  	s16 =	sld [smem:$0x10];
	[sflag:s15] =	ssyncset.done $0x0  }
0x95: {  	s17 =	sld [smem:$0x11];
	[sflag:s15] =	ssyncadd.s32 $0xFFFFFFFF  }
0x96: {  	s18 =	sld [smem:$0x12];
	(tm) =	ssettm $0x1  }
0x97: {  	s5 =	sld [smem:$0x3FFB];
	_ =	sdelay $0x3  }
0x98: {  	_ =	strace s5  }
0x99: {  	s5 =	sld [smem:$0x3FFC];
	_ =	sdelay $0x3  }
0x9a: {  	_ =	strace s5  }
0x9b: {  	s5 =	sld [smem:$0x3FFD];
	_ =	sdelay $0x3  }
0x9c: {  	_ =	strace s5  }
0x9d: {  	_ =	strace $0x8FFFFFFF  }
0x9e: {  	s19 =	sld [smem:$0x3FDB];
	_ =	sdelay $0x1  }
0x9f: {  	s6 =	simm.s32 $_scs_section_size  }
0xa0: {  	s7 =	simm.s32 $_size__tile_overlayer_lowered;
	s8 =	simm.s32 $_tile_overlayer_lowered  }
0xa1: {  	s22 =	simm.s32 $0x1BFF;
	s21 =	sshll.u32 s8, $0x1;
	s5 =	sadd.s32 s6, s19  }
0xa2: {  	s9 =	simm.s32 $0x0;
	s20 =	sshll.u32 s7, $0x1;
	s7 =	sadd.s32 s21, s5  }
0xa3: {  	[timem:s9], [sflag:s22] =	dma.local [hbm:s7], s20  }
0xa4: {  	_ =	swait.ge [sflag:s22], s20  }
0xa5: {  	s6 =	ssub.s32 $0x0, s20;
	[sflag:s22] =	ssyncset.done $0x0  }
0xa6: {  	[sflag:s22] =	ssyncadd.s32 s6;
	_ =	sdelay $0x1  }
0xa7: {  	s23 =	simm.s32 $0x1B8B  }
0xa8: {  	_ =	swait.ge [sflag:s23], $0x1  }
0xa9: {  	[sflag:s23] =	ssyncset.done $0x0  }
0xaa: {  	s25 =	simm.s32 $0x1B8E;
	s24 =	sld [smem:$0x3FFE];
	[sflag:s23] =	ssyncadd.s32 $0xFFFFFFFF  }
0xab: {  	s26 =	simm.s32 $execute0_lowered;
	[smem:$0x3FD2] =	sst s25  }
0xac: {  	s7 =	sshll.u32 s26, $0x1;
	_ =	strace $0x80000046;
	[dreg:$0x1] =	wrdreg $0xFFFFFFFF  }
0xad: {  	s28 =	simm.s32 $_size_execute0_lowered;
	s5 =	sadd.s32 s5, s7;
	[dreg:$0x0] =	wrdreg $0x0  }
0xae: {  	s7 =	sshll.u32 s28, $0x1;
	[dreg:$0x2] =	wrdreg s5  }
0xaf: {  	[dreg:$0x3] =	wrdreg s7  }
0xb0: {  	[dreg:$0x4] =	wrdreg $0xC0  }
0xb1: {  	_ =	task [dreg:s9], $0x5FFFF  }
0xb2: {  	[dreg:$0x1] =	wrdreg $0xFFFFFFFF  }
0xb3: {  	[dreg:$0x0] =	wrdreg $0x60  }
0xb4: {  	[dreg:$0x2] =	wrdreg s18  }
0xb5: {  	[dreg:$0x3] =	wrdreg s16  }
0xb6: {  	[dreg:$0x4] =	wrdreg s24  }
0xb7: {  	[dreg:$0x5] =	wrdreg s17  }
0xb8: {  	[dreg:$0x6] =	wrdreg $0xF6E00  }
0xb9: {  	[dreg:$0x7] =	wrdreg $0x193200  }
0xba: {  	[dreg:$0x8] =	wrdreg $0x9  }
0xbb: {  	_ =	task.clear_ibuf [dreg:s9], $0x9FFFF;
	_ =	strace $0x90000046  }
0xbc: {  	s29 =	simm.s32 $0x9;
	_ =	strace $0x80000048  }
0xbd: {  	_ =	swait.ge [sflag:s29], $0x1  }
0xbe: {  	[sflag:s29] =	ssyncadd.s32 $0xFFFFFFFF  }
0xbf: {  	_ =	strace $0x90000048  }
0xc0: {  	_ =	sfence  }
0xc1: {  	s30 =	sld [smem:$0x0];
	_ =	sdelay $0x2  }
0xc2: {  	s31 =	sshll.u32 s1, $0xD;
	s1 =	sshrl.u32 s1, $0x2  }
0xc3: {  	s3 =	sand.u32 $0x4000, s31;
	s1 =	sadd.s32 s1, s30  }
0xc4: {  	s0 =	sor.u32 s3, s0;
	s1 =	sshll.u32 s1, $0x11  }
0xc5: {  	s0 =	sor.u32 s1, s0  }
0xc6: {  	s0 =	sadd.s32 $0x8F2B, s0  }
0xc7: {  	[sflag:s0] =	ssyncadd.remote.s32 $0x1  }
0xc8: {  	_ =	sfence.sel $0xFFFF  }
0xc9: {  	[dreg:$0x0] =	wrdreg $0xFFFFFFFF;
	(pc) =	sbr.abs _section_cstart, $3  }
0xca: {  	[dreg:$0x1] =	wrdreg $0xFFFFFFFF  }
0xcb: {  	_ =	task.clear_ibuf [dreg:s9], $0x2FFFF;
	_ =	strace $0x9FFFFFFF  }
0xcc: {  	(tm) =	ssettm $0x7FFFFFFF  }
0xcd: {  	_ =	shalt  }
tec
execute0_lowered:
.L_overlay_start_1:
0x0: {  	(tag) =	ssettag $0x1  }
0x1: {  	s0 =	rddreg [dreg:$0x0]  }
0x2: {  	s2 =	rddreg [dreg:$0x1]  }
0x3: {  	s1 =	rddreg [dreg:$0x2]  }
0x4: {  	s6 =	rddreg [dreg:$0x3]  }
0x5: {  	s3 =	rddreg [dreg:$0x4]  }
0x6: {  	s4 =	rddreg [dreg:$0x5];
	s5 =	simm.s32 $0x0  }
0x7: {  	s7 =	srdreg.scid;
	s16 =	stileid.u32;
	s28 =	simm.s32 $0x320  }
0x8: {  	s29 =	simm.s32 $0x6720;
	s30 =	simm.s32 $0x1;
	s13 =	smul.u32 $0x27000, s16  }
0x9: {  	s31 =	simm.s32 $0x4;
	[smem:$0x7FF] =	sst s5;
	s17 =	smul.u32 $0x4E20, s16  }
0xa: {  	s11 =	sadd.s32 $0xEA00, s1;
	s12 =	sadd.s32 $0x4C00, s1;
	s19 =	smul.u32 $0x13800, s16  }
0xb: {  	s7 =	sand.u32 $0x1, s7;
	s10 =	sadd.s32 $0x18800, s1;
	s25 =	smul.u32 $0x9C4, s16  }
0xc: {  	p1 =	sne.s32 s16, $0xF;
	p3 =	seq.s32 s16, $0xF;
	p0 =	sne.s32 s16, $0x0  }
0xd: {  	_ =	strace $0x80000047;
	s8 =	smul.u32 $0x4E2, s7;
	s9 =	ssub.s32 $0x2, s7  }
0xe: {  	[dreg:$0x7] =	wrdreg s10;
	s21 =	sshll.u32 s7, $0x3;
	p2 =	sne.s32 s7, $0x0  }
0xf: {  	s15 =	sshrl.u32 s9, $0x1;
	s18 =	sshrl.u32 s13, $0x2;
	s1 =	sadd.s32 s8, s1  }
0x10: {  	s14 =	ssub.s32 s9, s15;
	s15 =	sshll.u32 s7, $0x6;
	s8 =	sadd.s32 s18, s3  }
0x11: {  	s9 =	sadd.s32 $0x92400, s3;
	s18 =	sshrl.u32 s17, $0x3;
	s7 =	simm.s32 $0x2  }
0x12: {  	s10 =	sadd.s32 s11, s18;
	s17 =	sadd.s32 s12, s18;
	s13 =	sor.u32 s15, s19  }
0x13: {  	s20 =	sadd.s32 $0x32, s18;
	s1 =	sadd.s32 $0x19C00, s1;
	[dreg:$0x8] =	wrdreg s17  }
0x14: {  	s22 =	smax.u32 s14, $0x1;
	s24 =	sadd.s32 $0x64, s18;
	[dreg:$0xc] =	wrdreg s1  }
0x15: {  	s13 =	sshrl.u32 s13, $0x3;
	s19 =	sadd.s32 s11, s20;
	[dreg:$0xd] =	wrdreg s22  }
0x16: {  	s23 =	sadd.s32 s12, s20;
	s26 =	sadd.s32 s11, s24;
	s17 =	smov.u32 s10  }
0x17: {  	s20 =	sadd.s32 $0x96, s10;
	s22 =	sadd.s32 s25, s12;
	[dreg:$0x9] =	wrdreg s19  }
0x18: {  	s1 =	simm.s32 $0xCE40;
	s13 =	sadd.s32 s6, s13;
	[dreg:$0xe] =	wrdreg s23  }
.Ltmp0:
0x19: {  	s6 =	sadd.s32 s21, s6;
	[dreg:$0xf] =	wrdreg s26;
	(pc) =	sbr.rel .LBB2_1-.Ltmp0, $4  }
0x1a: {  	s19 =	sadd.s32 s12, s24;
	s21 =	sadd.s32 s25, s11;
	s24 =	simm.s32 $0x6  }
0x1b: {  	s25 =	simm.s32 $0x190;
	s26 =	simm.s32 $0x3;
	s23 =	simm.s32 $0x68B0  }
0x1c: {  	s11 =	simm.s32 $0x5;
	[dreg:$0xa] =	wrdreg s13;
	s6 =	sadd.s32 $0x24900, s6  }
0x1d: {  	v0 =	vimm.f32 $1.000000000e+00;
	v1 =	vimm.f32 $0.0e+00;
	s12 =	simm.s32 $0x0;
	[dreg:$0xb] =	wrdreg s6;
	s6 =	simm.s32 $0x6A40  }
.LBB2_15:
0x1e: {  	_ =	swait.ge [sflag:s7], $0x6400  }
0x1f: {  	[sflag:s7] =	ssyncset.done $0x0  }
0x20: {  	[sflag:s7] =	ssyncadd.s32 $0xFFFF9C00  }
0x21: {  	_ =	swait.ge [sflag:s11], $0x190  }
0x22: {  	[sflag:s11] =	ssyncset.done $0x0  }
0x23: {  	[sflag:s11] =	ssyncadd.s32 $0xFFFFFE70  }
.LBB2_16:
0x24: {  	[bflag:$0x0] =	sbarrier.arrive $0xFFFF  }
0x25: {  	s10 =	sshrl.u32 @p3 s9, $0x3;
	s13 =	simm.s32 @p3 $0x1;
	s14 =	simm.s32 @p3 $0x10  }
0x26: {  	s15 =	simm.s32 @p3 $0x8;
	s16 =	simm.s32 @p3 $0x1FC6;
	s18 =	rddreg [dreg:$0xb]  }
0x27: {  	[hbm:s18@s14], [sflag:s16] =	dma.strided @p3 [spmem:s10@s15], $0x1400, s13, $0x8   }
0x28: {  	s10 =	simm.s32 @p3 $0x6;
	s13 =	stileid.u32;
	s14 =	simm.s32 @!p3 $0x1  }
0x29: {  	s15 =	simm.s32 @!p3 $0x10;
	s16 =	simm.s32 @!p3 $0x8;
	_ =	swait.ge @p3 [sflag:s10], $0x1400  }
0x2a: {  	s13 =	sshll.u32 @!p3 s13, $0x6;
	[sflag:s10] =	ssyncset.done @p3 $0x0;
	s18 =	rddreg [dreg:$0xa]  }
0x2b: {  	[sflag:s10] =	ssyncadd.s32 @p3 $0xFFFFEC00;
	s10 =	sor.u32 @!p3 $0x1C06, s13;
	s13 =	sshrl.u32 @!p3 s8, $0x3  }
0x2c: {  	[hbm:s18@s15], [sflag:s10] =	dma.strided @!p3 [spmem:s13@s16], $0x1380, s14, $0x8   }
0x2d: {  	s10 =	simm.s32 @!p3 $0x6  }
0x2e: {  	_ =	swait.ge @!p3 [sflag:s10], $0x1380  }
0x2f: {  	[sflag:s10] =	ssyncset.done @!p3 $0x0  }
0x30: {  	s13 =	simm.s32 @p4 $0x6;
	[sflag:s10] =	ssyncadd.s32 @!p3 $0xFFFFEC80;
	s10 =	simm.s32 @p4 $0xCFD0  }
0x31: {  	[tilespmem:s10], [sflag:$0x6] =	stream.linear.gather @p4 [spmem:s4], $0x2710, $0x38;
	[tilespmem:$0x19598] =	vst v63  }
0x32: {  	_ =	swait.ge @p4 [sflag:s13], $0x2710  }
0x33: {  	[sflag:s13] =	ssyncset.done @p4 $0x0  }
0x34: {  	s14 =	simm.s32 @p4 $0x0;
	s15 =	rddreg [dreg:$0xc];
	[sflag:s13] =	ssyncadd.s32 @p4 $0xFFFFD8F0  }
0x35: {  	[hbm4b:s15+s14] =	stream.linear.scatter @p4 [tilespmem:s10], [sflag:$0x6], $0x2710, $0x38;
	[tilespmem:$0x19598] =	vst v63  }
0x36: {  	_ =	swait.ge @p4 [sflag:s13], $0x2710  }
0x37: {  	s12 =	sadd.s32 $0x1, s12;
	s18 =	rddreg [dreg:$0xd]  }
0x38: {  	p5 =	sne.s32 s12, s18  }
.Ltmp1:
0x39: {  	_ = 	snop;
	(pc) =	sbr.rel @!p5 .LBB2_17-.Ltmp1, $3  }
0x3a: {  	_ =	sdelay $0x1  }
0x3b: {  	[sflag:s13] =	ssyncset.done @p4 $0x0  }
0x3c: {  	[sflag:s13] =	ssyncadd.s32 @p4 $0xFFFFD8F0  }
.LBB2_1:
.Ltmp2:
0x3d: {  	(pc) =	sbr.rel @p1 .LBB2_3-.Ltmp2, $1  }
0x3e: {  	_ =	sdelay $0x3  }
0x3f: {  	s13 =	sshrl.u32 s9, $0x3  }
.Ltmp3:
0x40: {  	s10 =	rddreg [dreg:$0x7];
	s14 =	simm.s32 $0x1FC6;
	(pc) =	sbr.rel .LBB2_7-.Ltmp3, $4  }
0x41: {  	[spmem:s13], [sflag:s14] =	dma.local [hbm:s10], $0x1400  }
0x42: {  	_ =	swait.ge [sflag:s24], $0x1400  }
0x43: {  	[sflag:s24] =	ssyncset.done $0x0  }
0x44: {  	p4 =	por $0x0, $0x0;
	[sflag:s24] =	ssyncadd.s32 $0xFFFFEC00  }
.LBB2_3:
0x45: {  	s10 =	stileid.u32  }
0x46: {  	s14 =	sshrl.u32 s8, $0x3;
	s13 =	sshll.u32 s10, $0x6  }
.Ltmp4:
0x47: {  	s18 =	rddreg [dreg:$0x7];
	s13 =	sor.u32 $0x1C06, s13;
	(pc) =	sbr.rel @p0 .LBB2_7-.Ltmp4, $4  }
0x48: {  	[spmem:s14], [sflag:s13] =	dma.local [hbm:s18], $0x1380  }
0x49: {  	_ =	swait.ge [sflag:s24], $0x1380  }
0x4a: {  	[sflag:s24] =	ssyncset.done $0x0  }
0x4b: {  	p4 =	por $0x0, $0x0;
	[sflag:s24] =	ssyncadd.s32 $0xFFFFEC80  }
0x4c: {  	s13 =	simm.s32 $0x40;
	s14 =	simm.s32 $0x0  }
.LBB2_5:
0x4d: {  	p4 =	sne.s32 s13, $0x9C00;
	[tilespmem:s14+$0xCFD0] =	vst v1;
	s14 =	smov.u32 s13;
	s13 =	sadd.s32 $0x40, s13  }
.Ltmp5:
0x4e: {  	(pc) =	sbr.rel @p4 .LBB2_5-.Ltmp5, $2  }
0x4f: {  	_ =	sdelay $0x2  }
0x50: {  	s14 =	sshra.s32 s14, $0x2  }
0x51: {  	[tilespmem:s14+$0xCFD0] =	vst v1;
	s10 =	simm.s32 $0xCFD0  }
0x52: {  	[spmem:s4] =	stream.linear.scatter [tilespmem:s10], [sflag:$0x6], $0x2710, $0x38;
	[tilespmem:$0x19598] =	vst v63  }
0x53: {  	_ =	swait.ge [sflag:s24], $0x2710  }
0x54: {  	[sflag:s24] =	ssyncset.done $0x0  }
0x55: {  	p4 =	por $0x1, $0x1;
	[sflag:s24] =	ssyncadd.s32 $0xFFFFD8F0  }
.LBB2_7:
0x56: {  	[tilespmem:$0xCE40] =	vst v0  }
0x57: {  	[tilespmem:$0xCE50] =	vst v0  }
0x58: {  	[tilespmem:$0xCE60] =	vst v0  }
0x59: {  	[tilespmem:$0xCE70] =	vst v0  }
0x5a: {  	[tilespmem:$0xCE80] =	vst v0  }
0x5b: {  	[tilespmem:$0xCE90] =	vst v0  }
0x5c: {  	[tilespmem:$0xCEA0] =	vst v0  }
0x5d: {  	[tilespmem:$0xCEB0] =	vst v0  }
0x5e: {  	[tilespmem:$0xCEC0] =	vst v0  }
0x5f: {  	[tilespmem:$0xCED0] =	vst v0  }
0x60: {  	[tilespmem:$0xCEE0] =	vst v0  }
0x61: {  	[tilespmem:$0xCEF0] =	vst v0  }
0x62: {  	[tilespmem:$0xCF00] =	vst v0  }
0x63: {  	[tilespmem:$0xCF10] =	vst v0  }
0x64: {  	[tilespmem:$0xCF20] =	vst v0  }
0x65: {  	[tilespmem:$0xCF30] =	vst v0  }
0x66: {  	[tilespmem:$0xCF40] =	vst v0  }
0x67: {  	[tilespmem:$0xCF50] =	vst v0  }
0x68: {  	[tilespmem:$0xCF60] =	vst v0  }
0x69: {  	[tilespmem:$0xCF70] =	vst v0  }
0x6a: {  	[tilespmem:$0xCF80] =	vst v0  }
0x6b: {  	[tilespmem:$0xCF90] =	vst v0  }
0x6c: {  	[tilespmem:$0xCFA0] =	vst v0  }
0x6d: {  	[tilespmem:$0xCFB0] =	vst v0  }
0x6e: {  	[tilespmem:$0xCFC0] =	vst v0  }
0x6f: {  	[bflag:$0x0] =	sbarrier.arrive $0xFFFF  }
0x70: {  	[tilespmem:s5], [sflag:$0x3] =	stream.linear.gather [hbm4b:s17+s5], $0x190, $0x38;
	[tilespmem:$0x19598] =	vst v63  }
.Ltmp6:
0x71: {  	s10 =	rddreg [dreg:$0x8];
	(pc) =	sbr.rel @p2 .LBB2_12-.Ltmp6, $4  }
0x72: {  	[tilespmem:s25], [sflag:$0x4] =	stream.linear.gather [hbm4b:s10+s5], $0x190, $0x38;
	[tilespmem:$0x19598] =	vst v63  }
0x73: {  	_ =	swait.ge [sflag:s26], $0x190  }
0x74: {  	[sflag:s26] =	ssyncset.done $0x0  }
0x75: {  	[sflag:s26] =	ssyncadd.s32 $0xFFFFFE70  }
0x76: {  	[tilespmem:s28], [sflag:$0x1] =	stream.indirect.gather [hbm4b:s0+s25], $0x40, s5, s25, $0xb8;
	[tilespmem:$0x19598] =	vst v63  }
0x77: {  	s10 =	rddreg [dreg:$0x9]  }
0x78: {  	[tilespmem:s29], [sflag:$0x3] =	stream.linear.gather [hbm4b:s10+s5], $0x190, $0x38;
	[tilespmem:$0x19598] =	vst v63  }
0x79: {  	_ =	swait.ge [sflag:s30], $0x6400  }
0x7a: {  	[sflag:s30] =	ssyncset.done $0x0  }
0x7b: {  	[sflag:s30] =	ssyncadd.s32 $0xFFFF9C00  }
0x7c: {  	_ =	swait.ge [sflag:s31], $0x190  }
0x7d: {  	[sflag:s31] =	ssyncset.done $0x0  }
0x7e: {  	[sflag:s31] =	ssyncadd.s32 $0xFFFFFE70  }
0x7f: {  	[spmem:s3] =	stream.indirect.scatter.add.f32 [tilespmem:s28], [sflag:$0x2], $0x40, s25, s25, $0xb8;
	[tilespmem:$0x19598] =	vst v63  }
0x80: {  	_ = 	snop  }
0x81: {  	[spmem:s4] =	stream.indirect.scatter.add.f32 [tilespmem:s1], [sflag:$0x5], $0x1, s25, s25, $0xb8;
	[tilespmem:$0x19598] =	vst v63  }
0x82: {  	s16 =	rddreg [dreg:$0xe]  }
0x83: {  	[tilespmem:s23], [sflag:$0x4] =	stream.linear.gather [hbm4b:s16+s5], $0x190, $0x38;
	[tilespmem:$0x19598] =	vst v63  }
0x84: {  	_ =	swait.ge [sflag:s26], $0x190  }
0x85: {  	[sflag:s26] =	ssyncset.done $0x0  }
0x86: {  	[sflag:s26] =	ssyncadd.s32 $0xFFFFFE70  }
0x87: {  	[tilespmem:s6], [sflag:$0x1] =	stream.indirect.gather [hbm4b:s0+s25], $0x40, s29, s25, $0xb8;
	[tilespmem:$0x19598] =	vst v63  }
0x88: {  	s18 =	rddreg [dreg:$0xf]  }
0x89: {  	[tilespmem:s5], [sflag:$0x3] =	stream.linear.gather [hbm4b:s18+s5], $0x190, $0x38;
	[tilespmem:$0x19598] =	vst v63  }
0x8a: {  	_ =	swait.ge [sflag:s30], $0x6400  }
0x8b: {  	[sflag:s30] =	ssyncset.done $0x0  }
0x8c: {  	[sflag:s30] =	ssyncadd.s32 $0xFFFF9C00  }
0x8d: {  	_ =	swait.ge [sflag:s31], $0x190  }
0x8e: {  	[sflag:s31] =	ssyncset.done $0x0  }
0x8f: {  	[sflag:s31] =	ssyncadd.s32 $0xFFFFFE70  }
0x90: {  	[spmem:s3] =	stream.indirect.scatter.add.f32 [tilespmem:s6], [sflag:$0x2], $0x40, s23, s25, $0xb8;
	[tilespmem:$0x19598] =	vst v63  }
0x91: {  	_ =	swait.ge [sflag:s7], $0x6400  }
0x92: {  	[sflag:s7] =	ssyncset.done $0x0  }
0x93: {  	[sflag:s7] =	ssyncadd.s32 $0xFFFF9C00  }
0x94: {  	_ =	swait.ge [sflag:s11], $0x190  }
0x95: {  	[sflag:s11] =	ssyncset.done $0x0  }
0x96: {  	[sflag:s11] =	ssyncadd.s32 $0xFFFFFE70  }
0x97: {  	[tilespmem:s25], [sflag:$0x4] =	stream.linear.gather [hbm4b:s19+s5], $0x190, $0x38;
	[tilespmem:$0x19598] =	vst v63  }
0x98: {  	_ =	swait.ge [sflag:s26], $0x190  }
0x99: {  	[sflag:s26] =	ssyncset.done $0x0  }
0x9a: {  	[sflag:s26] =	ssyncadd.s32 $0xFFFFFE70  }
0x9b: {  	[tilespmem:s28], [sflag:$0x1] =	stream.indirect.gather [hbm4b:s0+s25], $0x40, s5, s25, $0xb8;
	[tilespmem:$0x19598] =	vst v63  }
0x9c: {  	s13 =	simm.s32 $0xFFFFF704  }
0x9d: {  	[tilespmem:s29], [sflag:$0x3] =	stream.linear.gather [hbm4b:s20+s5], $0x190, $0x38;
	[tilespmem:$0x19598] =	vst v63  }
.LBB2_9:
0x9e: {  	_ =	swait.ge [sflag:s30], $0x6400  }
0x9f: {  	[sflag:s30] =	ssyncset.done $0x0  }
0xa0: {  	[sflag:s30] =	ssyncadd.s32 $0xFFFF9C00  }
0xa1: {  	_ =	swait.ge [sflag:s31], $0x190  }
0xa2: {  	[sflag:s31] =	ssyncset.done $0x0  }
0xa3: {  	[sflag:s31] =	ssyncadd.s32 $0xFFFFFE70  }
0xa4: {  	[spmem:s3] =	stream.indirect.scatter.add.f32 [tilespmem:s28], [sflag:$0x2], $0x40, s25, s25, $0xb8;
	[tilespmem:$0x19598] =	vst v63  }
0xa5: {  	_ = 	snop  }
0xa6: {  	[spmem:s4] =	stream.indirect.scatter.add.f32 [tilespmem:s1], [sflag:$0x5], $0x1, s25, s25, $0xb8;
	[tilespmem:$0x19598] =	vst v63  }
0xa7: {  	_ =	swait.ge [sflag:s7], $0x6400  }
0xa8: {  	s14 =	sadd.s32 s13, s22;
	[sflag:s7] =	ssyncset.done $0x0  }
0xa9: {  	s15 =	sadd.s32 $0x992, s14;
	[sflag:s7] =	ssyncadd.s32 $0xFFFF9C00  }
0xaa: {  	[tilespmem:s23], [sflag:$0x4] =	stream.linear.gather [hbm4b:s15+s5], $0x190, $0x38;
	[tilespmem:$0x19598] =	vst v63  }
0xab: {  	_ =	swait.ge [sflag:s26], $0x190  }
0xac: {  	p5 =	seq.s32 s13, $0x0;
	[sflag:s26] =	ssyncset.done $0x0  }
0xad: {  	s15 =	sadd.s32 @!p5 s13, s21;
	[sflag:s26] =	ssyncadd.s32 $0xFFFFFE70  }
0xae: {  	[tilespmem:s6], [sflag:$0x1] =	stream.indirect.gather [hbm4b:s0+s25], $0x40, s29, s25, $0xb8;
	[tilespmem:$0x19598] =	vst v63  }
0xaf: {  	s10 =	simm.s32 @!p5 $0x0;
	s15 =	sadd.s32 @!p5 $0x9C4, s15  }
0xb0: {  	[tilespmem:s10], [sflag:$0x3] =	stream.linear.gather @!p5 [hbm4b:s15+s10], $0x190, $0x38;
	[tilespmem:$0x19598] =	vst v63  }
0xb1: {  	_ =	swait.ge [sflag:s30], $0x6400  }
0xb2: {  	[sflag:s30] =	ssyncset.done $0x0  }
0xb3: {  	[sflag:s30] =	ssyncadd.s32 $0xFFFF9C00  }
0xb4: {  	_ =	swait.ge [sflag:s31], $0x190  }
0xb5: {  	[sflag:s31] =	ssyncset.done $0x0  }
0xb6: {  	[sflag:s31] =	ssyncadd.s32 $0xFFFFFE70  }
0xb7: {  	[spmem:s3] =	stream.indirect.scatter.add.f32 [tilespmem:s6], [sflag:$0x2], $0x40, s23, s25, $0xb8;
	[tilespmem:$0x19598] =	vst v63  }
0xb8: {  	_ =	swait.ge [sflag:s7], $0x6400  }
.Ltmp7:
0xb9: {  	[sflag:s7] =	ssyncset.done $0x0;
	(pc) =	sbr.rel @p5 .LBB2_11-.Ltmp7, $4  }
0xba: {  	[sflag:s7] =	ssyncadd.s32 $0xFFFF9C00  }
0xbb: {  	_ =	swait.ge [sflag:s11], $0x190  }
0xbc: {  	[sflag:s11] =	ssyncset.done $0x0  }
0xbd: {  	[sflag:s11] =	ssyncadd.s32 $0xFFFFFE70  }
0xbe: {  	s10 =	sadd.s32 $0x9C4, s14  }
0xbf: {  	[tilespmem:s25], [sflag:$0x4] =	stream.linear.gather [hbm4b:s10+s5], $0x190, $0x38;
	[tilespmem:$0x19598] =	vst v63  }
0xc0: {  	_ =	swait.ge [sflag:s26], $0x190  }
.Ltmp8:
0xc1: {  	[sflag:s26] =	ssyncset.done $0x0;
	(pc) =	sbr.rel .LBB2_9-.Ltmp8, $4  }
0xc2: {  	s18 =	sadd.s32 s13, s21;
	[sflag:s26] =	ssyncadd.s32 $0xFFFFFE70  }
0xc3: {  	[tilespmem:s28], [sflag:$0x1] =	stream.indirect.gather [hbm4b:s0+s25], $0x40, s5, s25, $0xb8;
	[tilespmem:$0x19598] =	vst v63  }
0xc4: {  	s13 =	sadd.s32 $0x64, s13;
	s10 =	sadd.s32 $0x9F6, s18  }
0xc5: {  	[tilespmem:s29], [sflag:$0x3] =	stream.linear.gather [hbm4b:s10+s5], $0x190, $0x38;
	[tilespmem:$0x19598] =	vst v63  }
.LBB2_12:
0xc6: {  	[tilespmem:s28], [sflag:$0x1] =	stream.indirect.gather [hbm4b:s2+s25], $0x40, s5, s25, $0xb8;
	[tilespmem:$0x19598] =	vst v63  }
0xc7: {  	s10 =	rddreg [dreg:$0x9]  }
0xc8: {  	[tilespmem:s29], [sflag:$0x3] =	stream.linear.gather [hbm4b:s10+s5], $0x190, $0x38;
	[tilespmem:$0x19598] =	vst v63  }
0xc9: {  	_ =	swait.ge [sflag:s30], $0x6400  }
0xca: {  	[sflag:s30] =	ssyncset.done $0x0  }
0xcb: {  	[sflag:s30] =	ssyncadd.s32 $0xFFFF9C00  }
0xcc: {  	_ =	swait.ge [sflag:s31], $0x190  }
0xcd: {  	[sflag:s31] =	ssyncset.done $0x0  }
0xce: {  	[sflag:s31] =	ssyncadd.s32 $0xFFFFFE70  }
0xcf: {  	[spmem:s3] =	stream.indirect.scatter.add.f32 [tilespmem:s28], [sflag:$0x2], $0x40, s25, s25, $0xb8;
	[tilespmem:$0x19598] =	vst v63  }
0xd0: {  	s16 =	rddreg [dreg:$0xe]  }
0xd1: {  	[tilespmem:s23], [sflag:$0x4] =	stream.linear.gather [hbm4b:s16+s5], $0x190, $0x38;
	[tilespmem:$0x19598] =	vst v63  }
0xd2: {  	_ =	swait.ge [sflag:s26], $0x190  }
0xd3: {  	[sflag:s26] =	ssyncset.done $0x0  }
0xd4: {  	[sflag:s26] =	ssyncadd.s32 $0xFFFFFE70  }
0xd5: {  	[tilespmem:s6], [sflag:$0x1] =	stream.indirect.gather [hbm4b:s2+s25], $0x40, s29, s25, $0xb8;
	[tilespmem:$0x19598] =	vst v63  }
0xd6: {  	s18 =	rddreg [dreg:$0xf]  }
0xd7: {  	[tilespmem:s5], [sflag:$0x3] =	stream.linear.gather [hbm4b:s18+s5], $0x190, $0x38;
	[tilespmem:$0x19598] =	vst v63  }
0xd8: {  	_ =	swait.ge [sflag:s30], $0x6400  }
0xd9: {  	[sflag:s30] =	ssyncset.done $0x0  }
0xda: {  	[sflag:s30] =	ssyncadd.s32 $0xFFFF9C00  }
0xdb: {  	_ =	swait.ge [sflag:s31], $0x190  }
0xdc: {  	[sflag:s31] =	ssyncset.done $0x0  }
0xdd: {  	[sflag:s31] =	ssyncadd.s32 $0xFFFFFE70  }
0xde: {  	[spmem:s3] =	stream.indirect.scatter.add.f32 [tilespmem:s6], [sflag:$0x2], $0x40, s23, s25, $0xb8;
	[tilespmem:$0x19598] =	vst v63  }
0xdf: {  	_ = 	snop  }
0xe0: {  	[spmem:s4] =	stream.indirect.scatter.add.f32 [tilespmem:s1], [sflag:$0x5], $0x1, s23, s25, $0xb8;
	[tilespmem:$0x19598] =	vst v63  }
0xe1: {  	_ =	swait.ge [sflag:s7], $0x6400  }
0xe2: {  	[sflag:s7] =	ssyncset.done $0x0  }
0xe3: {  	[sflag:s7] =	ssyncadd.s32 $0xFFFF9C00  }
0xe4: {  	[tilespmem:s25], [sflag:$0x4] =	stream.linear.gather [hbm4b:s19+s5], $0x190, $0x38;
	[tilespmem:$0x19598] =	vst v63  }
0xe5: {  	_ =	swait.ge [sflag:s26], $0x190  }
0xe6: {  	[sflag:s26] =	ssyncset.done $0x0  }
0xe7: {  	[sflag:s26] =	ssyncadd.s32 $0xFFFFFE70  }
0xe8: {  	[tilespmem:s28], [sflag:$0x1] =	stream.indirect.gather [hbm4b:s2+s25], $0x40, s5, s25, $0xb8;
	[tilespmem:$0x19598] =	vst v63  }
0xe9: {  	s13 =	simm.s32 $0xFFFFF704  }
0xea: {  	[tilespmem:s29], [sflag:$0x3] =	stream.linear.gather [hbm4b:s20+s5], $0x190, $0x38;
	[tilespmem:$0x19598] =	vst v63  }
.LBB2_13:
0xeb: {  	_ =	swait.ge [sflag:s30], $0x6400  }
0xec: {  	[sflag:s30] =	ssyncset.done $0x0  }
0xed: {  	[sflag:s30] =	ssyncadd.s32 $0xFFFF9C00  }
0xee: {  	_ =	swait.ge [sflag:s31], $0x190  }
0xef: {  	[sflag:s31] =	ssyncset.done $0x0  }
0xf0: {  	[sflag:s31] =	ssyncadd.s32 $0xFFFFFE70  }
0xf1: {  	[spmem:s3] =	stream.indirect.scatter.add.f32 [tilespmem:s28], [sflag:$0x2], $0x40, s25, s25, $0xb8;
	[tilespmem:$0x19598] =	vst v63  }
0xf2: {  	_ =	swait.ge [sflag:s7], $0x6400  }
0xf3: {  	[sflag:s7] =	ssyncset.done $0x0  }
0xf4: {  	[sflag:s7] =	ssyncadd.s32 $0xFFFF9C00  }
0xf5: {  	_ =	swait.ge [sflag:s11], $0x190  }
0xf6: {  	s14 =	sadd.s32 s13, s22;
	[sflag:s11] =	ssyncset.done $0x0  }
0xf7: {  	s10 =	sadd.s32 $0x992, s14;
	[sflag:s11] =	ssyncadd.s32 $0xFFFFFE70  }
0xf8: {  	[tilespmem:s23], [sflag:$0x4] =	stream.linear.gather [hbm4b:s10+s5], $0x190, $0x38;
	[tilespmem:$0x19598] =	vst v63  }
0xf9: {  	_ =	swait.ge [sflag:s26], $0x190  }
0xfa: {  	p5 =	seq.s32 s13, $0x0;
	[sflag:s26] =	ssyncset.done $0x0  }
0xfb: {  	s10 =	sadd.s32 @!p5 s13, s21;
	[sflag:s26] =	ssyncadd.s32 $0xFFFFFE70  }
0xfc: {  	[tilespmem:s6], [sflag:$0x1] =	stream.indirect.gather [hbm4b:s2+s25], $0x40, s29, s25, $0xb8;
	[tilespmem:$0x19598] =	vst v63  }
0xfd: {  	s15 =	simm.s32 @!p5 $0x0;
	s10 =	sadd.s32 @!p5 $0x9C4, s10  }
0xfe: {  	[tilespmem:s15], [sflag:$0x3] =	stream.linear.gather @!p5 [hbm4b:s10+s15], $0x190, $0x38;
	[tilespmem:$0x19598] =	vst v63  }
0xff: {  	_ =	swait.ge [sflag:s30], $0x6400  }
0x100: {  	[sflag:s30] =	ssyncset.done $0x0  }
0x101: {  	[sflag:s30] =	ssyncadd.s32 $0xFFFF9C00  }
0x102: {  	_ =	swait.ge [sflag:s31], $0x190  }
0x103: {  	[sflag:s31] =	ssyncset.done $0x0  }
0x104: {  	[sflag:s31] =	ssyncadd.s32 $0xFFFFFE70  }
0x105: {  	[spmem:s3] =	stream.indirect.scatter.add.f32 [tilespmem:s6], [sflag:$0x2], $0x40, s23, s25, $0xb8;
	[tilespmem:$0x19598] =	vst v63  }
.Ltmp9:
0x106: {  	_ = 	snop;
	(pc) =	sbr.rel @p5 .LBB2_15-.Ltmp9, $4  }
0x107: {  	[spmem:s4] =	stream.indirect.scatter.add.f32 [tilespmem:s1], [sflag:$0x5], $0x1, s23, s25, $0xb8;
	[tilespmem:$0x19598] =	vst v63  }
0x108: {  	_ =	swait.ge [sflag:s7], $0x6400  }
0x109: {  	[sflag:s7] =	ssyncset.done $0x0  }
0x10a: {  	[sflag:s7] =	ssyncadd.s32 $0xFFFF9C00  }
0x10b: {  	s10 =	sadd.s32 $0x9C4, s14  }
0x10c: {  	[tilespmem:s25], [sflag:$0x4] =	stream.linear.gather [hbm4b:s10+s5], $0x190, $0x38;
	[tilespmem:$0x19598] =	vst v63  }
0x10d: {  	_ =	swait.ge [sflag:s26], $0x190  }
.Ltmp10:
0x10e: {  	[sflag:s26] =	ssyncset.done $0x0;
	(pc) =	sbr.rel .LBB2_13-.Ltmp10, $4  }
0x10f: {  	s18 =	sadd.s32 s13, s21;
	[sflag:s26] =	ssyncadd.s32 $0xFFFFFE70  }
0x110: {  	[tilespmem:s28], [sflag:$0x1] =	stream.indirect.gather [hbm4b:s2+s25], $0x40, s5, s25, $0xb8;
	[tilespmem:$0x19598] =	vst v63  }
0x111: {  	s13 =	sadd.s32 $0x64, s13;
	s10 =	sadd.s32 $0x9F6, s18  }
0x112: {  	[tilespmem:s29], [sflag:$0x3] =	stream.linear.gather [hbm4b:s10+s5], $0x190, $0x38;
	[tilespmem:$0x19598] =	vst v63  }
.LBB2_11:
.Ltmp11:
0x113: {  	(pc) =	sbr.rel .LBB2_16-.Ltmp11, $4  }
0x114: {  	_ = 	snop  }
0x115: {  	_ =	swait.ge [sflag:s7], $0x6400  }
0x116: {  	[sflag:s7] =	ssyncset.done $0x0  }
0x117: {  	[sflag:s7] =	ssyncadd.s32 $0xFFFF9C00  }
.LBB2_17:
0x118: {  	_ =	sfence.sel $0x180000  }
0x119: {  	[bflag:$0x0] =	sbarrier.arrive $0xFFFF  }
0x11a: {  	_ =	strace $0x90000047  }
0x11b: {  	[bflag:$0x2] =	sbarrier.arrive $0xFFFF  }
0x11c: {  	s0 =	rddreg [dreg:$0x6]  }
0x11d: {  	s0 =	sadd.s32 @!p0 $0x100000, s0  }
0x11e: {  	[sflag:s0] =	ssyncadd.tile.s32 @!p0 $0x1;
	_ =	shalt  }
.Lfunc_end2:
_tile_overlayer_lowered:
.L_overlay_start_2:
0x11f: {  	(tag) =	ssettag $0x2  }
0x120: {  	s0 =	rddreg [dreg:$0x0];
	s2 =	stileid.u32  }
0x121: {  	s1 =	rddreg [dreg:$0x1];
	p0 =	sne.s32 s2, $0x0  }
0x122: {  	s3 =	rddreg [dreg:$0x2];
	[bflag:$0x3] =	sbarrier.arrive $0xFFFF;
	s2 =	simm.s32 @!p0 $0x1C06  }
0x123: {  	[timem:s3], [sflag:s2] =	dma.local @!p0 [hbm:s0], s1  }
0x124: {  	s0 =	simm.s32 @!p0 $0x6  }
0x125: {  	_ =	swait.ge @!p0 [sflag:s0], s1  }
0x126: {  	s1 =	ssub.s32 @!p0 $0x0, s1;
	[sflag:s0] =	ssyncset.done @!p0 $0x0  }
0x127: {  	[sflag:s0] =	ssyncadd.s32 @!p0 s1  }
0x128: {  	[bflag:$0x3] =	sbarrier.arrive $0xFFFF  }
0x129: {  	_ =	shalt  }

// kernel: kernel.13.cloned.1.call-start
scs
__scs_entry_jumppad:
0x0: {  	(pc) =	sbr.rel $0x88, $3  }
0x1: {  	(tag) =	ssettag $0x0;
	lr =	simm.s32 $0x1  }
0x2: {  	[smem:$0x3F91] =	sst lr;
	_ =	strace $0xD0000000  }
0x3: {  	_ = 	snop  }
0x4: {  	_ = 	snop  }
0x5: {  	_ = 	snop  }
0x6: {  	_ = 	snop  }
0x7: {  	_ = 	snop  }
__scs_overlays_trampoline_lowered:
0x8: {  	[smem:$0x3FA0] =	sst s0  }
0x9: {  	[smem:$0x3FA1] =	sst s1  }
0xa: {  	[smem:$0x3FA2] =	sst s2  }
0xb: {  	[smem:$0x3FA3] =	sst s3  }
0xc: {  	[smem:$0x3FA4] =	sst s4  }
0xd: {  	[smem:$0x3FA5] =	sst s5  }
0xe: {  	[smem:$0x3FA6] =	sst s6  }
0xf: {  	[smem:$0x3FA7] =	sst s7  }
0x10: {  	[smem:$0x3FA8] =	sst s8  }
0x11: {  	[smem:$0x3FA9] =	sst s9;
	s0 =	simm.s32 @!p0 $0x0  }
0x12: {  	s1 =	sld [smem:$0x3F8F];
	s0 =	simm.s32 @p0 $0x1  }
0x13: {  	[smem:$0x3FAA] =	sst s0;
	s0 =	simm.s32 @!p1 $0x0  }
0x14: {  	s2 =	sld [smem:$0x3F8E];
	s0 =	simm.s32 @p1 $0x1  }
0x15: {  	[smem:$0x3FAB] =	sst s0;
	s0 =	simm.s32 @!p2 $0x0  }
0x16: {  	s3 =	sld [smem:$0x3FDB];
	s0 =	simm.s32 @p2 $0x1  }
0x17: {  	s4 =	simm.s32 $0x1BF5;
	[smem:$0x3FAD] =	sst s0  }
0x18: {  	s0 =	sld [smem:$0x3F90];
	_ =	swait.ge [sflag:s4], $0x0  }
0x19: {  	s7 =	sld [smem:$0x3F91]  }
0x1a: {  	s8 =	sadd.s32 $0xFFFFE003, lr  }
0x1b: {  	s9 =	sadd.s32 $0xFFFFFEF7, lr;
	s5 =	simm.s32 $0xFFFFFFFF;
	p2 =	slt.u32 s8, $0xFFFFF086  }
0x1c: {  	p1 =	slt.u32 s9, $0xF7A;
	s5 =	simm.s32 @!p2 $0x0  }
0x1d: {  	s5 =	simm.s32 @p1 $0x1;
	p0 =	seq.s32 s7, s2  }
0x1e: {  	s7 =	smul.u32 @!p0 $0xF7A, s2;
	p2 =	seq.s32 @!p0 s5, $0x0  }
0x1f: {  	s9 =	smul.u32 $0xF7A, s1;
	s8 =	simm.s32 @!p0 $0x1BF5;
	p2 =	por !p2, p0  }
0x20: {  	[sflag:s8] =	ssyncset.s32 @!p0 $0xFFFFF086;
	s6 =	sadd.s32 @!p0 s3, s7;
	s7 =	simm.s32 @!p0 $0x108  }
0x21: {  	s3 =	sadd.s32 s3, s9;
	s6 =	sadd.s32 @!p0 $0x88, s6;
	s7 =	simm.s32 @p2 $0x1082  }
0x22: {  	[simem:s7], [sflag:s8] =	dma.local @!p0 [hbm:s6], $0xF7A  }
0x23: {  	s9 =	sor.u32 $0xD0000000, s2;
	s6 =	simm.s32 $0x108;
	_ =	swait.ge @!p0 [sflag:s8], $0x0  }
0x24: {  	s3 =	sadd.s32 $0x88, s3;
	s6 =	simm.s32 @!p1 $0x1082;
	[sflag:s4] =	ssyncset.s32 $0xFFFFF086  }
0x25: {  	[simem:s6], [sflag:s4] =	dma.local [hbm:s3], $0xF7A  }
0x26: {  	[smem:$0x3F91] =	sst s1;
	(tag) =	ssettag s2;
	_ =	strace s9  }
0x27: {  	s1 =	sld [smem:$0x3FA1]  }
0x28: {  	s2 =	sld [smem:$0x3FA2]  }
0x29: {  	s4 =	sld [smem:$0x3FA4]  }
0x2a: {  	p0 =	seq.s32 s5, $0x0;
	s5 =	sld [smem:$0x3FA5]  }
0x2b: {  	s6 =	sld [smem:$0x3FA6]  }
0x2c: {  	s7 =	sld [smem:$0x3FA7]  }
0x2d: {  	s3 =	simm.s32 $0x108;
	s8 =	sld [smem:$0x3FA8]  }
0x2e: {  	s3 =	simm.s32 @!p0 $0x1082;
	s9 =	sld [smem:$0x3FA9]  }
0x2f: {  	lr =	sadd.s32 s0, s3;
	s0 =	sld [smem:$0x3FA0]  }
0x30: {  	s3 =	sld [smem:$0x3FA3]  }
0x31: {  	[smem:$0x3FAC] =	sst s10  }
0x32: {  	s10 =	sld [smem:$0x3FAA];
	_ =	sdelay $0x3  }
0x33: {  	p0 =	seq.s32 s10, $0x1;
	s10 =	sld [smem:$0x3FAC];
	_ =	sdelay $0x3  }
0x34: {  	[smem:$0x3FAC] =	sst s10  }
0x35: {  	s10 =	sld [smem:$0x3FAB];
	_ =	sdelay $0x3  }
0x36: {  	p1 =	seq.s32 s10, $0x1;
	s10 =	sld [smem:$0x3FAC];
	_ =	sdelay $0x3  }
0x37: {  	[smem:$0x3FAC] =	sst s10  }
0x38: {  	s10 =	sld [smem:$0x3FAD]  }
0x39: {  	_ = 	snop;
	(pc) =	sbr.ind lr, $3  }
0x3a: {  	_ = 	snop  }
0x3b: {  	_ = 	snop  }
0x3c: {  	p2 =	seq.s32 s10, $0x1;
	s10 =	sld [smem:$0x3FAC]  }
0x3d: {  	_ =	shalt  }
0x3e: {  	_ =	shalt  }
0x3f: {  	_ =	shalt  }
0x40: {  	_ =	shalt  }
0x41: {  	_ =	shalt  }
0x42: {  	_ =	shalt  }
0x43: {  	_ =	shalt  }
0x44: {  	_ =	shalt  }
0x45: {  	_ =	shalt  }
0x46: {  	_ =	shalt  }
0x47: {  	_ =	shalt  }
0x48: {  	_ =	shalt  }
0x49: {  	_ =	shalt  }
0x4a: {  	_ =	shalt  }
0x4b: {  	_ =	shalt  }
0x4c: {  	_ =	shalt  }
0x4d: {  	_ =	shalt  }
0x4e: {  	_ =	shalt  }
0x4f: {  	_ =	shalt  }
0x50: {  	_ =	shalt  }
0x51: {  	_ =	shalt  }
0x52: {  	_ =	shalt  }
0x53: {  	_ =	shalt  }
0x54: {  	_ =	shalt  }
0x55: {  	_ =	shalt  }
0x56: {  	_ =	shalt  }
0x57: {  	_ =	shalt  }
0x58: {  	_ =	shalt  }
0x59: {  	_ =	shalt  }
0x5a: {  	_ =	shalt  }
0x5b: {  	_ =	shalt  }
0x5c: {  	_ =	shalt  }
0x5d: {  	_ =	shalt  }
0x5e: {  	_ =	shalt  }
0x5f: {  	_ =	shalt  }
0x60: {  	_ =	shalt  }
0x61: {  	_ =	shalt  }
0x62: {  	_ =	shalt  }
0x63: {  	_ =	shalt  }
0x64: {  	_ =	shalt  }
0x65: {  	_ =	shalt  }
0x66: {  	_ =	shalt  }
0x67: {  	_ =	shalt  }
0x68: {  	_ =	shalt  }
0x69: {  	_ =	shalt  }
0x6a: {  	_ =	shalt  }
0x6b: {  	_ =	shalt  }
0x6c: {  	_ =	shalt  }
0x6d: {  	_ =	shalt  }
0x6e: {  	_ =	shalt  }
0x6f: {  	_ =	shalt  }
0x70: {  	_ =	shalt  }
0x71: {  	_ =	shalt  }
0x72: {  	_ =	shalt  }
0x73: {  	_ =	shalt  }
0x74: {  	_ =	shalt  }
0x75: {  	_ =	shalt  }
0x76: {  	_ =	shalt  }
0x77: {  	_ =	shalt  }
0x78: {  	_ =	shalt  }
0x79: {  	_ =	shalt  }
0x7a: {  	_ =	shalt  }
0x7b: {  	_ =	shalt  }
0x7c: {  	_ =	shalt  }
0x7d: {  	_ =	shalt  }
0x7e: {  	_ =	shalt  }
0x7f: {  	_ =	shalt  }
0x80: {  	_ =	shalt  }
0x81: {  	_ =	shalt  }
0x82: {  	_ =	shalt  }
0x83: {  	_ =	shalt  }
0x84: {  	_ =	shalt  }
0x85: {  	_ =	shalt  }
0x86: {  	_ =	shalt  }
0x87: {  	_ =	shalt  }
.Lfunc_end0:
.L_simem_size_0:
called_computation.1_lowered:
.L_overlay_start_0:
0x88: {  	s2 =	sld [smem:$0x3FD9]  }
0x89: {  	s3 =	sld [smem:$0x3FFE];
	_ =	sdelay $0x1  }
0x8a: {  	s1 =	srdreg.scid  }
0x8b: {  	s0 =	sand.u32 $0x1, s1  }
0x8c: {  	s17 =	sshll.u32 s0, $0xA;
	s2 =	sadd.s32 s3, s2  }
0x8d: {  	s2 =	sadd.s32 s2, s17  }
0x8e: {  	[smem:$0x3FB8] =	sst s2  }
0x8f: {  	_ = 	snop  }
0x90: {  	s18 =	sld [smem:$0x3FC9]  }
0x91: {  	s4 =	sld [smem:$0x3FC8]  }
0x92: {  	s5 =	sld [smem:$0x3FC7]  }
0x93: {  	s6 =	sld [smem:$0x3FC5]  }
0x94: {  	s7 =	sld [smem:$0x3FC4];
	(tm) =	ssettm $0x1  }
0x95: {  	s19 =	sld [smem:$0x3FFB];
	_ =	sdelay $0x3  }
0x96: {  	_ =	strace s19  }
0x97: {  	s2 =	sld [smem:$0x3FFC];
	_ =	sdelay $0x3  }
0x98: {  	_ =	strace s2  }
0x99: {  	s2 =	sld [smem:$0x3FFD];
	_ =	sdelay $0x3  }
0x9a: {  	_ =	strace s2  }
0x9b: {  	_ =	strace $0x8FFFFFFF  }
0x9c: {  	s20 =	sld [smem:$0x3FDB];
	_ =	sdelay $0x1  }
0x9d: {  	s8 =	simm.s32 $_scs_section_size  }
0x9e: {  	s9 =	simm.s32 $_size__tile_overlayer_lowered;
	s10 =	simm.s32 $_tile_overlayer_lowered  }
0x9f: {  	s11 =	simm.s32 $0x1BFF;
	s21 =	sshll.u32 s10, $0x1;
	s8 =	sadd.s32 s8, s20  }
0xa0: {  	s22 =	simm.s32 $0x0;
	s9 =	sshll.u32 s9, $0x1;
	s10 =	sadd.s32 s21, s8  }
0xa1: {  	[timem:s22], [sflag:s11] =	dma.local [hbm:s10], s9  }
0xa2: {  	_ =	swait.ge [sflag:s11], s9  }
0xa3: {  	s9 =	ssub.s32 $0x0, s9;
	[sflag:s11] =	ssyncset.done $0x0  }
0xa4: {  	[sflag:s11] =	ssyncadd.s32 s9;
	_ =	sdelay $0x1  }
0xa5: {  	s23 =	simm.s32 $0x1B8B  }
0xa6: {  	_ =	swait.ge [sflag:s23], $0x1  }
0xa7: {  	[sflag:s23] =	ssyncset.done $0x0  }
0xa8: {  	[sflag:s23] =	ssyncadd.s32 $0xFFFFFFFF  }
0xa9: {  	s9 =	sld [smem:$0x0]  }
0xaa: {  	s10 =	sand.u32 $0xFFFFFFFE, s1  }
0xab: {  	p0 =	sne.s32 s1, s10  }
0xac: {  	s10 =	sshll.u32 @p0 s10, $0xE  }
0xad: {  	s10 =	sadd.s32 @p0 $0x11B8D, s10;
	s11 =	sshll.u32 @p0 s9, $0x11  }
0xae: {  	s10 =	sor.u32 @p0 s11, s10  }
0xaf: {  	[sflag:s10] =	ssyncadd.remote.s32 @p0 $0x1;
	_ =	sdelay $0x1  }
0xb0: {  	s10 =	simm.s32 @p0 $0x1B8D  }
0xb1: {  	_ =	swait.eq @p0 [sflag:s10], $0x1  }
0xb2: {  	[sflag:s10] =	ssyncadd.s32 @p0 $0xFFFFFFFF  }
0xb3: {  	s11 =	sshll.u32 @!p0 s1, $0xE  }
0xb4: {  	s11 =	sor.u32 @!p0 $0x4000, s11;
	s10 =	simm.s32 @!p0 $0x1B8D  }
0xb5: {  	s9 =	sshll.u32 @!p0 s9, $0x11;
	s11 =	sadd.s32 @!p0 $0x11B8D, s11;
	_ =	swait.eq @!p0 [sflag:s10], $0x1  }
0xb6: {  	s9 =	sor.u32 @!p0 s9, s11;
	[sflag:s10] =	ssyncadd.s32 @!p0 $0xFFFFFFFF  }
0xb7: {  	s25 =	simm.s32 $0x1B8E;
	s24 =	sld [smem:$0x3FFE];
	[sflag:s9] =	ssyncadd.remote.s32 @!p0 $0x1  }
0xb8: {  	s26 =	simm.s32 $execute0_lowered;
	[smem:$0x3FD2] =	sst s25  }
0xb9: {  	s10 =	sshll.u32 s26, $0x1;
	_ =	strace $0x8000004C;
	[dreg:$0x1] =	wrdreg $0xFFFFFFFF  }
0xba: {  	s28 =	simm.s32 $_size_execute0_lowered;
	s8 =	sadd.s32 s8, s10;
	[dreg:$0x0] =	wrdreg $0x0  }
0xbb: {  	s10 =	sshll.u32 s28, $0x1;
	[dreg:$0x2] =	wrdreg s8  }
0xbc: {  	[dreg:$0x3] =	wrdreg s10  }
0xbd: {  	[dreg:$0x4] =	wrdreg $0xC0  }
0xbe: {  	_ =	task [dreg:s22], $0x5FFFF  }
0xbf: {  	[dreg:$0x1] =	wrdreg $0xFFFFFFFF  }
0xc0: {  	[dreg:$0x0] =	wrdreg $0x60  }
0xc1: {  	[dreg:$0x2] =	wrdreg s6  }
0xc2: {  	[dreg:$0x3] =	wrdreg s7  }
0xc3: {  	[dreg:$0x4] =	wrdreg s18  }
0xc4: {  	[dreg:$0x5] =	wrdreg s4  }
0xc5: {  	[dreg:$0x6] =	wrdreg s5  }
0xc6: {  	[dreg:$0x7] =	wrdreg s24  }
0xc7: {  	[dreg:$0x8] =	wrdreg $0x9  }
0xc8: {  	_ =	task.clear_ibuf [dreg:s22], $0x9FFFF;
	_ =	strace $0x9000004C  }
0xc9: {  	s29 =	simm.s32 $0x9;
	_ =	strace $0x8000004E  }
0xca: {  	_ =	swait.ge [sflag:s29], $0x1  }
0xcb: {  	[sflag:s29] =	ssyncadd.s32 $0xFFFFFFFF  }
0xcc: {  	_ =	strace $0x9000004E  }
0xcd: {  	_ =	sfence  }
0xce: {  	s30 =	sld [smem:$0x0];
	_ =	sdelay $0x2  }
0xcf: {  	s31 =	sshll.u32 s1, $0xD;
	s1 =	sshrl.u32 s1, $0x2  }
0xd0: {  	s4 =	sand.u32 $0x4000, s31;
	s1 =	sadd.s32 s1, s30  }
0xd1: {  	s0 =	sor.u32 s4, s0;
	s1 =	sshll.u32 s1, $0x11  }
0xd2: {  	s0 =	sor.u32 s1, s0  }
0xd3: {  	s0 =	sadd.s32 $0x8F2B, s0  }
0xd4: {  	[sflag:s0] =	ssyncadd.remote.s32 $0x1  }
0xd5: {  	_ =	sfence.sel $0xFFFF  }
0xd6: {  	[dreg:$0x0] =	wrdreg $0xFFFFFFFF;
	(pc) =	sbr.abs _section_cstart, $3  }
0xd7: {  	[dreg:$0x1] =	wrdreg $0xFFFFFFFF  }
0xd8: {  	_ =	task.clear_ibuf [dreg:s22], $0x2FFFF;
	_ =	strace $0x9FFFFFFF  }
0xd9: {  	(tm) =	ssettm $0x7FFFFFFF  }
tec
execute0_lowered:
.L_overlay_start_1:
0x0: {  	(tag) =	ssettag $0x1  }
0x1: {  	s0 =	rddreg [dreg:$0x0]  }
0x2: {  	s2 =	rddreg [dreg:$0x1]  }
0x3: {  	s5 =	rddreg [dreg:$0x2]  }
0x4: {  	s10 =	rddreg [dreg:$0x3];
	s3 =	srdreg.scid  }
0x5: {  	s12 =	rddreg [dreg:$0x4];
	s1 =	stileid.u32;
	s13 =	sand.u32 $0x1, s3  }
0x6: {  	s9 =	rddreg [dreg:$0x5];
	s7 =	sshll.u32 s1, $0x7;
	s6 =	sshll.u32 s13, $0xB  }
0x7: {  	s4 =	simm.s32 $0x0;
	s3 =	rddreg [dreg:$0x6];
	s11 =	sor.u32 s7, s6  }
0x8: {  	[smem:$0x7FF] =	sst s4;
	s14 =	sshrl.u32 s11, $0x3  }
0x9: {  	_ =	strace $0x8000004D;
	s6 =	sadd.s32 s5, s14;
	s5 =	simm.s32 $0x2  }
0xa: {  	[tilespmem:s4], [sflag:$0x2] =	stream.linear.gather [hbm4b:s6+s4], $0x80, $0x38;
	[tilespmem:$0x4080] =	vst v63  }
0xb: {  	_ =	swait.ge [sflag:s5], $0x80  }
0xc: {  	[sflag:s5] =	ssyncset.done $0x0  }
0xd: {  	s8 =	simm.s32 $0x1;
	s7 =	simm.s32 $0x80;
	[sflag:s5] =	ssyncadd.s32 $0xFFFFFF80  }
0xe: {  	[tilespmem:s7], [sflag:$0x1] =	stream.indirect.gather [hbm4b:s0+s7], $0x80, s4, s7, $0xb8;
	[tilespmem:$0x4080] =	vst v63  }
0xf: {  	s11 =	sshll.u32 s11, $0x4;
	_ =	swait.ge [sflag:s8], $0x4000  }
0x10: {  	s15 =	sadd.s32 s11, s9;
	[sflag:s8] =	ssyncset.done $0x0  }
0x11: {  	s9 =	sadd.s32 $0x71000, s15;
	[sflag:s8] =	ssyncadd.s32 $0xFFFFC000  }
0x12: {  	[hbm4b:s9+s4] =	stream.linear.scatter [tilespmem:s7], [sflag:$0x2], $0x4000, $0x38;
	[tilespmem:$0x4080] =	vst v63  }
0x13: {  	_ =	swait.ge [sflag:s5], $0x4000  }
0x14: {  	[sflag:s5] =	ssyncset.done $0x0  }
0x15: {  	s10 =	sadd.s32 s10, s14;
	[sflag:s5] =	ssyncadd.s32 $0xFFFFC000  }
0x16: {  	[tilespmem:s4], [sflag:$0x2] =	stream.linear.gather [hbm4b:s10+s4], $0x80, $0x38;
	[tilespmem:$0x4080] =	vst v63  }
0x17: {  	_ =	swait.ge [sflag:s5], $0x80  }
0x18: {  	[sflag:s5] =	ssyncset.done $0x0  }
0x19: {  	[sflag:s5] =	ssyncadd.s32 $0xFFFFFF80  }
0x1a: {  	[tilespmem:s7], [sflag:$0x1] =	stream.indirect.gather [hbm4b:s2+s7], $0x80, s4, s7, $0xb8;
	[tilespmem:$0x4080] =	vst v63  }
0x1b: {  	_ =	swait.ge [sflag:s8], $0x4000  }
0x1c: {  	[sflag:s8] =	ssyncset.done $0x0  }
0x1d: {  	s11 =	sadd.s32 $0x51000, s15;
	[sflag:s8] =	ssyncadd.s32 $0xFFFFC000  }
0x1e: {  	[hbm4b:s11+s4] =	stream.linear.scatter [tilespmem:s7], [sflag:$0x2], $0x4000, $0x38;
	[tilespmem:$0x4080] =	vst v63  }
0x1f: {  	_ =	swait.ge [sflag:s5], $0x4000  }
0x20: {  	[sflag:s5] =	ssyncset.done $0x0  }
0x21: {  	s13 =	ssub.s32 $0x2, s13;
	s12 =	sadd.s32 s12, s14;
	[sflag:s5] =	ssyncadd.s32 $0xFFFFC000  }
0x22: {  	[tilespmem:s4], [sflag:$0x2] =	stream.linear.gather [hbm4b:s12+s4], $0x80, $0x38;
	[tilespmem:$0x4080] =	vst v63  }
0x23: {  	s31 =	sshrl.u32 s13, $0x1;
	_ =	swait.ge [sflag:s5], $0x80  }
0x24: {  	s14 =	ssub.s32 s13, s31;
	[sflag:s5] =	ssyncset.done $0x0  }
0x25: {  	s14 =	smax.u32 s14, $0x1;
	[sflag:s5] =	ssyncadd.s32 $0xFFFFFF80  }
0x26: {  	[tilespmem:s7], [sflag:$0x1] =	stream.indirect.gather [hbm4b:s2+s7], $0x80, s4, s7, $0xb8;
	[tilespmem:$0x4080] =	vst v63  }
0x27: {  	p0 =	sne.s32 s14, $0x1;
	_ =	swait.ge [sflag:s8], $0x4000  }
.Ltmp0:
0x28: {  	[sflag:s8] =	ssyncset.done $0x0;
	(pc) =	sbr.rel @!p0 .LBB2_2-.Ltmp0, $4  }
0x29: {  	s13 =	sadd.s32 $0x61000, s15;
	[sflag:s8] =	ssyncadd.s32 $0xFFFFC000  }
0x2a: {  	[hbm4b:s13+s4] =	stream.linear.scatter [tilespmem:s7], [sflag:$0x2], $0x4000, $0x38;
	[tilespmem:$0x4080] =	vst v63  }
0x2b: {  	_ =	swait.ge [sflag:s5], $0x4000  }
0x2c: {  	s14 =	sadd.s32 $0xFFFFFFFF, s14;
	[sflag:s5] =	ssyncset.done $0x0  }
.LBB2_1:
0x2d: {  	p0 =	sne.s32 s14, $0x1;
	s14 =	sadd.s32 $0xFFFFFFFF, s14;
	[sflag:s5] =	ssyncadd.s32 $0xFFFFC000  }
0x2e: {  	[tilespmem:s4], [sflag:$0x2] =	stream.linear.gather [hbm4b:s6+s4], $0x80, $0x38;
	[tilespmem:$0x4080] =	vst v63  }
0x2f: {  	_ =	swait.ge [sflag:s5], $0x80  }
0x30: {  	[sflag:s5] =	ssyncset.done $0x0  }
0x31: {  	[sflag:s5] =	ssyncadd.s32 $0xFFFFFF80  }
0x32: {  	[tilespmem:s7], [sflag:$0x1] =	stream.indirect.gather [hbm4b:s0+s7], $0x80, s4, s7, $0xb8;
	[tilespmem:$0x4080] =	vst v63  }
0x33: {  	_ =	swait.ge [sflag:s8], $0x4000  }
0x34: {  	[sflag:s8] =	ssyncset.done $0x0  }
0x35: {  	[sflag:s8] =	ssyncadd.s32 $0xFFFFC000  }
0x36: {  	[hbm4b:s9+s4] =	stream.linear.scatter [tilespmem:s7], [sflag:$0x2], $0x4000, $0x38;
	[tilespmem:$0x4080] =	vst v63  }
0x37: {  	_ =	swait.ge [sflag:s5], $0x4000  }
0x38: {  	[sflag:s5] =	ssyncset.done $0x0  }
0x39: {  	[sflag:s5] =	ssyncadd.s32 $0xFFFFC000  }
0x3a: {  	[tilespmem:s4], [sflag:$0x2] =	stream.linear.gather [hbm4b:s10+s4], $0x80, $0x38;
	[tilespmem:$0x4080] =	vst v63  }
0x3b: {  	_ =	swait.ge [sflag:s5], $0x80  }
0x3c: {  	[sflag:s5] =	ssyncset.done $0x0  }
0x3d: {  	[sflag:s5] =	ssyncadd.s32 $0xFFFFFF80  }
0x3e: {  	[tilespmem:s7], [sflag:$0x1] =	stream.indirect.gather [hbm4b:s2+s7], $0x80, s4, s7, $0xb8;
	[tilespmem:$0x4080] =	vst v63  }
0x3f: {  	_ =	swait.ge [sflag:s8], $0x4000  }
0x40: {  	[sflag:s8] =	ssyncset.done $0x0  }
0x41: {  	[sflag:s8] =	ssyncadd.s32 $0xFFFFC000  }
0x42: {  	[hbm4b:s11+s4] =	stream.linear.scatter [tilespmem:s7], [sflag:$0x2], $0x4000, $0x38;
	[tilespmem:$0x4080] =	vst v63  }
0x43: {  	_ =	swait.ge [sflag:s5], $0x4000  }
0x44: {  	[sflag:s5] =	ssyncset.done $0x0  }
0x45: {  	[sflag:s5] =	ssyncadd.s32 $0xFFFFC000  }
0x46: {  	[tilespmem:s4], [sflag:$0x2] =	stream.linear.gather [hbm4b:s12+s4], $0x80, $0x38;
	[tilespmem:$0x4080] =	vst v63  }
0x47: {  	_ =	swait.ge [sflag:s5], $0x80  }
0x48: {  	[sflag:s5] =	ssyncset.done $0x0  }
0x49: {  	[sflag:s5] =	ssyncadd.s32 $0xFFFFFF80  }
0x4a: {  	[tilespmem:s7], [sflag:$0x1] =	stream.indirect.gather [hbm4b:s2+s7], $0x80, s4, s7, $0xb8;
	[tilespmem:$0x4080] =	vst v63  }
0x4b: {  	_ =	swait.ge [sflag:s8], $0x4000  }
.Ltmp1:
0x4c: {  	[sflag:s8] =	ssyncset.done $0x0;
	(pc) =	sbr.rel @p0 .LBB2_1-.Ltmp1, $4  }
0x4d: {  	[sflag:s8] =	ssyncadd.s32 $0xFFFFC000  }
0x4e: {  	[hbm4b:s13+s4] =	stream.linear.scatter [tilespmem:s7], [sflag:$0x2], $0x4000, $0x38;
	[tilespmem:$0x4080] =	vst v63  }
0x4f: {  	_ =	swait.ge [sflag:s5], $0x4000  }
0x50: {  	[sflag:s5] =	ssyncset.done $0x0  }
.LBB2_2:
0x51: {  	[sflag:s5] =	ssyncadd.s32 $0xFFFFC000  }
0x52: {  	_ =	sfence.sel $0x180000  }
0x53: {  	[bflag:$0x0] =	sbarrier.arrive $0xFFFF  }
0x54: {  	p0 =	sne.s32 s1, $0x0;
	_ =	strace $0x9000004D  }
0x55: {  	s0 =	sadd.s32 @!p0 $0x100000, s3;
	[bflag:$0x2] =	sbarrier.arrive $0xFFFF  }
0x56: {  	[sflag:s0] =	ssyncadd.tile.s32 @!p0 $0x1;
	_ =	shalt  }
.Lfunc_end2:
_tile_overlayer_lowered:
.L_overlay_start_2:
0x57: {  	(tag) =	ssettag $0x2  }
0x58: {  	s0 =	rddreg [dreg:$0x0];
	s2 =	stileid.u32  }
0x59: {  	s1 =	rddreg [dreg:$0x1];
	p0 =	sne.s32 s2, $0x0  }
0x5a: {  	s3 =	rddreg [dreg:$0x2];
	[bflag:$0x3] =	sbarrier.arrive $0xFFFF;
	s2 =	simm.s32 @!p0 $0x1C02  }
0x5b: {  	[timem:s3], [sflag:s2] =	dma.local @!p0 [hbm:s0], s1  }
0x5c: {  	s0 =	simm.s32 @!p0 $0x2  }
0x5d: {  	_ =	swait.ge @!p0 [sflag:s0], s1  }
0x5e: {  	s1 =	ssub.s32 @!p0 $0x0, s1;
	[sflag:s0] =	ssyncset.done @!p0 $0x0  }
0x5f: {  	[sflag:s0] =	ssyncadd.s32 @!p0 s1  }
0x60: {  	[bflag:$0x3] =	sbarrier.arrive $0xFFFF  }
0x61: {  	_ =	shalt  }

// kernel: kernel.16.cloned.1.call-start
scs
__scs_entry_jumppad:
0x0: {  	(pc) =	sbr.rel $0x88, $3  }
0x1: {  	(tag) =	ssettag $0x0;
	lr =	simm.s32 $0x1  }
0x2: {  	[smem:$0x3F91] =	sst lr;
	_ =	strace $0xD0000000  }
0x3: {  	_ = 	snop  }
0x4: {  	_ = 	snop  }
0x5: {  	_ = 	snop  }
0x6: {  	_ = 	snop  }
0x7: {  	_ = 	snop  }
__scs_overlays_trampoline_lowered:
0x8: {  	[smem:$0x3FA0] =	sst s0  }
0x9: {  	[smem:$0x3FA1] =	sst s1  }
0xa: {  	[smem:$0x3FA2] =	sst s2  }
0xb: {  	[smem:$0x3FA3] =	sst s3  }
0xc: {  	[smem:$0x3FA4] =	sst s4  }
0xd: {  	[smem:$0x3FA5] =	sst s5  }
0xe: {  	[smem:$0x3FA6] =	sst s6  }
0xf: {  	[smem:$0x3FA7] =	sst s7  }
0x10: {  	[smem:$0x3FA8] =	sst s8  }
0x11: {  	[smem:$0x3FA9] =	sst s9;
	s0 =	simm.s32 @!p0 $0x0  }
0x12: {  	s1 =	sld [smem:$0x3F8F];
	s0 =	simm.s32 @p0 $0x1  }
0x13: {  	[smem:$0x3FAA] =	sst s0;
	s0 =	simm.s32 @!p1 $0x0  }
0x14: {  	s2 =	sld [smem:$0x3F8E];
	s0 =	simm.s32 @p1 $0x1  }
0x15: {  	[smem:$0x3FAB] =	sst s0;
	s0 =	simm.s32 @!p2 $0x0  }
0x16: {  	s3 =	sld [smem:$0x3FDB];
	s0 =	simm.s32 @p2 $0x1  }
0x17: {  	s4 =	simm.s32 $0x1BF5;
	[smem:$0x3FAD] =	sst s0  }
0x18: {  	s0 =	sld [smem:$0x3F90];
	_ =	swait.ge [sflag:s4], $0x0  }
0x19: {  	s7 =	sld [smem:$0x3F91]  }
0x1a: {  	s8 =	sadd.s32 $0xFFFFE003, lr  }
0x1b: {  	s9 =	sadd.s32 $0xFFFFFEF7, lr;
	s5 =	simm.s32 $0xFFFFFFFF;
	p2 =	slt.u32 s8, $0xFFFFF086  }
0x1c: {  	p1 =	slt.u32 s9, $0xF7A;
	s5 =	simm.s32 @!p2 $0x0  }
0x1d: {  	s5 =	simm.s32 @p1 $0x1;
	p0 =	seq.s32 s7, s2  }
0x1e: {  	s7 =	smul.u32 @!p0 $0xF7A, s2;
	p2 =	seq.s32 @!p0 s5, $0x0  }
0x1f: {  	s9 =	smul.u32 $0xF7A, s1;
	s8 =	simm.s32 @!p0 $0x1BF5;
	p2 =	por !p2, p0  }
0x20: {  	[sflag:s8] =	ssyncset.s32 @!p0 $0xFFFFF086;
	s6 =	sadd.s32 @!p0 s3, s7;
	s7 =	simm.s32 @!p0 $0x108  }
0x21: {  	s3 =	sadd.s32 s3, s9;
	s6 =	sadd.s32 @!p0 $0x88, s6;
	s7 =	simm.s32 @p2 $0x1082  }
0x22: {  	[simem:s7], [sflag:s8] =	dma.local @!p0 [hbm:s6], $0xF7A  }
0x23: {  	s9 =	sor.u32 $0xD0000000, s2;
	s6 =	simm.s32 $0x108;
	_ =	swait.ge @!p0 [sflag:s8], $0x0  }
0x24: {  	s3 =	sadd.s32 $0x88, s3;
	s6 =	simm.s32 @!p1 $0x1082;
	[sflag:s4] =	ssyncset.s32 $0xFFFFF086  }
0x25: {  	[simem:s6], [sflag:s4] =	dma.local [hbm:s3], $0xF7A  }
0x26: {  	[smem:$0x3F91] =	sst s1;
	(tag) =	ssettag s2;
	_ =	strace s9  }
0x27: {  	s1 =	sld [smem:$0x3FA1]  }
0x28: {  	s2 =	sld [smem:$0x3FA2]  }
0x29: {  	s4 =	sld [smem:$0x3FA4]  }
0x2a: {  	p0 =	seq.s32 s5, $0x0;
	s5 =	sld [smem:$0x3FA5]  }
0x2b: {  	s6 =	sld [smem:$0x3FA6]  }
0x2c: {  	s7 =	sld [smem:$0x3FA7]  }
0x2d: {  	s3 =	simm.s32 $0x108;
	s8 =	sld [smem:$0x3FA8]  }
0x2e: {  	s3 =	simm.s32 @!p0 $0x1082;
	s9 =	sld [smem:$0x3FA9]  }
0x2f: {  	lr =	sadd.s32 s0, s3;
	s0 =	sld [smem:$0x3FA0]  }
0x30: {  	s3 =	sld [smem:$0x3FA3]  }
0x31: {  	[smem:$0x3FAC] =	sst s10  }
0x32: {  	s10 =	sld [smem:$0x3FAA];
	_ =	sdelay $0x3  }
0x33: {  	p0 =	seq.s32 s10, $0x1;
	s10 =	sld [smem:$0x3FAC];
	_ =	sdelay $0x3  }
0x34: {  	[smem:$0x3FAC] =	sst s10  }
0x35: {  	s10 =	sld [smem:$0x3FAB];
	_ =	sdelay $0x3  }
0x36: {  	p1 =	seq.s32 s10, $0x1;
	s10 =	sld [smem:$0x3FAC];
	_ =	sdelay $0x3  }
0x37: {  	[smem:$0x3FAC] =	sst s10  }
0x38: {  	s10 =	sld [smem:$0x3FAD]  }
0x39: {  	_ = 	snop;
	(pc) =	sbr.ind lr, $3  }
0x3a: {  	_ = 	snop  }
0x3b: {  	_ = 	snop  }
0x3c: {  	p2 =	seq.s32 s10, $0x1;
	s10 =	sld [smem:$0x3FAC]  }
0x3d: {  	_ =	shalt  }
0x3e: {  	_ =	shalt  }
0x3f: {  	_ =	shalt  }
0x40: {  	_ =	shalt  }
0x41: {  	_ =	shalt  }
0x42: {  	_ =	shalt  }
0x43: {  	_ =	shalt  }
0x44: {  	_ =	shalt  }
0x45: {  	_ =	shalt  }
0x46: {  	_ =	shalt  }
0x47: {  	_ =	shalt  }
0x48: {  	_ =	shalt  }
0x49: {  	_ =	shalt  }
0x4a: {  	_ =	shalt  }
0x4b: {  	_ =	shalt  }
0x4c: {  	_ =	shalt  }
0x4d: {  	_ =	shalt  }
0x4e: {  	_ =	shalt  }
0x4f: {  	_ =	shalt  }
0x50: {  	_ =	shalt  }
0x51: {  	_ =	shalt  }
0x52: {  	_ =	shalt  }
0x53: {  	_ =	shalt  }
0x54: {  	_ =	shalt  }
0x55: {  	_ =	shalt  }
0x56: {  	_ =	shalt  }
0x57: {  	_ =	shalt  }
0x58: {  	_ =	shalt  }
0x59: {  	_ =	shalt  }
0x5a: {  	_ =	shalt  }
0x5b: {  	_ =	shalt  }
0x5c: {  	_ =	shalt  }
0x5d: {  	_ =	shalt  }
0x5e: {  	_ =	shalt  }
0x5f: {  	_ =	shalt  }
0x60: {  	_ =	shalt  }
0x61: {  	_ =	shalt  }
0x62: {  	_ =	shalt  }
0x63: {  	_ =	shalt  }
0x64: {  	_ =	shalt  }
0x65: {  	_ =	shalt  }
0x66: {  	_ =	shalt  }
0x67: {  	_ =	shalt  }
0x68: {  	_ =	shalt  }
0x69: {  	_ =	shalt  }
0x6a: {  	_ =	shalt  }
0x6b: {  	_ =	shalt  }
0x6c: {  	_ =	shalt  }
0x6d: {  	_ =	shalt  }
0x6e: {  	_ =	shalt  }
0x6f: {  	_ =	shalt  }
0x70: {  	_ =	shalt  }
0x71: {  	_ =	shalt  }
0x72: {  	_ =	shalt  }
0x73: {  	_ =	shalt  }
0x74: {  	_ =	shalt  }
0x75: {  	_ =	shalt  }
0x76: {  	_ =	shalt  }
0x77: {  	_ =	shalt  }
0x78: {  	_ =	shalt  }
0x79: {  	_ =	shalt  }
0x7a: {  	_ =	shalt  }
0x7b: {  	_ =	shalt  }
0x7c: {  	_ =	shalt  }
0x7d: {  	_ =	shalt  }
0x7e: {  	_ =	shalt  }
0x7f: {  	_ =	shalt  }
0x80: {  	_ =	shalt  }
0x81: {  	_ =	shalt  }
0x82: {  	_ =	shalt  }
0x83: {  	_ =	shalt  }
0x84: {  	_ =	shalt  }
0x85: {  	_ =	shalt  }
0x86: {  	_ =	shalt  }
0x87: {  	_ =	shalt  }
.Lfunc_end0:
.L_simem_size_0:
called_computation.2_lowered:
.L_overlay_start_0:
0x88: {  	s2 =	sld [smem:$0x3FD9]  }
0x89: {  	s3 =	sld [smem:$0x3FFE];
	_ =	sdelay $0x1  }
0x8a: {  	s1 =	srdreg.scid  }
0x8b: {  	s0 =	sand.u32 $0x1, s1  }
0x8c: {  	s14 =	sshll.u32 s0, $0xA;
	s2 =	sadd.s32 s3, s2  }
0x8d: {  	s2 =	sadd.s32 s2, s14  }
0x8e: {  	[smem:$0x3FB8] =	sst s2  }
0x8f: {  	_ = 	snop  }
0x90: {  	s2 =	sld [smem:$0x3FD0];
	_ =	sdelay $0x2  }
0x91: {  	s4 =	simm.s32 $0xB;
	s5 =	simm.s32 $0x10;
	s15 =	sld [smem:$0x3FC9]  }
0x92: {  	[smem:s5], [sflag:s4] =	dma.local [hbm:s2], $0x1  }
0x93: {  	_ =	swait.eq [sflag:s4], $0x1  }
0x94: {  	[sflag:s4] =	ssyncset.done $0x0  }
0x95: {  	s16 =	sld [smem:$0x10];
	[sflag:s4] =	ssyncadd.s32 $0xFFFFFFFF  }
0x96: {  	s17 =	sld [smem:$0x11];
	(tm) =	ssettm $0x1  }
0x97: {  	s18 =	sld [smem:$0x3FFB];
	_ =	sdelay $0x3  }
0x98: {  	_ =	strace s18  }
0x99: {  	s5 =	sld [smem:$0x3FFC];
	_ =	sdelay $0x3  }
0x9a: {  	_ =	strace s5  }
0x9b: {  	s5 =	sld [smem:$0x3FFD];
	_ =	sdelay $0x3  }
0x9c: {  	_ =	strace s5  }
0x9d: {  	_ =	strace $0x8FFFFFFF  }
0x9e: {  	s19 =	sld [smem:$0x3FDB];
	_ =	sdelay $0x1  }
0x9f: {  	s6 =	simm.s32 $_scs_section_size  }
0xa0: {  	s7 =	simm.s32 $_size__tile_overlayer_lowered;
	s8 =	simm.s32 $_tile_overlayer_lowered  }
0xa1: {  	s22 =	simm.s32 $0x1BFF;
	s21 =	sshll.u32 s8, $0x1;
	s5 =	sadd.s32 s6, s19  }
0xa2: {  	s9 =	simm.s32 $0x0;
	s20 =	sshll.u32 s7, $0x1;
	s7 =	sadd.s32 s21, s5  }
0xa3: {  	[timem:s9], [sflag:s22] =	dma.local [hbm:s7], s20  }
0xa4: {  	_ =	swait.ge [sflag:s22], s20  }
0xa5: {  	s6 =	ssub.s32 $0x0, s20;
	[sflag:s22] =	ssyncset.done $0x0  }
0xa6: {  	[sflag:s22] =	ssyncadd.s32 s6;
	_ =	sdelay $0x1  }
0xa7: {  	s23 =	simm.s32 $0x1B8B  }
0xa8: {  	_ =	swait.ge [sflag:s23], $0x1  }
0xa9: {  	[sflag:s23] =	ssyncset.done $0x0  }
0xaa: {  	s25 =	simm.s32 $0x1B8E;
	s24 =	sld [smem:$0x3FFE];
	[sflag:s23] =	ssyncadd.s32 $0xFFFFFFFF  }
0xab: {  	s26 =	simm.s32 $execute0_lowered;
	[smem:$0x3FD2] =	sst s25  }
0xac: {  	s7 =	sshll.u32 s26, $0x1;
	_ =	strace $0x80000049;
	[dreg:$0x1] =	wrdreg $0xFFFFFFFF  }
0xad: {  	s28 =	simm.s32 $_size_execute0_lowered;
	s5 =	sadd.s32 s5, s7;
	[dreg:$0x0] =	wrdreg $0x0  }
0xae: {  	s7 =	sshll.u32 s28, $0x1;
	[dreg:$0x2] =	wrdreg s5  }
0xaf: {  	[dreg:$0x3] =	wrdreg s7  }
0xb0: {  	[dreg:$0x4] =	wrdreg $0xC0  }
0xb1: {  	_ =	task [dreg:s9], $0x5FFFF  }
0xb2: {  	[dreg:$0x1] =	wrdreg $0xFFFFFFFF  }
0xb3: {  	[dreg:$0x0] =	wrdreg $0x60  }
0xb4: {  	[dreg:$0x2] =	wrdreg s17  }
0xb5: {  	[dreg:$0x3] =	wrdreg s24  }
0xb6: {  	[dreg:$0x4] =	wrdreg s15  }
0xb7: {  	[dreg:$0x5] =	wrdreg s16  }
0xb8: {  	[dreg:$0x6] =	wrdreg $0x10EC00  }
0xb9: {  	[dreg:$0x7] =	wrdreg $0xA  }
0xba: {  	_ =	task.clear_ibuf [dreg:s9], $0x8FFFF;
	_ =	strace $0x90000049  }
0xbb: {  	s29 =	simm.s32 $0xA;
	_ =	strace $0x8000004B  }
0xbc: {  	_ =	swait.ge [sflag:s29], $0x1  }
0xbd: {  	[sflag:s29] =	ssyncadd.s32 $0xFFFFFFFF  }
0xbe: {  	_ =	strace $0x9000004B  }
0xbf: {  	_ =	sfence  }
0xc0: {  	s30 =	sld [smem:$0x0];
	_ =	sdelay $0x2  }
0xc1: {  	s31 =	sshll.u32 s1, $0xD;
	s1 =	sshrl.u32 s1, $0x2  }
0xc2: {  	s3 =	sand.u32 $0x4000, s31;
	s1 =	sadd.s32 s1, s30  }
0xc3: {  	s0 =	sor.u32 s3, s0;
	s1 =	sshll.u32 s1, $0x11  }
0xc4: {  	s0 =	sor.u32 s1, s0  }
0xc5: {  	s0 =	sadd.s32 $0x8F2B, s0  }
0xc6: {  	[sflag:s0] =	ssyncadd.remote.s32 $0x1  }
0xc7: {  	_ =	sfence.sel $0xFFFF  }
0xc8: {  	[dreg:$0x0] =	wrdreg $0xFFFFFFFF;
	(pc) =	sbr.abs _section_cstart, $3  }
0xc9: {  	[dreg:$0x1] =	wrdreg $0xFFFFFFFF  }
0xca: {  	_ =	task.clear_ibuf [dreg:s9], $0x2FFFF;
	_ =	strace $0x9FFFFFFF  }
0xcb: {  	(tm) =	ssettm $0x7FFFFFFF  }
tec
execute0_lowered:
.L_overlay_start_1:
0x0: {  	(tag) =	ssettag $0x1  }
0x1: {  	s0 =	rddreg [dreg:$0x1]  }
0x2: {  	s1 =	rddreg [dreg:$0x2]  }
0x3: {  	s3 =	rddreg [dreg:$0x3]  }
0x4: {  	s2 =	rddreg [dreg:$0x4];
	s4 =	simm.s32 $0x0  }
0x5: {  	s5 =	srdreg.scid;
	s17 =	stileid.u32;
	s28 =	simm.s32 $0x6720  }
0x6: {  	s29 =	simm.s32 $0x1;
	s30 =	simm.s32 $0x4;
	s31 =	simm.s32 $0x68B0  }
0x7: {  	[smem:$0x7FF] =	sst s4;
	s8 =	sand.u32 $0x1, s5;
	s5 =	sadd.s32 $0x2D600, s0  }
0x8: {  	s9 =	sshll.u32 s17, $0x7;
	s6 =	sadd.s32 $0x19C00, s0;
	s13 =	smul.u32 $0x27000, s17  }
0x9: {  	s10 =	sadd.s32 $0xEA00, s0;
	s11 =	sadd.s32 $0x4C00, s0;
	s15 =	smul.u32 $0x4E20, s17  }
0xa: {  	s24 =	sadd.s32 $0x92400, s2;
	s16 =	smul.u32 $0x13800, s17;
	p1 =	seq.s32 s17, $0xF  }
0xb: {  	_ =	strace $0x8000004A;
	s7 =	sshll.u32 s8, $0xB;
	s22 =	ssub.s32 $0x2, s8  }
0xc: {  	s23 =	sshll.u32 s8, $0x6;
	[dreg:$0x7] =	wrdreg s24;
	p0 =	seq.s32 s8, $0x1  }
0xd: {  	s8 =	sshll.u32 s8, $0x3;
	s9 =	sor.u32 s9, s7;
	s7 =	sadd.s32 $0x18800, s0  }
0xe: {  	s14 =	sshrl.u32 s22, $0x1;
	s13 =	sshrl.u32 s13, $0x2;
	s25 =	sshrl.u32 s15, $0x3  }
0xf: {  	s16 =	sor.u32 s23, s16;
	s20 =	sadd.s32 s8, s3;
	s8 =	simm.s32 $0x6  }
0x10: {  	s12 =	sshll.u32 s9, $0x4;
	s13 =	sadd.s32 s13, s2;
	s18 =	sadd.s32 s10, s25  }
0x11: {  	s15 =	sadd.s32 $0x32, s25;
	s19 =	sadd.s32 s11, s25;
	s9 =	sshrl.u32 s9, $0x3  }
0x12: {  	s21 =	sadd.s32 $0x24900, s20;
	s24 =	sadd.s32 $0x64, s25;
	s25 =	smul.u32 $0x9C4, s17  }
0x13: {  	s0 =	sadd.s32 s12, s0;
	s12 =	ssub.s32 s22, s14;
	[dreg:$0x6] =	wrdreg s13  }
0x14: {  	[dreg:$0x8] =	wrdreg s19;
	s26 =	sadd.s32 s10, s15;
	s1 =	sadd.s32 s1, s9  }
0x15: {  	s19 =	sshrl.u32 s16, $0x3;
	[dreg:$0xd] =	wrdreg s21;
	s23 =	sadd.s32 s11, s15  }
0x16: {  	s21 =	sadd.s32 $0x96, s18;
	s9 =	simm.s32 $0xCEC0;
	[dreg:$0x9] =	wrdreg s26  }
0x17: {  	[dreg:$0xa] =	wrdreg s1;
	s0 =	sadd.s32 $0x41000, s0;
	s22 =	smax.u32 s12, $0x1  }
0x18: {  	[dreg:$0xf] =	wrdreg s23;
	s26 =	sadd.s32 s10, s24;
	s23 =	sadd.s32 s25, s11  }
0x19: {  	s1 =	simm.s32 $0x2;
	s12 =	simm.s32 $0x0;
	[dreg:$0xb] =	wrdreg s0  }
.Ltmp0:
0x1a: {  	s0 =	sadd.s32 s3, s19;
	[dreg:$0xe] =	wrdreg s22;
	(pc) =	sbr.rel .LBB2_1-.Ltmp0, $4  }
0x1b: {  	[dreg:$0x10] =	wrdreg s26;
	s19 =	smov.u32 s18;
	s22 =	sadd.s32 s25, s10  }
0x1c: {  	s25 =	simm.s32 $0x3;
	s26 =	simm.s32 $0x320;
	s3 =	simm.s32 $0xCE40  }
0x1d: {  	[dreg:$0xc] =	wrdreg s0;
	s0 =	sadd.s32 s11, s24;
	s24 =	simm.s32 $0x190  }
0x1e: {  	s11 =	simm.s32 $0x5;
	[dreg:$0x11] =	wrdreg s0;
	s0 =	simm.s32 $0x6A40  }
.LBB2_8:
0x1f: {  	_ =	swait.ge [sflag:s29], $0x6400  }
0x20: {  	[sflag:s29] =	ssyncset.done $0x0  }
0x21: {  	[sflag:s29] =	ssyncadd.s32 $0xFFFF9C00  }
0x22: {  	_ =	swait.ge [sflag:s30], $0x190  }
0x23: {  	[sflag:s30] =	ssyncset.done $0x0  }
0x24: {  	[sflag:s30] =	ssyncadd.s32 $0xFFFFFE70  }
0x25: {  	[spmem:s2] =	stream.indirect.scatter.add.f32 [tilespmem:s0], [sflag:$0x2], $0x40, s31, s24, $0xb8;
	[tilespmem:$0x1AB00] =	vst v63  }
0x26: {  	_ =	swait.ge [sflag:s1], $0x6400  }
0x27: {  	[sflag:s1] =	ssyncset.done $0x0  }
0x28: {  	[sflag:s1] =	ssyncadd.s32 $0xFFFF9C00  }
0x29: {  	_ =	swait.ge [sflag:s1], $0x6400  }
0x2a: {  	[sflag:s1] =	ssyncset.done $0x0  }
0x2b: {  	s15 =	rddreg [dreg:$0xa];
	[sflag:s1] =	ssyncadd.s32 $0xFFFF9C00  }
0x2c: {  	[tilespmem:s3], [sflag:$0x6] =	stream.linear.gather [hbm4b:s15+s4], $0x80, $0x38;
	[tilespmem:$0x1AB00] =	vst v63  }
0x2d: {  	_ =	swait.ge [sflag:s8], $0x80  }
0x2e: {  	[sflag:s8] =	ssyncset.done $0x0  }
0x2f: {  	[sflag:s8] =	ssyncadd.s32 $0xFFFFFF80  }
0x30: {  	s16 =	simm.s32 $0x80;
	s17 =	rddreg [dreg:$0x0]  }
0x31: {  	[tilespmem:s9], [sflag:$0x5] =	stream.indirect.gather [hbm4b:s17+s16], $0x80, s3, s16, $0xb8;
	[tilespmem:$0x1AB00] =	vst v63  }
0x32: {  	_ =	swait.ge [sflag:s11], $0x4000  }
0x33: {  	[sflag:s11] =	ssyncset.done $0x0  }
0x34: {  	s18 =	rddreg [dreg:$0xb];
	[sflag:s11] =	ssyncadd.s32 $0xFFFFC000  }
0x35: {  	[hbm4b:s18+s4] =	stream.linear.scatter [tilespmem:s9], [sflag:$0x6], $0x4000, $0x38;
	[tilespmem:$0x1AB00] =	vst v63  }
0x36: {  	_ =	swait.ge [sflag:s8], $0x4000  }
0x37: {  	[sflag:s8] =	ssyncset.done $0x0  }
0x38: {  	[sflag:s8] =	ssyncadd.s32 $0xFFFFC000  }
0x39: {  	s15 =	simm.s32 @p1 $0x1;
	s16 =	simm.s32 @p1 $0x10;
	[bflag:$0x0] =	sbarrier.arrive $0xFFFF  }
0x3a: {  	s17 =	simm.s32 @p1 $0x8;
	s18 =	simm.s32 @p1 $0x1FC6;
	s20 =	rddreg [dreg:$0xd]  }
0x3b: {  	[hbm:s20@s16], [sflag:s18] =	dma.strided @p1 [spmem:s10@s17], $0x1400, s15, $0x8   }
0x3c: {  	s10 =	simm.s32 @p1 $0x6  }
0x3d: {  	_ =	swait.ge @p1 [sflag:s10], $0x1400  }
0x3e: {  	s15 =	simm.s32 @!p1 $0x10;
	s16 =	simm.s32 @!p1 $0x8;
	[sflag:s10] =	ssyncset.done @p1 $0x0  }
0x3f: {  	s17 =	rddreg [dreg:$0xc];
	[sflag:s10] =	ssyncadd.s32 @p1 $0xFFFFEC00;
	s10 =	simm.s32 @!p1 $0x1  }
0x40: {  	[hbm:s17@s15], [sflag:s13] =	dma.strided @!p1 [spmem:s14@s16], $0x1380, s10, $0x8   }
0x41: {  	s10 =	simm.s32 @!p1 $0x6  }
0x42: {  	_ =	swait.ge @!p1 [sflag:s10], $0x1380  }
0x43: {  	s12 =	sadd.s32 $0x1, s12;
	s20 =	rddreg [dreg:$0xe]  }
0x44: {  	p2 =	sne.s32 s12, s20  }
.Ltmp1:
0x45: {  	_ = 	snop;
	(pc) =	sbr.rel @!p2 .LBB2_9-.Ltmp1, $3  }
0x46: {  	_ =	sdelay $0x1  }
0x47: {  	[sflag:s10] =	ssyncset.done @!p1 $0x0  }
0x48: {  	[sflag:s10] =	ssyncadd.s32 @!p1 $0xFFFFEC80  }
.LBB2_1:
0x49: {  	s10 =	rddreg [dreg:$0x7]  }
0x4a: {  	s13 =	simm.s32 @p1 $0x1FC6;
	s10 =	sshrl.u32 @p1 s10, $0x3  }
0x4b: {  	[spmem:s10], [sflag:s13] =	dma.local @p1 [hbm:s7], $0x1400  }
0x4c: {  	s13 =	simm.s32 @p1 $0x6  }
0x4d: {  	s14 =	stileid.u32;
	_ =	swait.ge @p1 [sflag:s13], $0x1400  }
0x4e: {  	s14 =	sshll.u32 @!p1 s14, $0x6;
	[sflag:s13] =	ssyncset.done @p1 $0x0  }
0x4f: {  	[sflag:s13] =	ssyncadd.s32 @p1 $0xFFFFEC00;
	s13 =	sor.u32 @!p1 $0x1C06, s14;
	s14 =	rddreg [dreg:$0x6]  }
0x50: {  	s15 =	simm.s32 @!p1 $0x6;
	s14 =	sshrl.u32 @!p1 s14, $0x3  }
0x51: {  	[spmem:s14], [sflag:s13] =	dma.local @!p1 [hbm:s7], $0x1380  }
0x52: {  	_ =	swait.ge @!p1 [sflag:s15], $0x1380  }
0x53: {  	[sflag:s15] =	ssyncset.done @!p1 $0x0  }
0x54: {  	[sflag:s15] =	ssyncadd.s32 @!p1 $0xFFFFEC80  }
0x55: {  	[bflag:$0x0] =	sbarrier.arrive $0xFFFF  }
0x56: {  	[tilespmem:s4], [sflag:$0x3] =	stream.linear.gather [hbm4b:s19+s4], $0x190, $0x38;
	[tilespmem:$0x1AB00] =	vst v63  }
.Ltmp2:
0x57: {  	s20 =	rddreg [dreg:$0x8];
	(pc) =	sbr.rel @!p0 .LBB2_2-.Ltmp2, $4  }
0x58: {  	[tilespmem:s24], [sflag:$0x4] =	stream.linear.gather [hbm4b:s20+s4], $0x190, $0x38;
	[tilespmem:$0x1AB00] =	vst v63  }
0x59: {  	_ =	swait.ge [sflag:s25], $0x190  }
0x5a: {  	[sflag:s25] =	ssyncset.done $0x0  }
0x5b: {  	[sflag:s25] =	ssyncadd.s32 $0xFFFFFE70  }
0x5c: {  	[tilespmem:s26], [sflag:$0x1] =	stream.indirect.gather [hbm4b:s6+s24], $0x40, s4, s24, $0xb8;
	[tilespmem:$0x1AB00] =	vst v63  }
0x5d: {  	s15 =	rddreg [dreg:$0x9]  }
0x5e: {  	[tilespmem:s28], [sflag:$0x3] =	stream.linear.gather [hbm4b:s15+s4], $0x190, $0x38;
	[tilespmem:$0x1AB00] =	vst v63  }
0x5f: {  	_ =	swait.ge [sflag:s29], $0x6400  }
0x60: {  	[sflag:s29] =	ssyncset.done $0x0  }
0x61: {  	[sflag:s29] =	ssyncadd.s32 $0xFFFF9C00  }
0x62: {  	_ =	swait.ge [sflag:s30], $0x190  }
0x63: {  	[sflag:s30] =	ssyncset.done $0x0  }
0x64: {  	[sflag:s30] =	ssyncadd.s32 $0xFFFFFE70  }
0x65: {  	[spmem:s2] =	stream.indirect.scatter.add.f32 [tilespmem:s26], [sflag:$0x2], $0x40, s24, s24, $0xb8;
	[tilespmem:$0x1AB00] =	vst v63  }
0x66: {  	s17 =	rddreg [dreg:$0xf]  }
0x67: {  	[tilespmem:s31], [sflag:$0x4] =	stream.linear.gather [hbm4b:s17+s4], $0x190, $0x38;
	[tilespmem:$0x1AB00] =	vst v63  }
0x68: {  	_ =	swait.ge [sflag:s25], $0x190  }
0x69: {  	[sflag:s25] =	ssyncset.done $0x0  }
0x6a: {  	[sflag:s25] =	ssyncadd.s32 $0xFFFFFE70  }
0x6b: {  	[tilespmem:s0], [sflag:$0x1] =	stream.indirect.gather [hbm4b:s6+s24], $0x40, s28, s24, $0xb8;
	[tilespmem:$0x1AB00] =	vst v63  }
0x6c: {  	s18 =	rddreg [dreg:$0x10]  }
0x6d: {  	[tilespmem:s4], [sflag:$0x3] =	stream.linear.gather [hbm4b:s18+s4], $0x190, $0x38;
	[tilespmem:$0x1AB00] =	vst v63  }
0x6e: {  	_ =	swait.ge [sflag:s29], $0x6400  }
0x6f: {  	[sflag:s29] =	ssyncset.done $0x0  }
0x70: {  	[sflag:s29] =	ssyncadd.s32 $0xFFFF9C00  }
0x71: {  	_ =	swait.ge [sflag:s30], $0x190  }
0x72: {  	[sflag:s30] =	ssyncset.done $0x0  }
0x73: {  	[sflag:s30] =	ssyncadd.s32 $0xFFFFFE70  }
0x74: {  	[spmem:s2] =	stream.indirect.scatter.add.f32 [tilespmem:s0], [sflag:$0x2], $0x40, s31, s24, $0xb8;
	[tilespmem:$0x1AB00] =	vst v63  }
0x75: {  	_ =	swait.ge [sflag:s1], $0x6400  }
0x76: {  	[sflag:s1] =	ssyncset.done $0x0  }
0x77: {  	s20 =	rddreg [dreg:$0x11];
	[sflag:s1] =	ssyncadd.s32 $0xFFFF9C00  }
0x78: {  	[tilespmem:s24], [sflag:$0x4] =	stream.linear.gather [hbm4b:s20+s4], $0x190, $0x38;
	[tilespmem:$0x1AB00] =	vst v63  }
0x79: {  	_ =	swait.ge [sflag:s25], $0x190  }
0x7a: {  	[sflag:s25] =	ssyncset.done $0x0  }
0x7b: {  	[sflag:s25] =	ssyncadd.s32 $0xFFFFFE70  }
0x7c: {  	[tilespmem:s26], [sflag:$0x1] =	stream.indirect.gather [hbm4b:s6+s24], $0x40, s4, s24, $0xb8;
	[tilespmem:$0x1AB00] =	vst v63  }
0x7d: {  	s15 =	simm.s32 $0xFFFFF704  }
0x7e: {  	[tilespmem:s28], [sflag:$0x3] =	stream.linear.gather [hbm4b:s21+s4], $0x190, $0x38;
	[tilespmem:$0x1AB00] =	vst v63  }
.LBB2_6:
0x7f: {  	_ =	swait.ge [sflag:s29], $0x6400  }
0x80: {  	[sflag:s29] =	ssyncset.done $0x0  }
0x81: {  	[sflag:s29] =	ssyncadd.s32 $0xFFFF9C00  }
0x82: {  	_ =	swait.ge [sflag:s30], $0x190  }
0x83: {  	[sflag:s30] =	ssyncset.done $0x0  }
0x84: {  	[sflag:s30] =	ssyncadd.s32 $0xFFFFFE70  }
0x85: {  	[spmem:s2] =	stream.indirect.scatter.add.f32 [tilespmem:s26], [sflag:$0x2], $0x40, s24, s24, $0xb8;
	[tilespmem:$0x1AB00] =	vst v63  }
0x86: {  	_ =	swait.ge [sflag:s1], $0x6400  }
0x87: {  	s16 =	sadd.s32 s15, s23;
	[sflag:s1] =	ssyncset.done $0x0  }
0x88: {  	p2 =	seq.s32 s15, $0x0;
	s17 =	sadd.s32 $0x992, s16;
	[sflag:s1] =	ssyncadd.s32 $0xFFFF9C00  }
0x89: {  	[tilespmem:s31], [sflag:$0x4] =	stream.linear.gather [hbm4b:s17+s4], $0x190, $0x38;
	[tilespmem:$0x1AB00] =	vst v63  }
.Ltmp3:
0x8a: {  	_ = 	snop;
	(pc) =	sbr.rel @p2 .LBB2_8-.Ltmp3, $4  }
0x8b: {  	_ =	swait.ge [sflag:s25], $0x190  }
0x8c: {  	[sflag:s25] =	ssyncset.done $0x0  }
0x8d: {  	[sflag:s25] =	ssyncadd.s32 $0xFFFFFE70  }
0x8e: {  	[tilespmem:s0], [sflag:$0x1] =	stream.indirect.gather [hbm4b:s6+s24], $0x40, s28, s24, $0xb8;
	[tilespmem:$0x1AB00] =	vst v63  }
0x8f: {  	s17 =	sadd.s32 s15, s22  }
0x90: {  	s18 =	sadd.s32 $0x9C4, s17  }
0x91: {  	[tilespmem:s4], [sflag:$0x3] =	stream.linear.gather [hbm4b:s18+s4], $0x190, $0x38;
	[tilespmem:$0x1AB00] =	vst v63  }
0x92: {  	_ =	swait.ge [sflag:s29], $0x6400  }
0x93: {  	[sflag:s29] =	ssyncset.done $0x0  }
0x94: {  	[sflag:s29] =	ssyncadd.s32 $0xFFFF9C00  }
0x95: {  	_ =	swait.ge [sflag:s30], $0x190  }
0x96: {  	[sflag:s30] =	ssyncset.done $0x0  }
0x97: {  	[sflag:s30] =	ssyncadd.s32 $0xFFFFFE70  }
0x98: {  	[spmem:s2] =	stream.indirect.scatter.add.f32 [tilespmem:s0], [sflag:$0x2], $0x40, s31, s24, $0xb8;
	[tilespmem:$0x1AB00] =	vst v63  }
0x99: {  	_ =	swait.ge [sflag:s1], $0x6400  }
0x9a: {  	[sflag:s1] =	ssyncset.done $0x0  }
0x9b: {  	s16 =	sadd.s32 $0x9C4, s16;
	[sflag:s1] =	ssyncadd.s32 $0xFFFF9C00  }
0x9c: {  	[tilespmem:s24], [sflag:$0x4] =	stream.linear.gather [hbm4b:s16+s4], $0x190, $0x38;
	[tilespmem:$0x1AB00] =	vst v63  }
0x9d: {  	_ =	swait.ge [sflag:s25], $0x190  }
.Ltmp4:
0x9e: {  	[sflag:s25] =	ssyncset.done $0x0;
	(pc) =	sbr.rel .LBB2_6-.Ltmp4, $4  }
0x9f: {  	[sflag:s25] =	ssyncadd.s32 $0xFFFFFE70  }
0xa0: {  	[tilespmem:s26], [sflag:$0x1] =	stream.indirect.gather [hbm4b:s6+s24], $0x40, s4, s24, $0xb8;
	[tilespmem:$0x1AB00] =	vst v63  }
0xa1: {  	s15 =	sadd.s32 $0x64, s15;
	s20 =	sadd.s32 $0x9F6, s17  }
0xa2: {  	[tilespmem:s28], [sflag:$0x3] =	stream.linear.gather [hbm4b:s20+s4], $0x190, $0x38;
	[tilespmem:$0x1AB00] =	vst v63  }
.LBB2_2:
0xa3: {  	[tilespmem:s26], [sflag:$0x1] =	stream.indirect.gather [hbm4b:s5+s24], $0x40, s4, s24, $0xb8;
	[tilespmem:$0x1AB00] =	vst v63  }
0xa4: {  	s15 =	rddreg [dreg:$0x9]  }
0xa5: {  	[tilespmem:s28], [sflag:$0x3] =	stream.linear.gather [hbm4b:s15+s4], $0x190, $0x38;
	[tilespmem:$0x1AB00] =	vst v63  }
0xa6: {  	_ =	swait.ge [sflag:s29], $0x6400  }
0xa7: {  	[sflag:s29] =	ssyncset.done $0x0  }
0xa8: {  	[sflag:s29] =	ssyncadd.s32 $0xFFFF9C00  }
0xa9: {  	_ =	swait.ge [sflag:s30], $0x190  }
0xaa: {  	[sflag:s30] =	ssyncset.done $0x0  }
0xab: {  	[sflag:s30] =	ssyncadd.s32 $0xFFFFFE70  }
0xac: {  	[spmem:s2] =	stream.indirect.scatter.add.f32 [tilespmem:s26], [sflag:$0x2], $0x40, s24, s24, $0xb8;
	[tilespmem:$0x1AB00] =	vst v63  }
0xad: {  	s17 =	rddreg [dreg:$0xf]  }
0xae: {  	[tilespmem:s31], [sflag:$0x4] =	stream.linear.gather [hbm4b:s17+s4], $0x190, $0x38;
	[tilespmem:$0x1AB00] =	vst v63  }
0xaf: {  	_ =	swait.ge [sflag:s25], $0x190  }
0xb0: {  	[sflag:s25] =	ssyncset.done $0x0  }
0xb1: {  	[sflag:s25] =	ssyncadd.s32 $0xFFFFFE70  }
0xb2: {  	[tilespmem:s0], [sflag:$0x1] =	stream.indirect.gather [hbm4b:s5+s24], $0x40, s28, s24, $0xb8;
	[tilespmem:$0x1AB00] =	vst v63  }
0xb3: {  	s18 =	rddreg [dreg:$0x10]  }
0xb4: {  	[tilespmem:s4], [sflag:$0x3] =	stream.linear.gather [hbm4b:s18+s4], $0x190, $0x38;
	[tilespmem:$0x1AB00] =	vst v63  }
0xb5: {  	_ =	swait.ge [sflag:s29], $0x6400  }
0xb6: {  	[sflag:s29] =	ssyncset.done $0x0  }
0xb7: {  	[sflag:s29] =	ssyncadd.s32 $0xFFFF9C00  }
0xb8: {  	_ =	swait.ge [sflag:s30], $0x190  }
0xb9: {  	[sflag:s30] =	ssyncset.done $0x0  }
0xba: {  	[sflag:s30] =	ssyncadd.s32 $0xFFFFFE70  }
0xbb: {  	[spmem:s2] =	stream.indirect.scatter.add.f32 [tilespmem:s0], [sflag:$0x2], $0x40, s31, s24, $0xb8;
	[tilespmem:$0x1AB00] =	vst v63  }
0xbc: {  	_ =	swait.ge [sflag:s1], $0x6400  }
0xbd: {  	[sflag:s1] =	ssyncset.done $0x0  }
0xbe: {  	s20 =	rddreg [dreg:$0x11];
	[sflag:s1] =	ssyncadd.s32 $0xFFFF9C00  }
0xbf: {  	[tilespmem:s24], [sflag:$0x4] =	stream.linear.gather [hbm4b:s20+s4], $0x190, $0x38;
	[tilespmem:$0x1AB00] =	vst v63  }
0xc0: {  	_ =	swait.ge [sflag:s25], $0x190  }
0xc1: {  	[sflag:s25] =	ssyncset.done $0x0  }
0xc2: {  	[sflag:s25] =	ssyncadd.s32 $0xFFFFFE70  }
0xc3: {  	[tilespmem:s26], [sflag:$0x1] =	stream.indirect.gather [hbm4b:s5+s24], $0x40, s4, s24, $0xb8;
	[tilespmem:$0x1AB00] =	vst v63  }
0xc4: {  	s15 =	simm.s32 $0xFFFFF704  }
0xc5: {  	[tilespmem:s28], [sflag:$0x3] =	stream.linear.gather [hbm4b:s21+s4], $0x190, $0x38;
	[tilespmem:$0x1AB00] =	vst v63  }
.LBB2_3:
0xc6: {  	_ =	swait.ge [sflag:s29], $0x6400  }
0xc7: {  	[sflag:s29] =	ssyncset.done $0x0  }
0xc8: {  	[sflag:s29] =	ssyncadd.s32 $0xFFFF9C00  }
0xc9: {  	_ =	swait.ge [sflag:s30], $0x190  }
0xca: {  	[sflag:s30] =	ssyncset.done $0x0  }
0xcb: {  	[sflag:s30] =	ssyncadd.s32 $0xFFFFFE70  }
0xcc: {  	[spmem:s2] =	stream.indirect.scatter.add.f32 [tilespmem:s26], [sflag:$0x2], $0x40, s24, s24, $0xb8;
	[tilespmem:$0x1AB00] =	vst v63  }
0xcd: {  	_ =	swait.ge [sflag:s1], $0x6400  }
0xce: {  	s16 =	sadd.s32 s15, s23;
	[sflag:s1] =	ssyncset.done $0x0  }
0xcf: {  	p2 =	seq.s32 s15, $0x0;
	s17 =	sadd.s32 $0x992, s16;
	[sflag:s1] =	ssyncadd.s32 $0xFFFF9C00  }
0xd0: {  	[tilespmem:s31], [sflag:$0x4] =	stream.linear.gather [hbm4b:s17+s4], $0x190, $0x38;
	[tilespmem:$0x1AB00] =	vst v63  }
.Ltmp5:
0xd1: {  	_ = 	snop;
	(pc) =	sbr.rel @p2 .LBB2_8-.Ltmp5, $4  }
0xd2: {  	_ =	swait.ge [sflag:s25], $0x190  }
0xd3: {  	[sflag:s25] =	ssyncset.done $0x0  }
0xd4: {  	[sflag:s25] =	ssyncadd.s32 $0xFFFFFE70  }
0xd5: {  	[tilespmem:s0], [sflag:$0x1] =	stream.indirect.gather [hbm4b:s5+s24], $0x40, s28, s24, $0xb8;
	[tilespmem:$0x1AB00] =	vst v63  }
0xd6: {  	s17 =	sadd.s32 s15, s22  }
0xd7: {  	s18 =	sadd.s32 $0x9C4, s17  }
0xd8: {  	[tilespmem:s4], [sflag:$0x3] =	stream.linear.gather [hbm4b:s18+s4], $0x190, $0x38;
	[tilespmem:$0x1AB00] =	vst v63  }
0xd9: {  	_ =	swait.ge [sflag:s29], $0x6400  }
0xda: {  	[sflag:s29] =	ssyncset.done $0x0  }
0xdb: {  	[sflag:s29] =	ssyncadd.s32 $0xFFFF9C00  }
0xdc: {  	_ =	swait.ge [sflag:s30], $0x190  }
0xdd: {  	[sflag:s30] =	ssyncset.done $0x0  }
0xde: {  	[sflag:s30] =	ssyncadd.s32 $0xFFFFFE70  }
0xdf: {  	[spmem:s2] =	stream.indirect.scatter.add.f32 [tilespmem:s0], [sflag:$0x2], $0x40, s31, s24, $0xb8;
	[tilespmem:$0x1AB00] =	vst v63  }
0xe0: {  	_ =	swait.ge [sflag:s1], $0x6400  }
0xe1: {  	[sflag:s1] =	ssyncset.done $0x0  }
0xe2: {  	s16 =	sadd.s32 $0x9C4, s16;
	[sflag:s1] =	ssyncadd.s32 $0xFFFF9C00  }
0xe3: {  	[tilespmem:s24], [sflag:$0x4] =	stream.linear.gather [hbm4b:s16+s4], $0x190, $0x38;
	[tilespmem:$0x1AB00] =	vst v63  }
0xe4: {  	_ =	swait.ge [sflag:s25], $0x190  }
.Ltmp6:
0xe5: {  	[sflag:s25] =	ssyncset.done $0x0;
	(pc) =	sbr.rel .LBB2_3-.Ltmp6, $4  }
0xe6: {  	[sflag:s25] =	ssyncadd.s32 $0xFFFFFE70  }
0xe7: {  	[tilespmem:s26], [sflag:$0x1] =	stream.indirect.gather [hbm4b:s5+s24], $0x40, s4, s24, $0xb8;
	[tilespmem:$0x1AB00] =	vst v63  }
0xe8: {  	s15 =	sadd.s32 $0x64, s15;
	s20 =	sadd.s32 $0x9F6, s17  }
0xe9: {  	[tilespmem:s28], [sflag:$0x3] =	stream.linear.gather [hbm4b:s20+s4], $0x190, $0x38;
	[tilespmem:$0x1AB00] =	vst v63  }
.LBB2_9:
0xea: {  	_ =	sfence.sel $0x180000  }
0xeb: {  	[bflag:$0x0] =	sbarrier.arrive $0xFFFF  }
0xec: {  	_ =	strace $0x9000004A  }
0xed: {  	s0 =	stileid.u32;
	[bflag:$0x2] =	sbarrier.arrive $0xFFFF  }
0xee: {  	p0 =	sne.s32 s0, $0x0;
	s0 =	rddreg [dreg:$0x5]  }
0xef: {  	s0 =	sadd.s32 @!p0 $0x100000, s0  }
0xf0: {  	[sflag:s0] =	ssyncadd.tile.s32 @!p0 $0x1;
	_ =	shalt  }
.Lfunc_end2:
_tile_overlayer_lowered:
.L_overlay_start_2:
0xf1: {  	(tag) =	ssettag $0x2  }
0xf2: {  	s0 =	rddreg [dreg:$0x0];
	s2 =	stileid.u32  }
0xf3: {  	s1 =	rddreg [dreg:$0x1];
	p0 =	sne.s32 s2, $0x0  }
0xf4: {  	s3 =	rddreg [dreg:$0x2];
	[bflag:$0x3] =	sbarrier.arrive $0xFFFF;
	s2 =	simm.s32 @!p0 $0x1C06  }
0xf5: {  	[timem:s3], [sflag:s2] =	dma.local @!p0 [hbm:s0], s1  }
0xf6: {  	s0 =	simm.s32 @!p0 $0x6  }
0xf7: {  	_ =	swait.ge @!p0 [sflag:s0], s1  }
0xf8: {  	s1 =	ssub.s32 @!p0 $0x0, s1;
	[sflag:s0] =	ssyncset.done @!p0 $0x0  }
0xf9: {  	[sflag:s0] =	ssyncadd.s32 @!p0 s1  }
0xfa: {  	[bflag:$0x3] =	sbarrier.arrive $0xFFFF  }
0xfb: {  	_ =	shalt  }

// kernel: kernel.19.cloned.1.call-start
scs
__scs_entry_jumppad:
0x0: {  	(pc) =	sbr.rel $0x88, $3  }
0x1: {  	(tag) =	ssettag $0x0;
	lr =	simm.s32 $0x1  }
0x2: {  	[smem:$0x3F91] =	sst lr;
	_ =	strace $0xD0000000  }
0x3: {  	_ = 	snop  }
0x4: {  	_ = 	snop  }
0x5: {  	_ = 	snop  }
0x6: {  	_ = 	snop  }
0x7: {  	_ = 	snop  }
__scs_overlays_trampoline_lowered:
0x8: {  	[smem:$0x3FA0] =	sst s0  }
0x9: {  	[smem:$0x3FA1] =	sst s1  }
0xa: {  	[smem:$0x3FA2] =	sst s2  }
0xb: {  	[smem:$0x3FA3] =	sst s3  }
0xc: {  	[smem:$0x3FA4] =	sst s4  }
0xd: {  	[smem:$0x3FA5] =	sst s5  }
0xe: {  	[smem:$0x3FA6] =	sst s6  }
0xf: {  	[smem:$0x3FA7] =	sst s7  }
0x10: {  	[smem:$0x3FA8] =	sst s8  }
0x11: {  	[smem:$0x3FA9] =	sst s9;
	s0 =	simm.s32 @!p0 $0x0  }
0x12: {  	s1 =	sld [smem:$0x3F8F];
	s0 =	simm.s32 @p0 $0x1  }
0x13: {  	[smem:$0x3FAA] =	sst s0;
	s0 =	simm.s32 @!p1 $0x0  }
0x14: {  	s2 =	sld [smem:$0x3F8E];
	s0 =	simm.s32 @p1 $0x1  }
0x15: {  	[smem:$0x3FAB] =	sst s0;
	s0 =	simm.s32 @!p2 $0x0  }
0x16: {  	s3 =	sld [smem:$0x3FDB];
	s0 =	simm.s32 @p2 $0x1  }
0x17: {  	s4 =	simm.s32 $0x1BF5;
	[smem:$0x3FAD] =	sst s0  }
0x18: {  	s0 =	sld [smem:$0x3F90];
	_ =	swait.ge [sflag:s4], $0x0  }
0x19: {  	s7 =	sld [smem:$0x3F91]  }
0x1a: {  	s8 =	sadd.s32 $0xFFFFE003, lr  }
0x1b: {  	s9 =	sadd.s32 $0xFFFFFEF7, lr;
	s5 =	simm.s32 $0xFFFFFFFF;
	p2 =	slt.u32 s8, $0xFFFFF086  }
0x1c: {  	p1 =	slt.u32 s9, $0xF7A;
	s5 =	simm.s32 @!p2 $0x0  }
0x1d: {  	s5 =	simm.s32 @p1 $0x1;
	p0 =	seq.s32 s7, s2  }
0x1e: {  	s7 =	smul.u32 @!p0 $0xF7A, s2;
	p2 =	seq.s32 @!p0 s5, $0x0  }
0x1f: {  	s9 =	smul.u32 $0xF7A, s1;
	s8 =	simm.s32 @!p0 $0x1BF5;
	p2 =	por !p2, p0  }
0x20: {  	[sflag:s8] =	ssyncset.s32 @!p0 $0xFFFFF086;
	s6 =	sadd.s32 @!p0 s3, s7;
	s7 =	simm.s32 @!p0 $0x108  }
0x21: {  	s3 =	sadd.s32 s3, s9;
	s6 =	sadd.s32 @!p0 $0x88, s6;
	s7 =	simm.s32 @p2 $0x1082  }
0x22: {  	[simem:s7], [sflag:s8] =	dma.local @!p0 [hbm:s6], $0xF7A  }
0x23: {  	s9 =	sor.u32 $0xD0000000, s2;
	s6 =	simm.s32 $0x108;
	_ =	swait.ge @!p0 [sflag:s8], $0x0  }
0x24: {  	s3 =	sadd.s32 $0x88, s3;
	s6 =	simm.s32 @!p1 $0x1082;
	[sflag:s4] =	ssyncset.s32 $0xFFFFF086  }
0x25: {  	[simem:s6], [sflag:s4] =	dma.local [hbm:s3], $0xF7A  }
0x26: {  	[smem:$0x3F91] =	sst s1;
	(tag) =	ssettag s2;
	_ =	strace s9  }
0x27: {  	s1 =	sld [smem:$0x3FA1]  }
0x28: {  	s2 =	sld [smem:$0x3FA2]  }
0x29: {  	s4 =	sld [smem:$0x3FA4]  }
0x2a: {  	p0 =	seq.s32 s5, $0x0;
	s5 =	sld [smem:$0x3FA5]  }
0x2b: {  	s6 =	sld [smem:$0x3FA6]  }
0x2c: {  	s7 =	sld [smem:$0x3FA7]  }
0x2d: {  	s3 =	simm.s32 $0x108;
	s8 =	sld [smem:$0x3FA8]  }
0x2e: {  	s3 =	simm.s32 @!p0 $0x1082;
	s9 =	sld [smem:$0x3FA9]  }
0x2f: {  	lr =	sadd.s32 s0, s3;
	s0 =	sld [smem:$0x3FA0]  }
0x30: {  	s3 =	sld [smem:$0x3FA3]  }
0x31: {  	[smem:$0x3FAC] =	sst s10  }
0x32: {  	s10 =	sld [smem:$0x3FAA];
	_ =	sdelay $0x3  }
0x33: {  	p0 =	seq.s32 s10, $0x1;
	s10 =	sld [smem:$0x3FAC];
	_ =	sdelay $0x3  }
0x34: {  	[smem:$0x3FAC] =	sst s10  }
0x35: {  	s10 =	sld [smem:$0x3FAB];
	_ =	sdelay $0x3  }
0x36: {  	p1 =	seq.s32 s10, $0x1;
	s10 =	sld [smem:$0x3FAC];
	_ =	sdelay $0x3  }
0x37: {  	[smem:$0x3FAC] =	sst s10  }
0x38: {  	s10 =	sld [smem:$0x3FAD]  }
0x39: {  	_ = 	snop;
	(pc) =	sbr.ind lr, $3  }
0x3a: {  	_ = 	snop  }
0x3b: {  	_ = 	snop  }
0x3c: {  	p2 =	seq.s32 s10, $0x1;
	s10 =	sld [smem:$0x3FAC]  }
0x3d: {  	_ =	shalt  }
0x3e: {  	_ =	shalt  }
0x3f: {  	_ =	shalt  }
0x40: {  	_ =	shalt  }
0x41: {  	_ =	shalt  }
0x42: {  	_ =	shalt  }
0x43: {  	_ =	shalt  }
0x44: {  	_ =	shalt  }
0x45: {  	_ =	shalt  }
0x46: {  	_ =	shalt  }
0x47: {  	_ =	shalt  }
0x48: {  	_ =	shalt  }
0x49: {  	_ =	shalt  }
0x4a: {  	_ =	shalt  }
0x4b: {  	_ =	shalt  }
0x4c: {  	_ =	shalt  }
0x4d: {  	_ =	shalt  }
0x4e: {  	_ =	shalt  }
0x4f: {  	_ =	shalt  }
0x50: {  	_ =	shalt  }
0x51: {  	_ =	shalt  }
0x52: {  	_ =	shalt  }
0x53: {  	_ =	shalt  }
0x54: {  	_ =	shalt  }
0x55: {  	_ =	shalt  }
0x56: {  	_ =	shalt  }
0x57: {  	_ =	shalt  }
0x58: {  	_ =	shalt  }
0x59: {  	_ =	shalt  }
0x5a: {  	_ =	shalt  }
0x5b: {  	_ =	shalt  }
0x5c: {  	_ =	shalt  }
0x5d: {  	_ =	shalt  }
0x5e: {  	_ =	shalt  }
0x5f: {  	_ =	shalt  }
0x60: {  	_ =	shalt  }
0x61: {  	_ =	shalt  }
0x62: {  	_ =	shalt  }
0x63: {  	_ =	shalt  }
0x64: {  	_ =	shalt  }
0x65: {  	_ =	shalt  }
0x66: {  	_ =	shalt  }
0x67: {  	_ =	shalt  }
0x68: {  	_ =	shalt  }
0x69: {  	_ =	shalt  }
0x6a: {  	_ =	shalt  }
0x6b: {  	_ =	shalt  }
0x6c: {  	_ =	shalt  }
0x6d: {  	_ =	shalt  }
0x6e: {  	_ =	shalt  }
0x6f: {  	_ =	shalt  }
0x70: {  	_ =	shalt  }
0x71: {  	_ =	shalt  }
0x72: {  	_ =	shalt  }
0x73: {  	_ =	shalt  }
0x74: {  	_ =	shalt  }
0x75: {  	_ =	shalt  }
0x76: {  	_ =	shalt  }
0x77: {  	_ =	shalt  }
0x78: {  	_ =	shalt  }
0x79: {  	_ =	shalt  }
0x7a: {  	_ =	shalt  }
0x7b: {  	_ =	shalt  }
0x7c: {  	_ =	shalt  }
0x7d: {  	_ =	shalt  }
0x7e: {  	_ =	shalt  }
0x7f: {  	_ =	shalt  }
0x80: {  	_ =	shalt  }
0x81: {  	_ =	shalt  }
0x82: {  	_ =	shalt  }
0x83: {  	_ =	shalt  }
0x84: {  	_ =	shalt  }
0x85: {  	_ =	shalt  }
0x86: {  	_ =	shalt  }
0x87: {  	_ =	shalt  }
.Lfunc_end0:
.L_simem_size_0:
called_computation.3_lowered:
.L_overlay_start_0:
0x88: {  	s2 =	sld [smem:$0x3FD9]  }
0x89: {  	s3 =	sld [smem:$0x3FFE];
	_ =	sdelay $0x1  }
0x8a: {  	s1 =	srdreg.scid  }
0x8b: {  	s0 =	sand.u32 $0x1, s1  }
0x8c: {  	s15 =	sshll.u32 s0, $0xA;
	s2 =	sadd.s32 s3, s2  }
0x8d: {  	s2 =	sadd.s32 s2, s15  }
0x8e: {  	[smem:$0x3FB8] =	sst s2  }
0x8f: {  	_ = 	snop  }
0x90: {  	s16 =	sld [smem:$0x3FD0];
	_ =	sdelay $0x2  }
0x91: {  	s4 =	simm.s32 $0xB;
	s5 =	simm.s32 $0x10;
	s2 =	sld [smem:$0x3FC9]  }
0x92: {  	[smem:s5], [sflag:s4] =	dma.local [hbm:s16], $0x1  }
0x93: {  	_ =	swait.eq [sflag:s4], $0x1  }
0x94: {  	[sflag:s4] =	ssyncset.done $0x0  }
0x95: {  	[sflag:s4] =	ssyncadd.s32 $0xFFFFFFFF  }
0x96: {  	s17 =	sld [smem:$0x10];
	(tm) =	ssettm $0x1  }
0x97: {  	s18 =	sld [smem:$0x3FFB];
	_ =	sdelay $0x3  }
0x98: {  	_ =	strace s18  }
0x99: {  	s3 =	sld [smem:$0x3FFC];
	_ =	sdelay $0x3  }
0x9a: {  	_ =	strace s3  }
0x9b: {  	s3 =	sld [smem:$0x3FFD];
	_ =	sdelay $0x3  }
0x9c: {  	_ =	strace s3  }
0x9d: {  	_ =	strace $0x8FFFFFFF  }
0x9e: {  	s19 =	sld [smem:$0x3FDB];
	_ =	sdelay $0x1  }
0x9f: {  	s20 =	simm.s32 $_scs_section_size  }
0xa0: {  	s6 =	simm.s32 $_size__tile_overlayer_lowered;
	s7 =	simm.s32 $_tile_overlayer_lowered  }
0xa1: {  	s8 =	simm.s32 $0x1BFF;
	s21 =	sshll.u32 s7, $0x1;
	s5 =	sadd.s32 s20, s19  }
0xa2: {  	s22 =	simm.s32 $0x0;
	s6 =	sshll.u32 s6, $0x1;
	s7 =	sadd.s32 s21, s5  }
0xa3: {  	[timem:s22], [sflag:s8] =	dma.local [hbm:s7], s6  }
0xa4: {  	_ =	swait.ge [sflag:s8], s6  }
0xa5: {  	s6 =	ssub.s32 $0x0, s6;
	[sflag:s8] =	ssyncset.done $0x0  }
0xa6: {  	[sflag:s8] =	ssyncadd.s32 s6;
	_ =	sdelay $0x1  }
0xa7: {  	s23 =	simm.s32 $0x1B8B  }
0xa8: {  	_ =	swait.ge [sflag:s23], $0x1  }
0xa9: {  	[sflag:s23] =	ssyncset.done $0x0  }
0xaa: {  	[sflag:s23] =	ssyncadd.s32 $0xFFFFFFFF  }
0xab: {  	s6 =	sld [smem:$0x0]  }
0xac: {  	s7 =	sand.u32 $0xFFFFFFFE, s1  }
0xad: {  	p0 =	sne.s32 s1, s7  }
0xae: {  	s7 =	sshll.u32 @p0 s7, $0xE  }
0xaf: {  	s7 =	sadd.s32 @p0 $0x11B8D, s7;
	s8 =	sshll.u32 @p0 s6, $0x11  }
0xb0: {  	s7 =	sor.u32 @p0 s8, s7  }
0xb1: {  	[sflag:s7] =	ssyncadd.remote.s32 @p0 $0x1;
	_ =	sdelay $0x1  }
0xb2: {  	s7 =	simm.s32 @p0 $0x1B8D  }
0xb3: {  	_ =	swait.eq @p0 [sflag:s7], $0x1  }
0xb4: {  	[sflag:s7] =	ssyncadd.s32 @p0 $0xFFFFFFFF  }
0xb5: {  	s8 =	sshll.u32 @!p0 s1, $0xE  }
0xb6: {  	s8 =	sor.u32 @!p0 $0x4000, s8;
	s7 =	simm.s32 @!p0 $0x1B8D  }
0xb7: {  	s6 =	sshll.u32 @!p0 s6, $0x11;
	s8 =	sadd.s32 @!p0 $0x11B8D, s8;
	_ =	swait.eq @!p0 [sflag:s7], $0x1  }
0xb8: {  	s6 =	sor.u32 @!p0 s6, s8;
	[sflag:s7] =	ssyncadd.s32 @!p0 $0xFFFFFFFF  }
0xb9: {  	s25 =	simm.s32 $0x1B8E;
	s24 =	sld [smem:$0x3FFE];
	[sflag:s6] =	ssyncadd.remote.s32 @!p0 $0x1  }
0xba: {  	s26 =	simm.s32 $execute0_lowered;
	[smem:$0x3FD2] =	sst s25  }
0xbb: {  	s7 =	sshll.u32 s26, $0x1;
	_ =	strace $0x8000004F;
	[dreg:$0x1] =	wrdreg $0xFFFFFFFF  }
0xbc: {  	s28 =	simm.s32 $_size_execute0_lowered;
	s5 =	sadd.s32 s5, s7;
	[dreg:$0x0] =	wrdreg $0x0  }
0xbd: {  	s7 =	sshll.u32 s28, $0x1;
	[dreg:$0x2] =	wrdreg s5  }
0xbe: {  	[dreg:$0x3] =	wrdreg s7  }
0xbf: {  	[dreg:$0x4] =	wrdreg $0xC0  }
0xc0: {  	_ =	task [dreg:s22], $0x5FFFF  }
0xc1: {  	[dreg:$0x1] =	wrdreg $0xFFFFFFFF  }
0xc2: {  	[dreg:$0x0] =	wrdreg $0x60  }
0xc3: {  	[dreg:$0x2] =	wrdreg s17  }
0xc4: {  	[dreg:$0x3] =	wrdreg s2  }
0xc5: {  	[dreg:$0x4] =	wrdreg s24  }
0xc6: {  	[dreg:$0x5] =	wrdreg $0xA  }
0xc7: {  	_ =	task.clear_ibuf [dreg:s22], $0x6FFFF;
	_ =	strace $0x9000004F  }
0xc8: {  	s29 =	simm.s32 $0xA;
	_ =	strace $0x80000051  }
0xc9: {  	_ =	swait.ge [sflag:s29], $0x1  }
0xca: {  	[sflag:s29] =	ssyncadd.s32 $0xFFFFFFFF  }
0xcb: {  	_ =	strace $0x90000051  }
0xcc: {  	_ =	sfence  }
0xcd: {  	s30 =	sld [smem:$0x0];
	_ =	sdelay $0x2  }
0xce: {  	s31 =	sshll.u32 s1, $0xD;
	s1 =	sshrl.u32 s1, $0x2  }
0xcf: {  	s4 =	sand.u32 $0x4000, s31;
	s1 =	sadd.s32 s1, s30  }
0xd0: {  	s0 =	sor.u32 s4, s0;
	s1 =	sshll.u32 s1, $0x11  }
0xd1: {  	s0 =	sor.u32 s1, s0  }
0xd2: {  	s0 =	sadd.s32 $0x8F2B, s0  }
0xd3: {  	[sflag:s0] =	ssyncadd.remote.s32 $0x1  }
0xd4: {  	_ =	sfence.sel $0xFFFF  }
0xd5: {  	[dreg:$0x0] =	wrdreg $0xFFFFFFFF;
	(pc) =	sbr.abs _section_cstart, $3  }
0xd6: {  	[dreg:$0x1] =	wrdreg $0xFFFFFFFF  }
0xd7: {  	_ =	task.clear_ibuf [dreg:s22], $0x2FFFF;
	_ =	strace $0x9FFFFFFF  }
0xd8: {  	(tm) =	ssettm $0x7FFFFFFF  }
0xd9: {  	_ =	shalt  }
tec
execute0_lowered:
.L_overlay_start_1:
0x0: {  	(tag) =	ssettag $0x1  }
0x1: {  	s1 =	rddreg [dreg:$0x0];
	s2 =	srdreg.scid  }
0x2: {  	s4 =	rddreg [dreg:$0x1];
	s0 =	stileid.u32  }
0x3: {  	s8 =	rddreg [dreg:$0x2];
	s3 =	simm.s32 $0x0;
	s6 =	sand.u32 $0x1, s2  }
0x4: {  	s7 =	sshll.u32 s0, $0x7;
	s2 =	rddreg [dreg:$0x3];
	s5 =	sshll.u32 s6, $0xB  }
0x5: {  	[smem:$0x7FF] =	sst s3;
	s9 =	sor.u32 s7, s5  }
0x6: {  	_ =	strace $0x80000050;
	s10 =	ssub.s32 $0x2, s6;
	s5 =	sshrl.u32 s9, $0x3  }
0x7: {  	s6 =	simm.s32 $0x80;
	s5 =	sadd.s32 s4, s5;
	s4 =	simm.s32 $0x2  }
0x8: {  	[tilespmem:s3], [sflag:$0x2] =	stream.linear.gather [hbm4b:s5+s3], $0x80, $0x38;
	[tilespmem:$0x4080] =	vst v63  }
0x9: {  	s7 =	simm.s32 $0x1;
	s11 =	sshrl.u32 s10, $0x1;
	_ =	swait.ge [sflag:s4], $0x80  }
0xa: {  	s9 =	sshll.u32 s9, $0x4;
	s31 =	ssub.s32 s10, s11;
	[sflag:s4] =	ssyncset.done $0x0  }
0xb: {  	s8 =	sadd.s32 s9, s8;
	s9 =	smax.u32 s31, $0x1;
	[sflag:s4] =	ssyncadd.s32 $0xFFFFFF80  }
0xc: {  	[tilespmem:s6], [sflag:$0x1] =	stream.indirect.gather [hbm4b:s1+s6], $0x80, s3, s6, $0xb8;
	[tilespmem:$0x4080] =	vst v63  }
0xd: {  	p0 =	sne.s32 s9, $0x1;
	_ =	swait.ge [sflag:s7], $0x4000  }
.Ltmp0:
0xe: {  	[sflag:s7] =	ssyncset.done $0x0;
	(pc) =	sbr.rel @!p0 .LBB2_2-.Ltmp0, $4  }
0xf: {  	s8 =	sadd.s32 $0x4C00, s8;
	[sflag:s7] =	ssyncadd.s32 $0xFFFFC000  }
0x10: {  	[hbm4b:s8+s3] =	stream.linear.scatter [tilespmem:s6], [sflag:$0x2], $0x4000, $0x38;
	[tilespmem:$0x4080] =	vst v63  }
0x11: {  	_ =	swait.ge [sflag:s4], $0x4000  }
0x12: {  	s9 =	sadd.s32 $0xFFFFFFFF, s9;
	[sflag:s4] =	ssyncset.done $0x0  }
.LBB2_1:
0x13: {  	p0 =	sne.s32 s9, $0x1;
	s9 =	sadd.s32 $0xFFFFFFFF, s9;
	[sflag:s4] =	ssyncadd.s32 $0xFFFFC000  }
0x14: {  	[tilespmem:s3], [sflag:$0x2] =	stream.linear.gather [hbm4b:s5+s3], $0x80, $0x38;
	[tilespmem:$0x4080] =	vst v63  }
0x15: {  	_ =	swait.ge [sflag:s4], $0x80  }
0x16: {  	[sflag:s4] =	ssyncset.done $0x0  }
0x17: {  	[sflag:s4] =	ssyncadd.s32 $0xFFFFFF80  }
0x18: {  	[tilespmem:s6], [sflag:$0x1] =	stream.indirect.gather [hbm4b:s1+s6], $0x80, s3, s6, $0xb8;
	[tilespmem:$0x4080] =	vst v63  }
0x19: {  	_ =	swait.ge [sflag:s7], $0x4000  }
.Ltmp1:
0x1a: {  	[sflag:s7] =	ssyncset.done $0x0;
	(pc) =	sbr.rel @p0 .LBB2_1-.Ltmp1, $4  }
0x1b: {  	[sflag:s7] =	ssyncadd.s32 $0xFFFFC000  }
0x1c: {  	[hbm4b:s8+s3] =	stream.linear.scatter [tilespmem:s6], [sflag:$0x2], $0x4000, $0x38;
	[tilespmem:$0x4080] =	vst v63  }
0x1d: {  	_ =	swait.ge [sflag:s4], $0x4000  }
0x1e: {  	[sflag:s4] =	ssyncset.done $0x0  }
.LBB2_2:
0x1f: {  	[sflag:s4] =	ssyncadd.s32 $0xFFFFC000  }
0x20: {  	_ =	sfence.sel $0x180000  }
0x21: {  	[bflag:$0x0] =	sbarrier.arrive $0xFFFF  }
0x22: {  	p0 =	sne.s32 s0, $0x0;
	_ =	strace $0x90000050  }
0x23: {  	s0 =	sadd.s32 @!p0 $0x100000, s2;
	[bflag:$0x2] =	sbarrier.arrive $0xFFFF  }
0x24: {  	[sflag:s0] =	ssyncadd.tile.s32 @!p0 $0x1;
	_ =	shalt  }
.Lfunc_end2:
_tile_overlayer_lowered:
.L_overlay_start_2:
0x25: {  	(tag) =	ssettag $0x2  }
0x26: {  	s0 =	rddreg [dreg:$0x0];
	s2 =	stileid.u32  }
0x27: {  	s1 =	rddreg [dreg:$0x1];
	p0 =	sne.s32 s2, $0x0  }
0x28: {  	s3 =	rddreg [dreg:$0x2];
	[bflag:$0x3] =	sbarrier.arrive $0xFFFF;
	s2 =	simm.s32 @!p0 $0x1C02  }
0x29: {  	[timem:s3], [sflag:s2] =	dma.local @!p0 [hbm:s0], s1  }
0x2a: {  	s0 =	simm.s32 @!p0 $0x2  }
0x2b: {  	_ =	swait.ge @!p0 [sflag:s0], s1  }
0x2c: {  	s1 =	ssub.s32 @!p0 $0x0, s1;
	[sflag:s0] =	ssyncset.done @!p0 $0x0  }
0x2d: {  	[sflag:s0] =	ssyncadd.s32 @!p0 s1  }
0x2e: {  	[bflag:$0x3] =	sbarrier.arrive $0xFFFF  }
0x2f: {  	_ =	shalt  }

</sc_bundles>
